<compile_context>
chip_gen: v7x
topology: tpu7x:2x2x1
jax: 0.10.2.dev20260603
libtpu: 0.0.44.dev20260713+nightly
codegen_flags: <defaults>
</compile_context>

<pallas_src>
import functools

import jax
import jax.numpy as jnp
from jax.experimental import pallas as pl
from jax.experimental.pallas import tpu as pltpu
from jax.experimental.pallas import tpu_sc as plsc

_NET = [
    (0, 1, True, True), (2, 3, True, True), (4, 5, True, True), (6, 7, True, True), (8, 9, True, True), (10, 11, True, True), (12, 13, True, True), (14, 15, True, True),
    (16, 17, True, True), (18, 19, True, True), (20, 21, True, True), (22, 23, True, True), (24, 25, True, True), (26, 27, True, True), (28, 29, True, True), (30, 31, True, True),
    (0, 2, True, True), (1, 3, True, True), (4, 6, True, True), (5, 7, True, True), (8, 10, True, True), (9, 11, True, True), (12, 14, True, True), (13, 15, True, True),
    (16, 18, True, True), (17, 19, True, True), (20, 22, True, True), (21, 23, True, True), (24, 26, True, True), (25, 27, True, True), (28, 30, True, True), (29, 31, True, True),
    (1, 2, True, True), (5, 6, True, True), (9, 10, True, True), (13, 14, True, True), (17, 18, True, True), (21, 22, True, True), (25, 26, True, True), (29, 30, True, True),
    (0, 4, True, True), (1, 5, True, True), (2, 6, True, True), (3, 7, True, True), (8, 12, True, True), (9, 13, True, True), (10, 14, True, True), (11, 15, True, True),
    (16, 20, True, True), (17, 21, True, True), (18, 22, True, True), (19, 23, True, True), (24, 28, True, True), (25, 29, True, True), (26, 30, True, True), (27, 31, True, True),
    (2, 4, True, True), (3, 5, True, True), (10, 12, True, True), (11, 13, True, True), (18, 20, True, True), (19, 21, True, True), (26, 28, True, True), (27, 29, True, True),
    (1, 2, True, True), (3, 4, True, True), (5, 6, True, True), (9, 10, True, True), (11, 12, True, True), (13, 14, True, True), (17, 18, True, True), (19, 20, True, True),
    (21, 22, True, True), (25, 26, True, True), (27, 28, True, True), (29, 30, True, True), (0, 8, True, True), (1, 9, True, True), (2, 10, True, True), (3, 11, True, True),
    (4, 12, True, True), (5, 13, True, True), (6, 14, True, True), (7, 15, True, True), (16, 24, True, True), (17, 25, True, True), (18, 26, True, True), (19, 27, True, True),
    (20, 28, True, True), (21, 29, True, True), (22, 30, True, True), (23, 31, True, True), (4, 8, True, True), (5, 9, True, True), (6, 10, True, True), (7, 11, True, True),
    (20, 24, True, True), (21, 25, True, True), (22, 26, True, True), (23, 27, True, True), (2, 4, True, True), (3, 5, True, True), (6, 8, True, True), (7, 9, True, True),
    (10, 12, True, True), (11, 13, True, True), (18, 20, True, True), (19, 21, True, True), (22, 24, True, True), (23, 25, True, True), (26, 28, True, True), (27, 29, True, True),
    (1, 2, True, True), (3, 4, True, True), (5, 6, True, True), (7, 8, True, True), (9, 10, True, True), (11, 12, True, True), (13, 14, True, True), (17, 18, True, True),
    (19, 20, True, True), (21, 22, True, True), (23, 24, True, True), (25, 26, True, True), (27, 28, True, True), (29, 30, True, True), (0, 16, False, True), (1, 17, False, True),
    (2, 18, False, True), (3, 19, False, True), (4, 20, False, True), (5, 21, False, True), (6, 22, False, True), (7, 23, False, True), (8, 24, True, False), (9, 25, True, False),
    (10, 26, True, False), (11, 27, True, False), (12, 28, True, False), (13, 29, True, False), (14, 30, True, False), (15, 31, True, False), (8, 16, False, True), (9, 17, False, True),
    (10, 18, False, True), (11, 19, False, True), (12, 20, True, False), (13, 21, True, False), (14, 22, True, False), (15, 23, True, False), (12, 16, False, True), (13, 17, False, True),
    (14, 18, True, False), (15, 19, True, False), (14, 16, False, True), (15, 17, True, False), (15, 16, True, True),
]

_CHUNK = 128
_NCORES = 2
_NSUB = 16
_NW = _NCORES * _NSUB


_NBUF = 2


def _sc_gather(xT, idx):
    R = idx.shape[0]
    F = xT.shape[1]
    dt = xT.dtype
    n_chunks = R // _CHUNK
    pw = -(-n_chunks // _NW)
    n_outer = -(-pw // _NBUF)
    mesh = plsc.VectorSubcoreMesh(
        core_axis_name="c", subcore_axis_name="s",
        num_cores=_NCORES, num_subcores=_NSUB)

    n_rows = xT.shape[0]
    assert n_rows % (_NSUB * 8) == 0
    rows_per_sub = n_rows // _NSUB

    @functools.partial(
        pl.kernel,
        out_type=jax.ShapeDtypeStruct((R, F), dt),
        mesh=mesh,
        scratch_types=[
            pltpu.VMEM((_NBUF, _CHUNK), jnp.int32),
            pltpu.VMEM((_NBUF, _CHUNK, F), dt),
            pltpu.VMEM_SHARED((n_rows, F), dt),
            pltpu.SemaphoreType.DMA((_NBUF,)),
            pltpu.SemaphoreType.DMA((_NBUF,)),
            pltpu.SemaphoreType.DMA((_NBUF,)),
        ],
    )
    def gather_kernel(xT_hbm, idx_hbm, out_hbm, idx_v, rows_v, table_sp,
                      idx_sem, g_sem, wb_sem):
        cid = jax.lax.axis_index("c")
        sid = jax.lax.axis_index("s")
        wid = sid * _NCORES + cid
        c0 = wid * pw
        cnt = jnp.minimum(n_chunks - c0, pw)

        r0 = sid * rows_per_sub
        pltpu.sync_copy(xT_hbm.at[pl.ds(r0, rows_per_sub)],
                        table_sp.at[pl.ds(r0, rows_per_sub)])
        plsc.subcore_barrier()

        def idx_copy(i, b):
            return pltpu.make_async_copy(
                idx_hbm.at[pl.ds((c0 + i) * _CHUNK, _CHUNK)],
                idx_v.at[b], idx_sem.at[b])

        def wb_copy(i, b):
            return pltpu.make_async_copy(
                rows_v.at[b],
                out_hbm.at[pl.ds((c0 + i) * _CHUNK, _CHUNK)], wb_sem.at[b])

        for b in range(_NBUF):
            @pl.when(b < cnt)
            def _(b=b):
                idx_copy(b, b).start()

        @pl.loop(0, n_outer)
        def _(o):
            for b in range(_NBUF):
                i = o * _NBUF + b
                pb = (b - 1) % _NBUF

                @pl.when(i < cnt)
                def _(i=i, b=b, pb=pb):
                    @pl.when(i >= _NBUF)
                    def _():
                        wb_copy(i - _NBUF, b).wait()

                    idx_copy(i, b).wait()
                    pltpu.make_async_copy(
                        table_sp.at[idx_v.at[b]], rows_v.at[b],
                        g_sem.at[b]).start()

                    @pl.when(i >= 1)
                    def _():
                        pltpu.make_async_copy(
                            table_sp.at[idx_v.at[pb]], rows_v.at[pb],
                            g_sem.at[pb]).wait()
                        wb_copy(i - 1, pb).start()

                        @pl.when(i - 1 + _NBUF < cnt)
                        def _():
                            idx_copy(i - 1 + _NBUF, pb).start()

        for b in range(_NBUF):
            @pl.when((cnt > 0) & ((cnt - 1) % _NBUF == b))
            def _(b=b):
                pltpu.make_async_copy(
                    table_sp.at[idx_v.at[b]], rows_v.at[b], g_sem.at[b]).wait()
                wb_copy(cnt - 1, b).start()

        for b in range(_NBUF):
            @pl.when(b < cnt)
            def _(b=b):
                wb_copy(0, b).wait()

    return gather_kernel(xT, idx)


def _tc_median_body(n_total, w_ref, xg_ref, x_ref, out_ref, med_ref, slf_ref):
    nb = med_ref.shape[0]
    f = med_ref.shape[1]
    valid = n_total - pl.program_id(0) * nb

    eye_f = (jax.lax.broadcasted_iota(jnp.int32, (f, f), 0) ==
             jax.lax.broadcasted_iota(jnp.int32, (f, f), 1)).astype(jnp.float32)
    slf_ref[...] = jax.lax.dot_general(
        x_ref[0, :, :], eye_f, (((0,), (0,)), ((), ())),
        preferred_element_type=jnp.float32)

    def sub(s, carry):
        row = pl.multiple_of(s * 8, 8)
        v = {}
        for a in range(32):
            w = xg_ref[a, pl.ds(row, 8), :]
            lo = jax.lax.bitcast_convert_type(w << 16, jnp.float32)
            hi = jax.lax.bitcast_convert_type(
                w & jnp.int32(-65536), jnp.float32)
            v[a] = jnp.concatenate([lo, hi], axis=1)
        for (a, b, need_min, need_max) in _NET:
            va, vb = v[a], v[b]
            if need_min:
                lo = jnp.minimum(va, vb)
            if need_max:
                v[b] = jnp.maximum(va, vb)
            if need_min:
                v[a] = lo
        slf = slf_ref[pl.ds(row, 8), :]
        med = jnp.minimum(jnp.maximum(slf, v[15]), v[16])
        rid = row + jax.lax.broadcasted_iota(jnp.int32, (8, f), 0)
        med = jnp.where(rid < valid, med, 0.0)
        med_ref[pl.ds(row, 8), :] = med
        return carry

    jax.lax.fori_loop(0, nb // 8, sub, 0)

    w0 = w_ref[0, 0]
    w1 = w_ref[0, 1]
    med = med_ref[...]
    eye = (jax.lax.broadcasted_iota(jnp.int32, (nb, nb), 0) ==
           jax.lax.broadcasted_iota(jnp.int32, (nb, nb), 1)).astype(med.dtype)
    medT = jax.lax.dot_general(med, eye, (((0,), (0,)), ((), ())),
                               preferred_element_type=jnp.float32)
    out_ref[0, :, :] = w0 * x_ref[0, :, :] + w1 * medT


def _tc_median(xg3, x, weight, interpret=False):
    m, n_pad, Fp = xg3.shape
    B, F, N = x.shape
    NB = _NB
    n_blocks = n_pad // NB
    return pl.pallas_call(
        functools.partial(_tc_median_body, N),
        grid=(n_blocks,),
        in_specs=[
            pl.BlockSpec(memory_space=pltpu.SMEM),
            pl.BlockSpec((m, NB, Fp), lambda i: (0, i, 0)),
            pl.BlockSpec((1, F, NB), lambda i: (0, 0, i)),
        ],
        out_specs=pl.BlockSpec((1, F, NB), lambda i: (0, 0, i)),
        out_shape=jax.ShapeDtypeStruct((B, F, N), jnp.float32),
        scratch_shapes=[pltpu.VMEM((NB, F), jnp.float32),
                        pltpu.VMEM((NB, F), jnp.float32)],
        interpret=interpret,
    )(weight, xg3, x)


_NB = 512
_K = 2


def kernel(x, neighbors, weight):
    B, F, N = x.shape
    NB = _NB
    n_blocks = -(-N // NB)
    n_pad = n_blocks * NB
    xbf = x[0].astype(jnp.bfloat16)
    lo = jax.lax.bitcast_convert_type(xbf[:F // 2], jnp.uint16)
    hi = jax.lax.bitcast_convert_type(xbf[F // 2:], jnp.uint16)
    packed = jax.lax.bitcast_convert_type(
        lo.astype(jnp.uint32) | (hi.astype(jnp.uint32) << 16), jnp.int32)
    xT = jnp.pad(packed.T, ((0, n_pad - N), (0, 0)))
    idx = jnp.pad(neighbors.T.astype(jnp.int32),
                  ((0, 0), (0, n_pad - N)))
    blocks_per_chunk = -(-n_blocks // _K)
    span = blocks_per_chunk * NB
    outs = []
    for k in range(_K):
        lo = k * span
        sz = min(span, n_pad - lo)
        if sz <= 0:
            break
        idx_k = idx[:, lo:lo + sz].reshape(-1)
        xg = _sc_gather(xT, idx_k)
        xg3 = xg.reshape(idx_k.shape[0] // sz, sz, xT.shape[1])
        x_k = jax.lax.dynamic_slice_in_dim(x, lo, min(sz, N - lo), axis=2)
        outs.append(_tc_median(xg3, x_k, weight))
    return jnp.concatenate(outs, axis=2) if len(outs) > 1 else outs[0]

# --- scband reference (transcript-rebuilt; emitter-appended) ---
"""Pipeline reference for scband-median-local-activation-506806141062 (READ-ONLY COPY).

The authoritative reference and input builder live on the scoring server;
editing this copy changes nothing except your own understanding.
"""

import math
import jax, jax.numpy as jnp
import numpy as np

N_NODES = 10000
DEG = 32
D_FEAT = 128
BATCH = 1
K = 1

def setup_inputs(seed: int = 0) -> dict:
    key = jax.random.key(seed)
    k1, k2, k3 = jax.random.split(key, 3)
    x = jax.random.normal(k1, (BATCH, D_FEAT, N_NODES), dtype=jnp.float32)
    neighbors = jax.random.randint(k2, (N_NODES, DEG), 0, N_NODES, dtype=jnp.int32)
    stdv = 1.0 / math.sqrt(K)
    weight = jax.random.uniform(k3, (1, K + 1), minval=-stdv, maxval=stdv, dtype=jnp.float32)
    return {"x": x, "neighbors": neighbors, "weight": weight}

def reference(x, neighbors, weight):
    # MedianLocalActivation with K=1, faithful to the torch module:
    # xK = [x, median_over_1hop_neighborhood(x)] stacked on a new last dim,
    # then out = matmul(xK, weight^T) -> (B, F, N).
    B, F, N = x.shape
    # computeNeighborhood includes the node itself in its k-hop neighborhood
    self_idx = jnp.arange(N, dtype=neighbors.dtype)[:, None]            # (N, 1)
    nbhd = jnp.concatenate([self_idx, neighbors], axis=1)               # (N, deg+1) = (N, 33)
    m = nbhd.shape[1]
    # gather neighbor signals: (B, F, N, m)
    xn = x[:, :, nbhd]
    # torch.median -> lower median; m = 33 is odd so index (m-1)//2 of sorted is exact
    srt = jnp.sort(xn, axis=-1)
    med = srt[..., (m - 1) // 2]                                        # (B, F, N)
    xK = jnp.stack([x, med], axis=-1)                                   # (B, F, N, K+1)
    # torch: matmul(xK, weight.unsqueeze(2)) with weight (1, K+1) -> (1, K+1, 1)
    out = jnp.matmul(xK, weight.T)                                      # (B, F, N, 1)
    return out.reshape(B, F, N)

if __name__ == "__main__":
    import jax
    _d = setup_inputs()
    print(jax.jit(kernel)(*tuple(_d.values())))

</pallas_src>

<mosaic_0001>
#map = affine_map<(d0, d1) -> (0, 0)>
#map1 = affine_map<(d0, d1) -> (0)>
module attributes {stable_mosaic.version = 14 : i64} {
  func.func @gather_kernel(%arg0: i32, %arg1: i32, %arg2: memref<10240x64xi32, #tpu.memory_space<hbm>>, %arg3: memref<163840xi32, #tpu.memory_space<hbm>>, %arg4: memref<163840x64xi32, #tpu.memory_space<hbm>>, %arg5: memref<2x128xi32, #tpu.memory_space<vmem>>, %arg6: memref<2x128x64xi32, #tpu.memory_space<vmem>>, %arg7: memref<10240x64xi32, #tpu.memory_space<vmem_shared>>, %arg8: memref<2x!tpu.dma_semaphore, #tpu.memory_space<semaphore_mem>>, %arg9: memref<2x!tpu.dma_semaphore, #tpu.memory_space<semaphore_mem>>, %arg10: memref<2x!tpu.dma_semaphore, #tpu.memory_space<semaphore_mem>>) attributes {dimension_semantics = [#tpu.dimension_semantics<core_parallel>, #tpu.dimension_semantics<subcore_parallel>], iteration_bounds = array<i64: 2, 16>, scalar_prefetch = 0 : i64, scratch_operands = 6 : i64, tpu.core_type = #tpu.core_type<sc_vector_subcore>, window_params = [{transform_indices = #map}, {transform_indices = #map1}, {transform_indices = #map}]} {
    %mul3A = arith.constant 2 : i32
    %mul3A_0 = arith.muli %arg1, %mul3A : i32
    %add3A = arith.addi %mul3A_0, %arg0 : i32
    %mul3A_1 = arith.constant 40 : i32
    %mul3A_2 = arith.muli %add3A, %mul3A_1 : i32
    %sub3A = arith.constant 1280 : i32
    %sub3A_3 = arith.subi %sub3A, %mul3A_2 : i32
    %min3A = arith.constant 40 : i32
    %min3A_4 = arith.minsi %sub3A_3, %min3A : i32
    %mul3A_5 = arith.constant 640 : i32
    %mul3A_6 = arith.muli %arg1, %mul3A_5 : i32
    "tpu.region"() ({
      %run_scoped3A = tpu.sem_alloc : memref<!tpu.dma_semaphore, #tpu.memory_space<semaphore_mem>>
      %dma_start3A = arith.constant 0 : i32
      %dma_start3A_73 = tpu.memref_slice %arg7[%mul3A_6, %dma_start3A] : memref<10240x64xi32, #tpu.memory_space<vmem_shared>> -> memref<640x64xi32, #tpu.memory_space<vmem_shared>>
      %dma_start3A_74 = arith.constant 0 : i32
      %dma_start3A_75 = tpu.memref_slice %arg2[%mul3A_6, %dma_start3A_74] : memref<10240x64xi32, #tpu.memory_space<hbm>> -> memref<640x64xi32, #tpu.memory_space<hbm>>
      tpu.enqueue_dma source(%dma_start3A_75 : memref<640x64xi32, #tpu.memory_space<hbm>>) target(%dma_start3A_73 : memref<640x64xi32, #tpu.memory_space<vmem_shared>>) target_semaphore(%run_scoped3A : memref<!tpu.dma_semaphore, #tpu.memory_space<semaphore_mem>>)
      %dma_wait3A = arith.constant 0 : i32
      %dma_wait3A_76 = tpu.memref_slice %arg7[%mul3A_6, %dma_wait3A] : memref<10240x64xi32, #tpu.memory_space<vmem_shared>> -> memref<640x64xi32, #tpu.memory_space<vmem_shared>>
      %dma_wait3A_77 = arith.constant 0 : i32
      %dma_wait3A_78 = tpu.memref_slice %arg2[%mul3A_6, %dma_wait3A_77] : memref<10240x64xi32, #tpu.memory_space<hbm>> -> memref<640x64xi32, #tpu.memory_space<hbm>>
      tpu.wait_dma2 semaphore(%run_scoped3A : memref<!tpu.dma_semaphore, #tpu.memory_space<semaphore_mem>>) src(%dma_wait3A_78 : memref<640x64xi32, #tpu.memory_space<hbm>>) dst(%dma_wait3A_76 : memref<640x64xi32, #tpu.memory_space<vmem_shared>>)
      tpu.yield
    }) : () -> ()
    %barrier3A = arith.constant 0 : index
    tpu.barrier barrier_id(%barrier3A)
    %gt3A = arith.constant 0 : i32
    %gt3A_7 = arith.cmpi sgt, %min3A_4, %gt3A : i32
    %convert_element_type3A = arith.extui %gt3A_7 : i1 to i32
    %cond3A = arith.constant 0 : i32
    %cond3A_8 = arith.cmpi ne, %convert_element_type3A, %cond3A : i32
    scf.if %cond3A_8 {
      %add3A_73 = arith.constant 0 : i32
      %add3A_74 = arith.addi %mul3A_2, %add3A_73 : i32
      %mul3A_75 = arith.constant 128 : i32
      %mul3A_76 = arith.muli %add3A_74, %mul3A_75 : i32
      %dma_start3A = arith.constant 0 : i32
      %dma_start3A_77 = arith.constant 0 : i32
      %dma_start3A_78 = arith.constant 0 : i32
      %dma_start3A_79 = tpu.memref_slice %arg5[%dma_start3A, %dma_start3A_78] : memref<2x128xi32, #tpu.memory_space<vmem>> -> memref<1x128xi32, #tpu.memory_space<vmem>>
      %dma_start3A_80 = tpu.memref_squeeze %dma_start3A_79 : memref<1x128xi32, #tpu.memory_space<vmem>> -> memref<128xi32, #tpu.memory_space<vmem>>
      %dma_start3A_81 = tpu.memref_slice %arg3[%mul3A_76] : memref<163840xi32, #tpu.memory_space<hbm>> -> memref<128xi32, #tpu.memory_space<hbm>>
      %dma_start3A_82 = tpu.memref_slice %arg8[%dma_start3A_77] : memref<2x!tpu.dma_semaphore, #tpu.memory_space<semaphore_mem>> -> memref<1x!tpu.dma_semaphore, #tpu.memory_space<semaphore_mem>>
      %dma_start3A_83 = tpu.memref_squeeze %dma_start3A_82 : memref<1x!tpu.dma_semaphore, #tpu.memory_space<semaphore_mem>> -> memref<!tpu.dma_semaphore, #tpu.memory_space<semaphore_mem>>
      %dma_start3A_84 = arith.constant 0 : i32
      %dma_start3A_85 = tpu.memref_slice %arg5[%dma_start3A, %dma_start3A_84] : memref<2x128xi32, #tpu.memory_space<vmem>> -> memref<1x128xi32, #tpu.memory_space<vmem>>
      %dma_start3A_86 = tpu.memref_squeeze %dma_start3A_85 : memref<1x128xi32, #tpu.memory_space<vmem>> -> memref<128xi32, #tpu.memory_space<vmem>>
      %dma_start3A_87 = tpu.memref_slice %arg3[%mul3A_76] : memref<163840xi32, #tpu.memory_space<hbm>> -> memref<128xi32, #tpu.memory_space<hbm>>
      tpu.enqueue_dma source(%dma_start3A_87 : memref<128xi32, #tpu.memory_space<hbm>>) target(%dma_start3A_86 : memref<128xi32, #tpu.memory_space<vmem>>) target_semaphore(%dma_start3A_83 : memref<!tpu.dma_semaphore, #tpu.memory_space<semaphore_mem>>)
    } else {
    }
    %gt3A_9 = arith.constant 1 : i32
    %gt3A_10 = arith.cmpi sgt, %min3A_4, %gt3A_9 : i32
    %convert_element_type3A_11 = arith.extui %gt3A_10 : i1 to i32
    %cond3A_12 = arith.constant 0 : i32
    %cond3A_13 = arith.cmpi ne, %convert_element_type3A_11, %cond3A_12 : i32
    scf.if %cond3A_13 {
      %add3A_73 = arith.constant 1 : i32
      %add3A_74 = arith.addi %mul3A_2, %add3A_73 : i32
      %mul3A_75 = arith.constant 128 : i32
      %mul3A_76 = arith.muli %add3A_74, %mul3A_75 : i32
      %dma_start3A = arith.constant 1 : i32
      %dma_start3A_77 = arith.constant 1 : i32
      %dma_start3A_78 = arith.constant 0 : i32
      %dma_start3A_79 = tpu.memref_slice %arg5[%dma_start3A, %dma_start3A_78] : memref<2x128xi32, #tpu.memory_space<vmem>> -> memref<1x128xi32, #tpu.memory_space<vmem>>
      %dma_start3A_80 = tpu.memref_squeeze %dma_start3A_79 : memref<1x128xi32, #tpu.memory_space<vmem>> -> memref<128xi32, #tpu.memory_space<vmem>>
      %dma_start3A_81 = tpu.memref_slice %arg3[%mul3A_76] : memref<163840xi32, #tpu.memory_space<hbm>> -> memref<128xi32, #tpu.memory_space<hbm>>
      %dma_start3A_82 = tpu.memref_slice %arg8[%dma_start3A_77] : memref<2x!tpu.dma_semaphore, #tpu.memory_space<semaphore_mem>> -> memref<1x!tpu.dma_semaphore, #tpu.memory_space<semaphore_mem>>
      %dma_start3A_83 = tpu.memref_squeeze %dma_start3A_82 : memref<1x!tpu.dma_semaphore, #tpu.memory_space<semaphore_mem>> -> memref<!tpu.dma_semaphore, #tpu.memory_space<semaphore_mem>>
      %dma_start3A_84 = arith.constant 0 : i32
      %dma_start3A_85 = tpu.memref_slice %arg5[%dma_start3A, %dma_start3A_84] : memref<2x128xi32, #tpu.memory_space<vmem>> -> memref<1x128xi32, #tpu.memory_space<vmem>>
      %dma_start3A_86 = tpu.memref_squeeze %dma_start3A_85 : memref<1x128xi32, #tpu.memory_space<vmem>> -> memref<128xi32, #tpu.memory_space<vmem>>
      %dma_start3A_87 = tpu.memref_slice %arg3[%mul3A_76] : memref<163840xi32, #tpu.memory_space<hbm>> -> memref<128xi32, #tpu.memory_space<hbm>>
      tpu.enqueue_dma source(%dma_start3A_87 : memref<128xi32, #tpu.memory_space<hbm>>) target(%dma_start3A_86 : memref<128xi32, #tpu.memory_space<vmem>>) target_semaphore(%dma_start3A_83 : memref<!tpu.dma_semaphore, #tpu.memory_space<semaphore_mem>>)
    } else {
    }
    %scan3A = arith.constant 0 : i32
    %scan3A_14 = arith.constant 20 : i32
    %scan3A_15 = arith.addi %scan3A, %scan3A_14 : i32
    %scan3A_16 = arith.constant 1 : i32
    scf.for %scan3A_73 = %scan3A to %scan3A_15 step %scan3A_16  : i32 {
      %mul3A_74 = arith.constant 1 : i32
      %mul3A_75 = arith.muli %scan3A_73, %mul3A_74 : i32
      %add3A_76 = arith.constant 0 : i32
      %add3A_77 = arith.addi %add3A_76, %mul3A_75 : i32
      %mul3A_78 = arith.constant 2 : i32
      %mul3A_79 = arith.muli %add3A_77, %mul3A_78 : i32
      %add3A_80 = arith.constant 0 : i32
      %add3A_81 = arith.addi %mul3A_79, %add3A_80 : i32
      %lt3A_82 = arith.cmpi slt, %add3A_81, %min3A_4 : i32
      %convert_element_type3A_83 = arith.extui %lt3A_82 : i1 to i32
      %cond3A_84 = arith.constant 0 : i32
      %cond3A_85 = arith.cmpi ne, %convert_element_type3A_83, %cond3A_84 : i32
      scf.if %cond3A_85 {
        %ge3A = arith.constant 2 : i32
        %ge3A_94 = arith.cmpi sge, %add3A_81, %ge3A : i32
        %convert_element_type3A_95 = arith.extui %ge3A_94 : i1 to i32
        %cond3A_96 = arith.constant 0 : i32
        %cond3A_97 = arith.cmpi ne, %convert_element_type3A_95, %cond3A_96 : i32
        scf.if %cond3A_97 {
          %sub3A_131 = arith.constant 2 : i32
          %sub3A_132 = arith.subi %add3A_81, %sub3A_131 : i32
          %add3A_133 = arith.addi %mul3A_2, %sub3A_132 : i32
          %mul3A_134 = arith.constant 128 : i32
          %mul3A_135 = arith.muli %add3A_133, %mul3A_134 : i32
          %dma_wait3A_136 = arith.constant 0 : i32
          %dma_wait3A_137 = arith.constant 0 : i32
          %dma_wait3A_138 = arith.constant 0 : i32
          %dma_wait3A_139 = arith.constant 0 : i32
          %dma_wait3A_140 = tpu.memref_slice %arg6[%dma_wait3A_136, %dma_wait3A_138, %dma_wait3A_139] : memref<2x128x64xi32, #tpu.memory_space<vmem>> -> memref<1x128x64xi32, #tpu.memory_space<vmem>>
          %dma_wait3A_141 = tpu.memref_squeeze %dma_wait3A_140 : memref<1x128x64xi32, #tpu.memory_space<vmem>> -> memref<128x64xi32, #tpu.memory_space<vmem>>
          %dma_wait3A_142 = arith.constant 0 : i32
          %dma_wait3A_143 = tpu.memref_slice %arg4[%mul3A_135, %dma_wait3A_142] : memref<163840x64xi32, #tpu.memory_space<hbm>> -> memref<128x64xi32, #tpu.memory_space<hbm>>
          %dma_wait3A_144 = tpu.memref_slice %arg10[%dma_wait3A_137] : memref<2x!tpu.dma_semaphore, #tpu.memory_space<semaphore_mem>> -> memref<1x!tpu.dma_semaphore, #tpu.memory_space<semaphore_mem>>
          %dma_wait3A_145 = tpu.memref_squeeze %dma_wait3A_144 : memref<1x!tpu.dma_semaphore, #tpu.memory_space<semaphore_mem>> -> memref<!tpu.dma_semaphore, #tpu.memory_space<semaphore_mem>>
          %dma_wait3A_146 = arith.constant 0 : i32
          %dma_wait3A_147 = tpu.memref_slice %arg4[%mul3A_135, %dma_wait3A_146] : memref<163840x64xi32, #tpu.memory_space<hbm>> -> memref<128x64xi32, #tpu.memory_space<hbm>>
          %dma_wait3A_148 = arith.constant 0 : i32
          %dma_wait3A_149 = arith.constant 0 : i32
          %dma_wait3A_150 = tpu.memref_slice %arg6[%dma_wait3A_136, %dma_wait3A_148, %dma_wait3A_149] : memref<2x128x64xi32, #tpu.memory_space<vmem>> -> memref<1x128x64xi32, #tpu.memory_space<vmem>>
          %dma_wait3A_151 = tpu.memref_squeeze %dma_wait3A_150 : memref<1x128x64xi32, #tpu.memory_space<vmem>> -> memref<128x64xi32, #tpu.memory_space<vmem>>
          tpu.wait_dma2 semaphore(%dma_wait3A_145 : memref<!tpu.dma_semaphore, #tpu.memory_space<semaphore_mem>>) src(%dma_wait3A_151 : memref<128x64xi32, #tpu.memory_space<vmem>>) dst(%dma_wait3A_147 : memref<128x64xi32, #tpu.memory_space<hbm>>)
        } else {
        }
        %add3A_98 = arith.addi %mul3A_2, %add3A_81 : i32
        %mul3A_99 = arith.constant 128 : i32
        %mul3A_100 = arith.muli %add3A_98, %mul3A_99 : i32
        %dma_wait3A = arith.constant 0 : i32
        %dma_wait3A_101 = arith.constant 0 : i32
        %dma_wait3A_102 = arith.constant 0 : i32
        %dma_wait3A_103 = tpu.memref_slice %arg5[%dma_wait3A, %dma_wait3A_102] : memref<2x128xi32, #tpu.memory_space<vmem>> -> memref<1x128xi32, #tpu.memory_space<vmem>>
        %dma_wait3A_104 = tpu.memref_squeeze %dma_wait3A_103 : memref<1x128xi32, #tpu.memory_space<vmem>> -> memref<128xi32, #tpu.memory_space<vmem>>
        %dma_wait3A_105 = tpu.memref_slice %arg3[%mul3A_100] : memref<163840xi32, #tpu.memory_space<hbm>> -> memref<128xi32, #tpu.memory_space<hbm>>
        %dma_wait3A_106 = tpu.memref_slice %arg8[%dma_wait3A_101] : memref<2x!tpu.dma_semaphore, #tpu.memory_space<semaphore_mem>> -> memref<1x!tpu.dma_semaphore, #tpu.memory_space<semaphore_mem>>
        %dma_wait3A_107 = tpu.memref_squeeze %dma_wait3A_106 : memref<1x!tpu.dma_semaphore, #tpu.memory_space<semaphore_mem>> -> memref<!tpu.dma_semaphore, #tpu.memory_space<semaphore_mem>>
        %dma_wait3A_108 = arith.constant 0 : i32
        %dma_wait3A_109 = tpu.memref_slice %arg5[%dma_wait3A, %dma_wait3A_108] : memref<2x128xi32, #tpu.memory_space<vmem>> -> memref<1x128xi32, #tpu.memory_space<vmem>>
        %dma_wait3A_110 = tpu.memref_squeeze %dma_wait3A_109 : memref<1x128xi32, #tpu.memory_space<vmem>> -> memref<128xi32, #tpu.memory_space<vmem>>
        %dma_wait3A_111 = tpu.memref_slice %arg3[%mul3A_100] : memref<163840xi32, #tpu.memory_space<hbm>> -> memref<128xi32, #tpu.memory_space<hbm>>
        tpu.wait_dma2 semaphore(%dma_wait3A_107 : memref<!tpu.dma_semaphore, #tpu.memory_space<semaphore_mem>>) src(%dma_wait3A_111 : memref<128xi32, #tpu.memory_space<hbm>>) dst(%dma_wait3A_110 : memref<128xi32, #tpu.memory_space<vmem>>)
        %dma_start3A = arith.constant 0 : i32
        %dma_start3A_112 = arith.constant 0 : i32
        %dma_start3A_113 = arith.constant 0 : i32
        %dma_start3A_114 = arith.constant 0 : i32
        %dma_start3A_115 = arith.constant 0 : i32
        %dma_start3A_116 = tpu.memref_slice %arg6[%dma_start3A_112, %dma_start3A_114, %dma_start3A_115] : memref<2x128x64xi32, #tpu.memory_space<vmem>> -> memref<1x128x64xi32, #tpu.memory_space<vmem>>
        %dma_start3A_117 = tpu.memref_squeeze %dma_start3A_116 : memref<1x128x64xi32, #tpu.memory_space<vmem>> -> memref<128x64xi32, #tpu.memory_space<vmem>>
        %dma_start3A_118 = arith.constant 0 : i32
        %dma_start3A_119 = tpu.memref_slice %arg5[%dma_start3A, %dma_start3A_118] : memref<2x128xi32, #tpu.memory_space<vmem>> -> memref<1x128xi32, #tpu.memory_space<vmem>>
        %dma_start3A_120 = tpu.memref_squeeze %dma_start3A_119 : memref<1x128xi32, #tpu.memory_space<vmem>> -> memref<128xi32, #tpu.memory_space<vmem>>
        %dma_start3A_121 = arith.constant 0 : i32
        %dma_start3A_122 = arith.constant 0 : i32
        %dma_start3A_123 = tpu.memref_slice %arg7[%dma_start3A_121, %dma_start3A_122] : memref<10240x64xi32, #tpu.memory_space<vmem_shared>> -> memref<10240x64xi32, #tpu.memory_space<vmem_shared>>
        %dma_start3A_124 = tpu.memref_slice %arg9[%dma_start3A_113] : memref<2x!tpu.dma_semaphore, #tpu.memory_space<semaphore_mem>> -> memref<1x!tpu.dma_semaphore, #tpu.memory_space<semaphore_mem>>
        %dma_start3A_125 = tpu.memref_squeeze %dma_start3A_124 : memref<1x!tpu.dma_semaphore, #tpu.memory_space<semaphore_mem>> -> memref<!tpu.dma_semaphore, #tpu.memory_space<semaphore_mem>>
        tpu.enqueue_indirect_dma source(%dma_start3A_123 : memref<10240x64xi32, #tpu.memory_space<vmem_shared>>) target(%dma_start3A_117 : memref<128x64xi32, #tpu.memory_space<vmem>>) offsets(%dma_start3A_120 : memref<128xi32, #tpu.memory_space<vmem>>) semaphore(%dma_start3A_125 : memref<!tpu.dma_semaphore, #tpu.memory_space<semaphore_mem>>)
        %ge3A_126 = arith.constant 1 : i32
        %ge3A_127 = arith.cmpi sge, %add3A_81, %ge3A_126 : i32
        %convert_element_type3A_128 = arith.extui %ge3A_127 : i1 to i32
        %cond3A_129 = arith.constant 0 : i32
        %cond3A_130 = arith.cmpi ne, %convert_element_type3A_128, %cond3A_129 : i32
        scf.if %cond3A_130 {
          %dma_wait3A_131 = arith.constant 1 : i32
          %dma_wait3A_132 = arith.constant 1 : i32
          %dma_wait3A_133 = arith.constant 1 : i32
          %dma_wait3A_134 = arith.constant 0 : i32
          %dma_wait3A_135 = arith.constant 0 : i32
          %dma_wait3A_136 = tpu.memref_slice %arg6[%dma_wait3A_132, %dma_wait3A_134, %dma_wait3A_135] : memref<2x128x64xi32, #tpu.memory_space<vmem>> -> memref<1x128x64xi32, #tpu.memory_space<vmem>>
          %dma_wait3A_137 = tpu.memref_squeeze %dma_wait3A_136 : memref<1x128x64xi32, #tpu.memory_space<vmem>> -> memref<128x64xi32, #tpu.memory_space<vmem>>
          %dma_wait3A_138 = arith.constant 0 : i32
          %dma_wait3A_139 = tpu.memref_slice %arg5[%dma_wait3A_131, %dma_wait3A_138] : memref<2x128xi32, #tpu.memory_space<vmem>> -> memref<1x128xi32, #tpu.memory_space<vmem>>
          %dma_wait3A_140 = tpu.memref_squeeze %dma_wait3A_139 : memref<1x128xi32, #tpu.memory_space<vmem>> -> memref<128xi32, #tpu.memory_space<vmem>>
          %dma_wait3A_141 = arith.constant 0 : i32
          %dma_wait3A_142 = arith.constant 0 : i32
          %dma_wait3A_143 = tpu.memref_slice %arg7[%dma_wait3A_141, %dma_wait3A_142] : memref<10240x64xi32, #tpu.memory_space<vmem_shared>> -> memref<10240x64xi32, #tpu.memory_space<vmem_shared>>
          %dma_wait3A_144 = tpu.memref_slice %arg9[%dma_wait3A_133] : memref<2x!tpu.dma_semaphore, #tpu.memory_space<semaphore_mem>> -> memref<1x!tpu.dma_semaphore, #tpu.memory_space<semaphore_mem>>
          %dma_wait3A_145 = tpu.memref_squeeze %dma_wait3A_144 : memref<1x!tpu.dma_semaphore, #tpu.memory_space<semaphore_mem>> -> memref<!tpu.dma_semaphore, #tpu.memory_space<semaphore_mem>>
          tpu.wait_indirect_dma semaphore(%dma_wait3A_145 : memref<!tpu.dma_semaphore, #tpu.memory_space<semaphore_mem>>) src(%dma_wait3A_143 : memref<10240x64xi32, #tpu.memory_space<vmem_shared>>) dst(%dma_wait3A_137 : memref<128x64xi32, #tpu.memory_space<vmem>>)
          %sub3A_146 = arith.constant 1 : i32
          %sub3A_147 = arith.subi %add3A_81, %sub3A_146 : i32
          %add3A_148 = arith.addi %mul3A_2, %sub3A_147 : i32
          %mul3A_149 = arith.constant 128 : i32
          %mul3A_150 = arith.muli %add3A_148, %mul3A_149 : i32
          %dma_start3A_151 = arith.constant 1 : i32
          %dma_start3A_152 = arith.constant 1 : i32
          %dma_start3A_153 = arith.constant 0 : i32
          %dma_start3A_154 = arith.constant 0 : i32
          %dma_start3A_155 = tpu.memref_slice %arg6[%dma_start3A_151, %dma_start3A_153, %dma_start3A_154] : memref<2x128x64xi32, #tpu.memory_space<vmem>> -> memref<1x128x64xi32, #tpu.memory_space<vmem>>
          %dma_start3A_156 = tpu.memref_squeeze %dma_start3A_155 : memref<1x128x64xi32, #tpu.memory_space<vmem>> -> memref<128x64xi32, #tpu.memory_space<vmem>>
          %dma_start3A_157 = arith.constant 0 : i32
          %dma_start3A_158 = tpu.memref_slice %arg4[%mul3A_150, %dma_start3A_157] : memref<163840x64xi32, #tpu.memory_space<hbm>> -> memref<128x64xi32, #tpu.memory_space<hbm>>
          %dma_start3A_159 = tpu.memref_slice %arg10[%dma_start3A_152] : memref<2x!tpu.dma_semaphore, #tpu.memory_space<semaphore_mem>> -> memref<1x!tpu.dma_semaphore, #tpu.memory_space<semaphore_mem>>
          %dma_start3A_160 = tpu.memref_squeeze %dma_start3A_159 : memref<1x!tpu.dma_semaphore, #tpu.memory_space<semaphore_mem>> -> memref<!tpu.dma_semaphore, #tpu.memory_space<semaphore_mem>>
          %dma_start3A_161 = arith.constant 0 : i32
          %dma_start3A_162 = tpu.memref_slice %arg4[%mul3A_150, %dma_start3A_161] : memref<163840x64xi32, #tpu.memory_space<hbm>> -> memref<128x64xi32, #tpu.memory_space<hbm>>
          %dma_start3A_163 = arith.constant 0 : i32
          %dma_start3A_164 = arith.constant 0 : i32
          %dma_start3A_165 = tpu.memref_slice %arg6[%dma_start3A_151, %dma_start3A_163, %dma_start3A_164] : memref<2x128x64xi32, #tpu.memory_space<vmem>> -> memref<1x128x64xi32, #tpu.memory_space<vmem>>
          %dma_start3A_166 = tpu.memref_squeeze %dma_start3A_165 : memref<1x128x64xi32, #tpu.memory_space<vmem>> -> memref<128x64xi32, #tpu.memory_space<vmem>>
          tpu.enqueue_dma source(%dma_start3A_166 : memref<128x64xi32, #tpu.memory_space<vmem>>) target(%dma_start3A_162 : memref<128x64xi32, #tpu.memory_space<hbm>>) target_semaphore(%dma_start3A_160 : memref<!tpu.dma_semaphore, #tpu.memory_space<semaphore_mem>>)
          %sub3A_167 = arith.constant 1 : i32
          %sub3A_168 = arith.subi %add3A_81, %sub3A_167 : i32
          %add3A_169 = arith.constant 2 : i32
          %add3A_170 = arith.addi %sub3A_168, %add3A_169 : i32
          %lt3A_171 = arith.cmpi slt, %add3A_170, %min3A_4 : i32
          %convert_element_type3A_172 = arith.extui %lt3A_171 : i1 to i32
          %cond3A_173 = arith.constant 0 : i32
          %cond3A_174 = arith.cmpi ne, %convert_element_type3A_172, %cond3A_173 : i32
          scf.if %cond3A_174 {
            %sub3A_175 = arith.constant 1 : i32
            %sub3A_176 = arith.subi %add3A_81, %sub3A_175 : i32
            %add3A_177 = arith.constant 2 : i32
            %add3A_178 = arith.addi %sub3A_176, %add3A_177 : i32
            %add3A_179 = arith.addi %mul3A_2, %add3A_178 : i32
            %mul3A_180 = arith.constant 128 : i32
            %mul3A_181 = arith.muli %add3A_179, %mul3A_180 : i32
            %dma_start3A_182 = arith.constant 1 : i32
            %dma_start3A_183 = arith.constant 1 : i32
            %dma_start3A_184 = arith.constant 0 : i32
            %dma_start3A_185 = tpu.memref_slice %arg5[%dma_start3A_182, %dma_start3A_184] : memref<2x128xi32, #tpu.memory_space<vmem>> -> memref<1x128xi32, #tpu.memory_space<vmem>>
            %dma_start3A_186 = tpu.memref_squeeze %dma_start3A_185 : memref<1x128xi32, #tpu.memory_space<vmem>> -> memref<128xi32, #tpu.memory_space<vmem>>
            %dma_start3A_187 = tpu.memref_slice %arg3[%mul3A_181] : memref<163840xi32, #tpu.memory_space<hbm>> -> memref<128xi32, #tpu.memory_space<hbm>>
            %dma_start3A_188 = tpu.memref_slice %arg8[%dma_start3A_183] : memref<2x!tpu.dma_semaphore, #tpu.memory_space<semaphore_mem>> -> memref<1x!tpu.dma_semaphore, #tpu.memory_space<semaphore_mem>>
            %dma_start3A_189 = tpu.memref_squeeze %dma_start3A_188 : memref<1x!tpu.dma_semaphore, #tpu.memory_space<semaphore_mem>> -> memref<!tpu.dma_semaphore, #tpu.memory_space<semaphore_mem>>
            %dma_start3A_190 = arith.constant 0 : i32
            %dma_start3A_191 = tpu.memref_slice %arg5[%dma_start3A_182, %dma_start3A_190] : memref<2x128xi32, #tpu.memory_space<vmem>> -> memref<1x128xi32, #tpu.memory_space<vmem>>
            %dma_start3A_192 = tpu.memref_squeeze %dma_start3A_191 : memref<1x128xi32, #tpu.memory_space<vmem>> -> memref<128xi32, #tpu.memory_space<vmem>>
            %dma_start3A_193 = tpu.memref_slice %arg3[%mul3A_181] : memref<163840xi32, #tpu.memory_space<hbm>> -> memref<128xi32, #tpu.memory_space<hbm>>
            tpu.enqueue_dma source(%dma_start3A_193 : memref<128xi32, #tpu.memory_space<hbm>>) target(%dma_start3A_192 : memref<128xi32, #tpu.memory_space<vmem>>) target_semaphore(%dma_start3A_189 : memref<!tpu.dma_semaphore, #tpu.memory_space<semaphore_mem>>)
          } else {
          }
        } else {
        }
      } else {
      }
      %mul3A_86 = arith.constant 2 : i32
      %mul3A_87 = arith.muli %add3A_77, %mul3A_86 : i32
      %add3A_88 = arith.constant 1 : i32
      %add3A_89 = arith.addi %mul3A_87, %add3A_88 : i32
      %lt3A_90 = arith.cmpi slt, %add3A_89, %min3A_4 : i32
      %convert_element_type3A_91 = arith.extui %lt3A_90 : i1 to i32
      %cond3A_92 = arith.constant 0 : i32
      %cond3A_93 = arith.cmpi ne, %convert_element_type3A_91, %cond3A_92 : i32
      scf.if %cond3A_93 {
        %ge3A = arith.constant 2 : i32
        %ge3A_94 = arith.cmpi sge, %add3A_89, %ge3A : i32
        %convert_element_type3A_95 = arith.extui %ge3A_94 : i1 to i32
        %cond3A_96 = arith.constant 0 : i32
        %cond3A_97 = arith.cmpi ne, %convert_element_type3A_95, %cond3A_96 : i32
        scf.if %cond3A_97 {
          %sub3A_131 = arith.constant 2 : i32
          %sub3A_132 = arith.subi %add3A_89, %sub3A_131 : i32
          %add3A_133 = arith.addi %mul3A_2, %sub3A_132 : i32
          %mul3A_134 = arith.constant 128 : i32
          %mul3A_135 = arith.muli %add3A_133, %mul3A_134 : i32
          %dma_wait3A_136 = arith.constant 1 : i32
          %dma_wait3A_137 = arith.constant 1 : i32
          %dma_wait3A_138 = arith.constant 0 : i32
          %dma_wait3A_139 = arith.constant 0 : i32
          %dma_wait3A_140 = tpu.memref_slice %arg6[%dma_wait3A_136, %dma_wait3A_138, %dma_wait3A_139] : memref<2x128x64xi32, #tpu.memory_space<vmem>> -> memref<1x128x64xi32, #tpu.memory_space<vmem>>
          %dma_wait3A_141 = tpu.memref_squeeze %dma_wait3A_140 : memref<1x128x64xi32, #tpu.memory_space<vmem>> -> memref<128x64xi32, #tpu.memory_space<vmem>>
          %dma_wait3A_142 = arith.constant 0 : i32
          %dma_wait3A_143 = tpu.memref_slice %arg4[%mul3A_135, %dma_wait3A_142] : memref<163840x64xi32, #tpu.memory_space<hbm>> -> memref<128x64xi32, #tpu.memory_space<hbm>>
          %dma_wait3A_144 = tpu.memref_slice %arg10[%dma_wait3A_137] : memref<2x!tpu.dma_semaphore, #tpu.memory_space<semaphore_mem>> -> memref<1x!tpu.dma_semaphore, #tpu.memory_space<semaphore_mem>>
          %dma_wait3A_145 = tpu.memref_squeeze %dma_wait3A_144 : memref<1x!tpu.dma_semaphore, #tpu.memory_space<semaphore_mem>> -> memref<!tpu.dma_semaphore, #tpu.memory_space<semaphore_mem>>
          %dma_wait3A_146 = arith.constant 0 : i32
          %dma_wait3A_147 = tpu.memref_slice %arg4[%mul3A_135, %dma_wait3A_146] : memref<163840x64xi32, #tpu.memory_space<hbm>> -> memref<128x64xi32, #tpu.memory_space<hbm>>
          %dma_wait3A_148 = arith.constant 0 : i32
          %dma_wait3A_149 = arith.constant 0 : i32
          %dma_wait3A_150 = tpu.memref_slice %arg6[%dma_wait3A_136, %dma_wait3A_148, %dma_wait3A_149] : memref<2x128x64xi32, #tpu.memory_space<vmem>> -> memref<1x128x64xi32, #tpu.memory_space<vmem>>
          %dma_wait3A_151 = tpu.memref_squeeze %dma_wait3A_150 : memref<1x128x64xi32, #tpu.memory_space<vmem>> -> memref<128x64xi32, #tpu.memory_space<vmem>>
          tpu.wait_dma2 semaphore(%dma_wait3A_145 : memref<!tpu.dma_semaphore, #tpu.memory_space<semaphore_mem>>) src(%dma_wait3A_151 : memref<128x64xi32, #tpu.memory_space<vmem>>) dst(%dma_wait3A_147 : memref<128x64xi32, #tpu.memory_space<hbm>>)
        } else {
        }
        %add3A_98 = arith.addi %mul3A_2, %add3A_89 : i32
        %mul3A_99 = arith.constant 128 : i32
        %mul3A_100 = arith.muli %add3A_98, %mul3A_99 : i32
        %dma_wait3A = arith.constant 1 : i32
        %dma_wait3A_101 = arith.constant 1 : i32
        %dma_wait3A_102 = arith.constant 0 : i32
        %dma_wait3A_103 = tpu.memref_slice %arg5[%dma_wait3A, %dma_wait3A_102] : memref<2x128xi32, #tpu.memory_space<vmem>> -> memref<1x128xi32, #tpu.memory_space<vmem>>
        %dma_wait3A_104 = tpu.memref_squeeze %dma_wait3A_103 : memref<1x128xi32, #tpu.memory_space<vmem>> -> memref<128xi32, #tpu.memory_space<vmem>>
        %dma_wait3A_105 = tpu.memref_slice %arg3[%mul3A_100] : memref<163840xi32, #tpu.memory_space<hbm>> -> memref<128xi32, #tpu.memory_space<hbm>>
        %dma_wait3A_106 = tpu.memref_slice %arg8[%dma_wait3A_101] : memref<2x!tpu.dma_semaphore, #tpu.memory_space<semaphore_mem>> -> memref<1x!tpu.dma_semaphore, #tpu.memory_space<semaphore_mem>>
        %dma_wait3A_107 = tpu.memref_squeeze %dma_wait3A_106 : memref<1x!tpu.dma_semaphore, #tpu.memory_space<semaphore_mem>> -> memref<!tpu.dma_semaphore, #tpu.memory_space<semaphore_mem>>
        %dma_wait3A_108 = arith.constant 0 : i32
        %dma_wait3A_109 = tpu.memref_slice %arg5[%dma_wait3A, %dma_wait3A_108] : memref<2x128xi32, #tpu.memory_space<vmem>> -> memref<1x128xi32, #tpu.memory_space<vmem>>
        %dma_wait3A_110 = tpu.memref_squeeze %dma_wait3A_109 : memref<1x128xi32, #tpu.memory_space<vmem>> -> memref<128xi32, #tpu.memory_space<vmem>>
        %dma_wait3A_111 = tpu.memref_slice %arg3[%mul3A_100] : memref<163840xi32, #tpu.memory_space<hbm>> -> memref<128xi32, #tpu.memory_space<hbm>>
        tpu.wait_dma2 semaphore(%dma_wait3A_107 : memref<!tpu.dma_semaphore, #tpu.memory_space<semaphore_mem>>) src(%dma_wait3A_111 : memref<128xi32, #tpu.memory_space<hbm>>) dst(%dma_wait3A_110 : memref<128xi32, #tpu.memory_space<vmem>>)
        %dma_start3A = arith.constant 1 : i32
        %dma_start3A_112 = arith.constant 1 : i32
        %dma_start3A_113 = arith.constant 1 : i32
        %dma_start3A_114 = arith.constant 0 : i32
        %dma_start3A_115 = arith.constant 0 : i32
        %dma_start3A_116 = tpu.memref_slice %arg6[%dma_start3A_112, %dma_start3A_114, %dma_start3A_115] : memref<2x128x64xi32, #tpu.memory_space<vmem>> -> memref<1x128x64xi32, #tpu.memory_space<vmem>>
        %dma_start3A_117 = tpu.memref_squeeze %dma_start3A_116 : memref<1x128x64xi32, #tpu.memory_space<vmem>> -> memref<128x64xi32, #tpu.memory_space<vmem>>
        %dma_start3A_118 = arith.constant 0 : i32
        %dma_start3A_119 = tpu.memref_slice %arg5[%dma_start3A, %dma_start3A_118] : memref<2x128xi32, #tpu.memory_space<vmem>> -> memref<1x128xi32, #tpu.memory_space<vmem>>
        %dma_start3A_120 = tpu.memref_squeeze %dma_start3A_119 : memref<1x128xi32, #tpu.memory_space<vmem>> -> memref<128xi32, #tpu.memory_space<vmem>>
        %dma_start3A_121 = arith.constant 0 : i32
        %dma_start3A_122 = arith.constant 0 : i32
        %dma_start3A_123 = tpu.memref_slice %arg7[%dma_start3A_121, %dma_start3A_122] : memref<10240x64xi32, #tpu.memory_space<vmem_shared>> -> memref<10240x64xi32, #tpu.memory_space<vmem_shared>>
        %dma_start3A_124 = tpu.memref_slice %arg9[%dma_start3A_113] : memref<2x!tpu.dma_semaphore, #tpu.memory_space<semaphore_mem>> -> memref<1x!tpu.dma_semaphore, #tpu.memory_space<semaphore_mem>>
        %dma_start3A_125 = tpu.memref_squeeze %dma_start3A_124 : memref<1x!tpu.dma_semaphore, #tpu.memory_space<semaphore_mem>> -> memref<!tpu.dma_semaphore, #tpu.memory_space<semaphore_mem>>
        tpu.enqueue_indirect_dma source(%dma_start3A_123 : memref<10240x64xi32, #tpu.memory_space<vmem_shared>>) target(%dma_start3A_117 : memref<128x64xi32, #tpu.memory_space<vmem>>) offsets(%dma_start3A_120 : memref<128xi32, #tpu.memory_space<vmem>>) semaphore(%dma_start3A_125 : memref<!tpu.dma_semaphore, #tpu.memory_space<semaphore_mem>>)
        %ge3A_126 = arith.constant 1 : i32
        %ge3A_127 = arith.cmpi sge, %add3A_89, %ge3A_126 : i32
        %convert_element_type3A_128 = arith.extui %ge3A_127 : i1 to i32
        %cond3A_129 = arith.constant 0 : i32
        %cond3A_130 = arith.cmpi ne, %convert_element_type3A_128, %cond3A_129 : i32
        scf.if %cond3A_130 {
          %dma_wait3A_131 = arith.constant 0 : i32
          %dma_wait3A_132 = arith.constant 0 : i32
          %dma_wait3A_133 = arith.constant 0 : i32
          %dma_wait3A_134 = arith.constant 0 : i32
          %dma_wait3A_135 = arith.constant 0 : i32
          %dma_wait3A_136 = tpu.memref_slice %arg6[%dma_wait3A_132, %dma_wait3A_134, %dma_wait3A_135] : memref<2x128x64xi32, #tpu.memory_space<vmem>> -> memref<1x128x64xi32, #tpu.memory_space<vmem>>
          %dma_wait3A_137 = tpu.memref_squeeze %dma_wait3A_136 : memref<1x128x64xi32, #tpu.memory_space<vmem>> -> memref<128x64xi32, #tpu.memory_space<vmem>>
          %dma_wait3A_138 = arith.constant 0 : i32
          %dma_wait3A_139 = tpu.memref_slice %arg5[%dma_wait3A_131, %dma_wait3A_138] : memref<2x128xi32, #tpu.memory_space<vmem>> -> memref<1x128xi32, #tpu.memory_space<vmem>>
          %dma_wait3A_140 = tpu.memref_squeeze %dma_wait3A_139 : memref<1x128xi32, #tpu.memory_space<vmem>> -> memref<128xi32, #tpu.memory_space<vmem>>
          %dma_wait3A_141 = arith.constant 0 : i32
          %dma_wait3A_142 = arith.constant 0 : i32
          %dma_wait3A_143 = tpu.memref_slice %arg7[%dma_wait3A_141, %dma_wait3A_142] : memref<10240x64xi32, #tpu.memory_space<vmem_shared>> -> memref<10240x64xi32, #tpu.memory_space<vmem_shared>>
          %dma_wait3A_144 = tpu.memref_slice %arg9[%dma_wait3A_133] : memref<2x!tpu.dma_semaphore, #tpu.memory_space<semaphore_mem>> -> memref<1x!tpu.dma_semaphore, #tpu.memory_space<semaphore_mem>>
          %dma_wait3A_145 = tpu.memref_squeeze %dma_wait3A_144 : memref<1x!tpu.dma_semaphore, #tpu.memory_space<semaphore_mem>> -> memref<!tpu.dma_semaphore, #tpu.memory_space<semaphore_mem>>
          tpu.wait_indirect_dma semaphore(%dma_wait3A_145 : memref<!tpu.dma_semaphore, #tpu.memory_space<semaphore_mem>>) src(%dma_wait3A_143 : memref<10240x64xi32, #tpu.memory_space<vmem_shared>>) dst(%dma_wait3A_137 : memref<128x64xi32, #tpu.memory_space<vmem>>)
          %sub3A_146 = arith.constant 1 : i32
          %sub3A_147 = arith.subi %add3A_89, %sub3A_146 : i32
          %add3A_148 = arith.addi %mul3A_2, %sub3A_147 : i32
          %mul3A_149 = arith.constant 128 : i32
          %mul3A_150 = arith.muli %add3A_148, %mul3A_149 : i32
          %dma_start3A_151 = arith.constant 0 : i32
          %dma_start3A_152 = arith.constant 0 : i32
          %dma_start3A_153 = arith.constant 0 : i32
          %dma_start3A_154 = arith.constant 0 : i32
          %dma_start3A_155 = tpu.memref_slice %arg6[%dma_start3A_151, %dma_start3A_153, %dma_start3A_154] : memref<2x128x64xi32, #tpu.memory_space<vmem>> -> memref<1x128x64xi32, #tpu.memory_space<vmem>>
          %dma_start3A_156 = tpu.memref_squeeze %dma_start3A_155 : memref<1x128x64xi32, #tpu.memory_space<vmem>> -> memref<128x64xi32, #tpu.memory_space<vmem>>
          %dma_start3A_157 = arith.constant 0 : i32
          %dma_start3A_158 = tpu.memref_slice %arg4[%mul3A_150, %dma_start3A_157] : memref<163840x64xi32, #tpu.memory_space<hbm>> -> memref<128x64xi32, #tpu.memory_space<hbm>>
          %dma_start3A_159 = tpu.memref_slice %arg10[%dma_start3A_152] : memref<2x!tpu.dma_semaphore, #tpu.memory_space<semaphore_mem>> -> memref<1x!tpu.dma_semaphore, #tpu.memory_space<semaphore_mem>>
          %dma_start3A_160 = tpu.memref_squeeze %dma_start3A_159 : memref<1x!tpu.dma_semaphore, #tpu.memory_space<semaphore_mem>> -> memref<!tpu.dma_semaphore, #tpu.memory_space<semaphore_mem>>
          %dma_start3A_161 = arith.constant 0 : i32
          %dma_start3A_162 = tpu.memref_slice %arg4[%mul3A_150, %dma_start3A_161] : memref<163840x64xi32, #tpu.memory_space<hbm>> -> memref<128x64xi32, #tpu.memory_space<hbm>>
          %dma_start3A_163 = arith.constant 0 : i32
          %dma_start3A_164 = arith.constant 0 : i32
          %dma_start3A_165 = tpu.memref_slice %arg6[%dma_start3A_151, %dma_start3A_163, %dma_start3A_164] : memref<2x128x64xi32, #tpu.memory_space<vmem>> -> memref<1x128x64xi32, #tpu.memory_space<vmem>>
          %dma_start3A_166 = tpu.memref_squeeze %dma_start3A_165 : memref<1x128x64xi32, #tpu.memory_space<vmem>> -> memref<128x64xi32, #tpu.memory_space<vmem>>
          tpu.enqueue_dma source(%dma_start3A_166 : memref<128x64xi32, #tpu.memory_space<vmem>>) target(%dma_start3A_162 : memref<128x64xi32, #tpu.memory_space<hbm>>) target_semaphore(%dma_start3A_160 : memref<!tpu.dma_semaphore, #tpu.memory_space<semaphore_mem>>)
          %sub3A_167 = arith.constant 1 : i32
          %sub3A_168 = arith.subi %add3A_89, %sub3A_167 : i32
          %add3A_169 = arith.constant 2 : i32
          %add3A_170 = arith.addi %sub3A_168, %add3A_169 : i32
          %lt3A_171 = arith.cmpi slt, %add3A_170, %min3A_4 : i32
          %convert_element_type3A_172 = arith.extui %lt3A_171 : i1 to i32
          %cond3A_173 = arith.constant 0 : i32
          %cond3A_174 = arith.cmpi ne, %convert_element_type3A_172, %cond3A_173 : i32
          scf.if %cond3A_174 {
            %sub3A_175 = arith.constant 1 : i32
            %sub3A_176 = arith.subi %add3A_89, %sub3A_175 : i32
            %add3A_177 = arith.constant 2 : i32
            %add3A_178 = arith.addi %sub3A_176, %add3A_177 : i32
            %add3A_179 = arith.addi %mul3A_2, %add3A_178 : i32
            %mul3A_180 = arith.constant 128 : i32
            %mul3A_181 = arith.muli %add3A_179, %mul3A_180 : i32
            %dma_start3A_182 = arith.constant 0 : i32
            %dma_start3A_183 = arith.constant 0 : i32
            %dma_start3A_184 = arith.constant 0 : i32
            %dma_start3A_185 = tpu.memref_slice %arg5[%dma_start3A_182, %dma_start3A_184] : memref<2x128xi32, #tpu.memory_space<vmem>> -> memref<1x128xi32, #tpu.memory_space<vmem>>
            %dma_start3A_186 = tpu.memref_squeeze %dma_start3A_185 : memref<1x128xi32, #tpu.memory_space<vmem>> -> memref<128xi32, #tpu.memory_space<vmem>>
            %dma_start3A_187 = tpu.memref_slice %arg3[%mul3A_181] : memref<163840xi32, #tpu.memory_space<hbm>> -> memref<128xi32, #tpu.memory_space<hbm>>
            %dma_start3A_188 = tpu.memref_slice %arg8[%dma_start3A_183] : memref<2x!tpu.dma_semaphore, #tpu.memory_space<semaphore_mem>> -> memref<1x!tpu.dma_semaphore, #tpu.memory_space<semaphore_mem>>
            %dma_start3A_189 = tpu.memref_squeeze %dma_start3A_188 : memref<1x!tpu.dma_semaphore, #tpu.memory_space<semaphore_mem>> -> memref<!tpu.dma_semaphore, #tpu.memory_space<semaphore_mem>>
            %dma_start3A_190 = arith.constant 0 : i32
            %dma_start3A_191 = tpu.memref_slice %arg5[%dma_start3A_182, %dma_start3A_190] : memref<2x128xi32, #tpu.memory_space<vmem>> -> memref<1x128xi32, #tpu.memory_space<vmem>>
            %dma_start3A_192 = tpu.memref_squeeze %dma_start3A_191 : memref<1x128xi32, #tpu.memory_space<vmem>> -> memref<128xi32, #tpu.memory_space<vmem>>
            %dma_start3A_193 = tpu.memref_slice %arg3[%mul3A_181] : memref<163840xi32, #tpu.memory_space<hbm>> -> memref<128xi32, #tpu.memory_space<hbm>>
            tpu.enqueue_dma source(%dma_start3A_193 : memref<128xi32, #tpu.memory_space<hbm>>) target(%dma_start3A_192 : memref<128xi32, #tpu.memory_space<vmem>>) target_semaphore(%dma_start3A_189 : memref<!tpu.dma_semaphore, #tpu.memory_space<semaphore_mem>>)
          } else {
          }
        } else {
        }
      } else {
      }
    }
    %scan3A_17 = arith.constant 20 : i32
    %gt3A_18 = arith.constant 0 : i32
    %gt3A_19 = arith.cmpi sgt, %min3A_4, %gt3A_18 : i32
    %sub3A_20 = arith.constant 1 : i32
    %sub3A_21 = arith.subi %min3A_4, %sub3A_20 : i32
    %jit3A = arith.constant 2 : i32
    %eq3A = arith.constant 0 : i32
    %eq3A_22 = arith.cmpi eq, %jit3A, %eq3A : i32
    %jit3A_23 = arith.constant 1 : i32
    %select_n3A = arith.select %eq3A_22, %jit3A_23, %jit3A : i32
    %rem3A = arith.remsi %sub3A_21, %select_n3A : i32
    %ne3A = arith.constant 0 : i32
    %ne3A_24 = arith.cmpi ne, %rem3A, %ne3A : i32
    %lt3A = arith.constant 0 : i32
    %lt3A_25 = arith.cmpi slt, %rem3A, %lt3A : i32
    %lt3A_26 = arith.constant 0 : i32
    %lt3A_27 = arith.cmpi slt, %select_n3A, %lt3A_26 : i32
    %ne3A_28 = arith.xori %lt3A_25, %lt3A_27 : i1
    %and3A = arith.andi %ne3A_28, %ne3A_24 : i1
    %add3A_29 = arith.addi %rem3A, %select_n3A : i32
    %select_n3A_30 = arith.select %and3A, %add3A_29, %rem3A : i32
    %eq3A_31 = arith.constant 0 : i32
    %eq3A_32 = arith.cmpi eq, %select_n3A_30, %eq3A_31 : i32
    %and3A_33 = arith.andi %gt3A_19, %eq3A_32 : i1
    %convert_element_type3A_34 = arith.extui %and3A_33 : i1 to i32
    %cond3A_35 = arith.constant 0 : i32
    %cond3A_36 = arith.cmpi ne, %convert_element_type3A_34, %cond3A_35 : i32
    scf.if %cond3A_36 {
      %dma_wait3A = arith.constant 0 : i32
      %dma_wait3A_73 = arith.constant 0 : i32
      %dma_wait3A_74 = arith.constant 0 : i32
      %dma_wait3A_75 = arith.constant 0 : i32
      %dma_wait3A_76 = arith.constant 0 : i32
      %dma_wait3A_77 = tpu.memref_slice %arg6[%dma_wait3A_73, %dma_wait3A_75, %dma_wait3A_76] : memref<2x128x64xi32, #tpu.memory_space<vmem>> -> memref<1x128x64xi32, #tpu.memory_space<vmem>>
      %dma_wait3A_78 = tpu.memref_squeeze %dma_wait3A_77 : memref<1x128x64xi32, #tpu.memory_space<vmem>> -> memref<128x64xi32, #tpu.memory_space<vmem>>
      %dma_wait3A_79 = arith.constant 0 : i32
      %dma_wait3A_80 = tpu.memref_slice %arg5[%dma_wait3A, %dma_wait3A_79] : memref<2x128xi32, #tpu.memory_space<vmem>> -> memref<1x128xi32, #tpu.memory_space<vmem>>
      %dma_wait3A_81 = tpu.memref_squeeze %dma_wait3A_80 : memref<1x128xi32, #tpu.memory_space<vmem>> -> memref<128xi32, #tpu.memory_space<vmem>>
      %dma_wait3A_82 = arith.constant 0 : i32
      %dma_wait3A_83 = arith.constant 0 : i32
      %dma_wait3A_84 = tpu.memref_slice %arg7[%dma_wait3A_82, %dma_wait3A_83] : memref<10240x64xi32, #tpu.memory_space<vmem_shared>> -> memref<10240x64xi32, #tpu.memory_space<vmem_shared>>
      %dma_wait3A_85 = tpu.memref_slice %arg9[%dma_wait3A_74] : memref<2x!tpu.dma_semaphore, #tpu.memory_space<semaphore_mem>> -> memref<1x!tpu.dma_semaphore, #tpu.memory_space<semaphore_mem>>
      %dma_wait3A_86 = tpu.memref_squeeze %dma_wait3A_85 : memref<1x!tpu.dma_semaphore, #tpu.memory_space<semaphore_mem>> -> memref<!tpu.dma_semaphore, #tpu.memory_space<semaphore_mem>>
      tpu.wait_indirect_dma semaphore(%dma_wait3A_86 : memref<!tpu.dma_semaphore, #tpu.memory_space<semaphore_mem>>) src(%dma_wait3A_84 : memref<10240x64xi32, #tpu.memory_space<vmem_shared>>) dst(%dma_wait3A_78 : memref<128x64xi32, #tpu.memory_space<vmem>>)
      %sub3A_87 = arith.constant 1 : i32
      %sub3A_88 = arith.subi %min3A_4, %sub3A_87 : i32
      %add3A_89 = arith.addi %mul3A_2, %sub3A_88 : i32
      %mul3A_90 = arith.constant 128 : i32
      %mul3A_91 = arith.muli %add3A_89, %mul3A_90 : i32
      %dma_start3A = arith.constant 0 : i32
      %dma_start3A_92 = arith.constant 0 : i32
      %dma_start3A_93 = arith.constant 0 : i32
      %dma_start3A_94 = arith.constant 0 : i32
      %dma_start3A_95 = tpu.memref_slice %arg6[%dma_start3A, %dma_start3A_93, %dma_start3A_94] : memref<2x128x64xi32, #tpu.memory_space<vmem>> -> memref<1x128x64xi32, #tpu.memory_space<vmem>>
      %dma_start3A_96 = tpu.memref_squeeze %dma_start3A_95 : memref<1x128x64xi32, #tpu.memory_space<vmem>> -> memref<128x64xi32, #tpu.memory_space<vmem>>
      %dma_start3A_97 = arith.constant 0 : i32
      %dma_start3A_98 = tpu.memref_slice %arg4[%mul3A_91, %dma_start3A_97] : memref<163840x64xi32, #tpu.memory_space<hbm>> -> memref<128x64xi32, #tpu.memory_space<hbm>>
      %dma_start3A_99 = tpu.memref_slice %arg10[%dma_start3A_92] : memref<2x!tpu.dma_semaphore, #tpu.memory_space<semaphore_mem>> -> memref<1x!tpu.dma_semaphore, #tpu.memory_space<semaphore_mem>>
      %dma_start3A_100 = tpu.memref_squeeze %dma_start3A_99 : memref<1x!tpu.dma_semaphore, #tpu.memory_space<semaphore_mem>> -> memref<!tpu.dma_semaphore, #tpu.memory_space<semaphore_mem>>
      %dma_start3A_101 = arith.constant 0 : i32
      %dma_start3A_102 = tpu.memref_slice %arg4[%mul3A_91, %dma_start3A_101] : memref<163840x64xi32, #tpu.memory_space<hbm>> -> memref<128x64xi32, #tpu.memory_space<hbm>>
      %dma_start3A_103 = arith.constant 0 : i32
      %dma_start3A_104 = arith.constant 0 : i32
      %dma_start3A_105 = tpu.memref_slice %arg6[%dma_start3A, %dma_start3A_103, %dma_start3A_104] : memref<2x128x64xi32, #tpu.memory_space<vmem>> -> memref<1x128x64xi32, #tpu.memory_space<vmem>>
      %dma_start3A_106 = tpu.memref_squeeze %dma_start3A_105 : memref<1x128x64xi32, #tpu.memory_space<vmem>> -> memref<128x64xi32, #tpu.memory_space<vmem>>
      tpu.enqueue_dma source(%dma_start3A_106 : memref<128x64xi32, #tpu.memory_space<vmem>>) target(%dma_start3A_102 : memref<128x64xi32, #tpu.memory_space<hbm>>) target_semaphore(%dma_start3A_100 : memref<!tpu.dma_semaphore, #tpu.memory_space<semaphore_mem>>)
    } else {
    }
    %gt3A_37 = arith.constant 0 : i32
    %gt3A_38 = arith.cmpi sgt, %min3A_4, %gt3A_37 : i32
    %sub3A_39 = arith.constant 1 : i32
    %sub3A_40 = arith.subi %min3A_4, %sub3A_39 : i32
    %jit3A_41 = arith.constant 2 : i32
    %eq3A_42 = arith.constant 0 : i32
    %eq3A_43 = arith.cmpi eq, %jit3A_41, %eq3A_42 : i32
    %jit3A_44 = arith.constant 1 : i32
    %select_n3A_45 = arith.select %eq3A_43, %jit3A_44, %jit3A_41 : i32
    %rem3A_46 = arith.remsi %sub3A_40, %select_n3A_45 : i32
    %ne3A_47 = arith.constant 0 : i32
    %ne3A_48 = arith.cmpi ne, %rem3A_46, %ne3A_47 : i32
    %lt3A_49 = arith.constant 0 : i32
    %lt3A_50 = arith.cmpi slt, %rem3A_46, %lt3A_49 : i32
    %lt3A_51 = arith.constant 0 : i32
    %lt3A_52 = arith.cmpi slt, %select_n3A_45, %lt3A_51 : i32
    %ne3A_53 = arith.xori %lt3A_50, %lt3A_52 : i1
    %and3A_54 = arith.andi %ne3A_53, %ne3A_48 : i1
    %add3A_55 = arith.addi %rem3A_46, %select_n3A_45 : i32
    %select_n3A_56 = arith.select %and3A_54, %add3A_55, %rem3A_46 : i32
    %eq3A_57 = arith.constant 1 : i32
    %eq3A_58 = arith.cmpi eq, %select_n3A_56, %eq3A_57 : i32
    %and3A_59 = arith.andi %gt3A_38, %eq3A_58 : i1
    %convert_element_type3A_60 = arith.extui %and3A_59 : i1 to i32
    %cond3A_61 = arith.constant 0 : i32
    %cond3A_62 = arith.cmpi ne, %convert_element_type3A_60, %cond3A_61 : i32
    scf.if %cond3A_62 {
      %dma_wait3A = arith.constant 1 : i32
      %dma_wait3A_73 = arith.constant 1 : i32
      %dma_wait3A_74 = arith.constant 1 : i32
      %dma_wait3A_75 = arith.constant 0 : i32
      %dma_wait3A_76 = arith.constant 0 : i32
      %dma_wait3A_77 = tpu.memref_slice %arg6[%dma_wait3A_73, %dma_wait3A_75, %dma_wait3A_76] : memref<2x128x64xi32, #tpu.memory_space<vmem>> -> memref<1x128x64xi32, #tpu.memory_space<vmem>>
      %dma_wait3A_78 = tpu.memref_squeeze %dma_wait3A_77 : memref<1x128x64xi32, #tpu.memory_space<vmem>> -> memref<128x64xi32, #tpu.memory_space<vmem>>
      %dma_wait3A_79 = arith.constant 0 : i32
      %dma_wait3A_80 = tpu.memref_slice %arg5[%dma_wait3A, %dma_wait3A_79] : memref<2x128xi32, #tpu.memory_space<vmem>> -> memref<1x128xi32, #tpu.memory_space<vmem>>
      %dma_wait3A_81 = tpu.memref_squeeze %dma_wait3A_80 : memref<1x128xi32, #tpu.memory_space<vmem>> -> memref<128xi32, #tpu.memory_space<vmem>>
      %dma_wait3A_82 = arith.constant 0 : i32
      %dma_wait3A_83 = arith.constant 0 : i32
      %dma_wait3A_84 = tpu.memref_slice %arg7[%dma_wait3A_82, %dma_wait3A_83] : memref<10240x64xi32, #tpu.memory_space<vmem_shared>> -> memref<10240x64xi32, #tpu.memory_space<vmem_shared>>
      %dma_wait3A_85 = tpu.memref_slice %arg9[%dma_wait3A_74] : memref<2x!tpu.dma_semaphore, #tpu.memory_space<semaphore_mem>> -> memref<1x!tpu.dma_semaphore, #tpu.memory_space<semaphore_mem>>
      %dma_wait3A_86 = tpu.memref_squeeze %dma_wait3A_85 : memref<1x!tpu.dma_semaphore, #tpu.memory_space<semaphore_mem>> -> memref<!tpu.dma_semaphore, #tpu.memory_space<semaphore_mem>>
      tpu.wait_indirect_dma semaphore(%dma_wait3A_86 : memref<!tpu.dma_semaphore, #tpu.memory_space<semaphore_mem>>) src(%dma_wait3A_84 : memref<10240x64xi32, #tpu.memory_space<vmem_shared>>) dst(%dma_wait3A_78 : memref<128x64xi32, #tpu.memory_space<vmem>>)
      %sub3A_87 = arith.constant 1 : i32
      %sub3A_88 = arith.subi %min3A_4, %sub3A_87 : i32
      %add3A_89 = arith.addi %mul3A_2, %sub3A_88 : i32
      %mul3A_90 = arith.constant 128 : i32
      %mul3A_91 = arith.muli %add3A_89, %mul3A_90 : i32
      %dma_start3A = arith.constant 1 : i32
      %dma_start3A_92 = arith.constant 1 : i32
      %dma_start3A_93 = arith.constant 0 : i32
      %dma_start3A_94 = arith.constant 0 : i32
      %dma_start3A_95 = tpu.memref_slice %arg6[%dma_start3A, %dma_start3A_93, %dma_start3A_94] : memref<2x128x64xi32, #tpu.memory_space<vmem>> -> memref<1x128x64xi32, #tpu.memory_space<vmem>>
      %dma_start3A_96 = tpu.memref_squeeze %dma_start3A_95 : memref<1x128x64xi32, #tpu.memory_space<vmem>> -> memref<128x64xi32, #tpu.memory_space<vmem>>
      %dma_start3A_97 = arith.constant 0 : i32
      %dma_start3A_98 = tpu.memref_slice %arg4[%mul3A_91, %dma_start3A_97] : memref<163840x64xi32, #tpu.memory_space<hbm>> -> memref<128x64xi32, #tpu.memory_space<hbm>>
      %dma_start3A_99 = tpu.memref_slice %arg10[%dma_start3A_92] : memref<2x!tpu.dma_semaphore, #tpu.memory_space<semaphore_mem>> -> memref<1x!tpu.dma_semaphore, #tpu.memory_space<semaphore_mem>>
      %dma_start3A_100 = tpu.memref_squeeze %dma_start3A_99 : memref<1x!tpu.dma_semaphore, #tpu.memory_space<semaphore_mem>> -> memref<!tpu.dma_semaphore, #tpu.memory_space<semaphore_mem>>
      %dma_start3A_101 = arith.constant 0 : i32
      %dma_start3A_102 = tpu.memref_slice %arg4[%mul3A_91, %dma_start3A_101] : memref<163840x64xi32, #tpu.memory_space<hbm>> -> memref<128x64xi32, #tpu.memory_space<hbm>>
      %dma_start3A_103 = arith.constant 0 : i32
      %dma_start3A_104 = arith.constant 0 : i32
      %dma_start3A_105 = tpu.memref_slice %arg6[%dma_start3A, %dma_start3A_103, %dma_start3A_104] : memref<2x128x64xi32, #tpu.memory_space<vmem>> -> memref<1x128x64xi32, #tpu.memory_space<vmem>>
      %dma_start3A_106 = tpu.memref_squeeze %dma_start3A_105 : memref<1x128x64xi32, #tpu.memory_space<vmem>> -> memref<128x64xi32, #tpu.memory_space<vmem>>
      tpu.enqueue_dma source(%dma_start3A_106 : memref<128x64xi32, #tpu.memory_space<vmem>>) target(%dma_start3A_102 : memref<128x64xi32, #tpu.memory_space<hbm>>) target_semaphore(%dma_start3A_100 : memref<!tpu.dma_semaphore, #tpu.memory_space<semaphore_mem>>)
    } else {
    }
    %gt3A_63 = arith.constant 0 : i32
    %gt3A_64 = arith.cmpi sgt, %min3A_4, %gt3A_63 : i32
    %convert_element_type3A_65 = arith.extui %gt3A_64 : i1 to i32
    %cond3A_66 = arith.constant 0 : i32
    %cond3A_67 = arith.cmpi ne, %convert_element_type3A_65, %cond3A_66 : i32
    scf.if %cond3A_67 {
      %add3A_73 = arith.constant 0 : i32
      %add3A_74 = arith.addi %mul3A_2, %add3A_73 : i32
      %mul3A_75 = arith.constant 128 : i32
      %mul3A_76 = arith.muli %add3A_74, %mul3A_75 : i32
      %dma_wait3A = arith.constant 0 : i32
      %dma_wait3A_77 = arith.constant 0 : i32
      %dma_wait3A_78 = arith.constant 0 : i32
      %dma_wait3A_79 = arith.constant 0 : i32
      %dma_wait3A_80 = tpu.memref_slice %arg6[%dma_wait3A, %dma_wait3A_78, %dma_wait3A_79] : memref<2x128x64xi32, #tpu.memory_space<vmem>> -> memref<1x128x64xi32, #tpu.memory_space<vmem>>
      %dma_wait3A_81 = tpu.memref_squeeze %dma_wait3A_80 : memref<1x128x64xi32, #tpu.memory_space<vmem>> -> memref<128x64xi32, #tpu.memory_space<vmem>>
      %dma_wait3A_82 = arith.constant 0 : i32
      %dma_wait3A_83 = tpu.memref_slice %arg4[%mul3A_76, %dma_wait3A_82] : memref<163840x64xi32, #tpu.memory_space<hbm>> -> memref<128x64xi32, #tpu.memory_space<hbm>>
      %dma_wait3A_84 = tpu.memref_slice %arg10[%dma_wait3A_77] : memref<2x!tpu.dma_semaphore, #tpu.memory_space<semaphore_mem>> -> memref<1x!tpu.dma_semaphore, #tpu.memory_space<semaphore_mem>>
      %dma_wait3A_85 = tpu.memref_squeeze %dma_wait3A_84 : memref<1x!tpu.dma_semaphore, #tpu.memory_space<semaphore_mem>> -> memref<!tpu.dma_semaphore, #tpu.memory_space<semaphore_mem>>
      %dma_wait3A_86 = arith.constant 0 : i32
      %dma_wait3A_87 = tpu.memref_slice %arg4[%mul3A_76, %dma_wait3A_86] : memref<163840x64xi32, #tpu.memory_space<hbm>> -> memref<128x64xi32, #tpu.memory_space<hbm>>
      %dma_wait3A_88 = arith.constant 0 : i32
      %dma_wait3A_89 = arith.constant 0 : i32
      %dma_wait3A_90 = tpu.memref_slice %arg6[%dma_wait3A, %dma_wait3A_88, %dma_wait3A_89] : memref<2x128x64xi32, #tpu.memory_space<vmem>> -> memref<1x128x64xi32, #tpu.memory_space<vmem>>
      %dma_wait3A_91 = tpu.memref_squeeze %dma_wait3A_90 : memref<1x128x64xi32, #tpu.memory_space<vmem>> -> memref<128x64xi32, #tpu.memory_space<vmem>>
      tpu.wait_dma2 semaphore(%dma_wait3A_85 : memref<!tpu.dma_semaphore, #tpu.memory_space<semaphore_mem>>) src(%dma_wait3A_91 : memref<128x64xi32, #tpu.memory_space<vmem>>) dst(%dma_wait3A_87 : memref<128x64xi32, #tpu.memory_space<hbm>>)
    } else {
    }
    %gt3A_68 = arith.constant 1 : i32
    %gt3A_69 = arith.cmpi sgt, %min3A_4, %gt3A_68 : i32
    %convert_element_type3A_70 = arith.extui %gt3A_69 : i1 to i32
    %cond3A_71 = arith.constant 0 : i32
    %cond3A_72 = arith.cmpi ne, %convert_element_type3A_70, %cond3A_71 : i32
    scf.if %cond3A_72 {
      %add3A_73 = arith.constant 0 : i32
      %add3A_74 = arith.addi %mul3A_2, %add3A_73 : i32
      %mul3A_75 = arith.constant 128 : i32
      %mul3A_76 = arith.muli %add3A_74, %mul3A_75 : i32
      %dma_wait3A = arith.constant 1 : i32
      %dma_wait3A_77 = arith.constant 1 : i32
      %dma_wait3A_78 = arith.constant 0 : i32
      %dma_wait3A_79 = arith.constant 0 : i32
      %dma_wait3A_80 = tpu.memref_slice %arg6[%dma_wait3A, %dma_wait3A_78, %dma_wait3A_79] : memref<2x128x64xi32, #tpu.memory_space<vmem>> -> memref<1x128x64xi32, #tpu.memory_space<vmem>>
      %dma_wait3A_81 = tpu.memref_squeeze %dma_wait3A_80 : memref<1x128x64xi32, #tpu.memory_space<vmem>> -> memref<128x64xi32, #tpu.memory_space<vmem>>
      %dma_wait3A_82 = arith.constant 0 : i32
      %dma_wait3A_83 = tpu.memref_slice %arg4[%mul3A_76, %dma_wait3A_82] : memref<163840x64xi32, #tpu.memory_space<hbm>> -> memref<128x64xi32, #tpu.memory_space<hbm>>
      %dma_wait3A_84 = tpu.memref_slice %arg10[%dma_wait3A_77] : memref<2x!tpu.dma_semaphore, #tpu.memory_space<semaphore_mem>> -> memref<1x!tpu.dma_semaphore, #tpu.memory_space<semaphore_mem>>
      %dma_wait3A_85 = tpu.memref_squeeze %dma_wait3A_84 : memref<1x!tpu.dma_semaphore, #tpu.memory_space<semaphore_mem>> -> memref<!tpu.dma_semaphore, #tpu.memory_space<semaphore_mem>>
      %dma_wait3A_86 = arith.constant 0 : i32
      %dma_wait3A_87 = tpu.memref_slice %arg4[%mul3A_76, %dma_wait3A_86] : memref<163840x64xi32, #tpu.memory_space<hbm>> -> memref<128x64xi32, #tpu.memory_space<hbm>>
      %dma_wait3A_88 = arith.constant 0 : i32
      %dma_wait3A_89 = arith.constant 0 : i32
      %dma_wait3A_90 = tpu.memref_slice %arg6[%dma_wait3A, %dma_wait3A_88, %dma_wait3A_89] : memref<2x128x64xi32, #tpu.memory_space<vmem>> -> memref<1x128x64xi32, #tpu.memory_space<vmem>>
      %dma_wait3A_91 = tpu.memref_squeeze %dma_wait3A_90 : memref<1x128x64xi32, #tpu.memory_space<vmem>> -> memref<128x64xi32, #tpu.memory_space<vmem>>
      tpu.wait_dma2 semaphore(%dma_wait3A_85 : memref<!tpu.dma_semaphore, #tpu.memory_space<semaphore_mem>>) src(%dma_wait3A_91 : memref<128x64xi32, #tpu.memory_space<vmem>>) dst(%dma_wait3A_87 : memref<128x64xi32, #tpu.memory_space<hbm>>)
    } else {
    }
    return
  }
}

#map = affine_map<(d0, d1) -> (0, 0)>
#map1 = affine_map<(d0, d1) -> (0)>
module attributes {stable_mosaic.version = 14 : i64} {
  func.func @gather_kernel(%arg0: i32, %arg1: i32, %arg2: memref<10240x64xi32, #tpu.memory_space<hbm>>, %arg3: memref<163840xi32, #tpu.memory_space<hbm>>, %arg4: memref<163840x64xi32, #tpu.memory_space<hbm>>, %arg5: memref<2x128xi32, #tpu.memory_space<vmem>>, %arg6: memref<2x128x64xi32, #tpu.memory_space<vmem>>, %arg7: memref<10240x64xi32, #tpu.memory_space<vmem_shared>>, %arg8: memref<2x!tpu.dma_semaphore, #tpu.memory_space<semaphore_mem>>, %arg9: memref<2x!tpu.dma_semaphore, #tpu.memory_space<semaphore_mem>>, %arg10: memref<2x!tpu.dma_semaphore, #tpu.memory_space<semaphore_mem>>) attributes {dimension_semantics = [#tpu.dimension_semantics<core_parallel>, #tpu.dimension_semantics<subcore_parallel>], iteration_bounds = array<i64: 2, 16>, scalar_prefetch = 0 : i64, scratch_operands = 6 : i64, tpu.core_type = #tpu.core_type<sc_vector_subcore>, window_params = [{transform_indices = #map}, {transform_indices = #map1}, {transform_indices = #map}]} {
    %mul3A = arith.constant 2 : i32
    %mul3A_0 = arith.muli %arg1, %mul3A : i32
    %add3A = arith.addi %mul3A_0, %arg0 : i32
    %mul3A_1 = arith.constant 40 : i32
    %mul3A_2 = arith.muli %add3A, %mul3A_1 : i32
    %sub3A = arith.constant 1280 : i32
    %sub3A_3 = arith.subi %sub3A, %mul3A_2 : i32
    %min3A = arith.constant 40 : i32
    %min3A_4 = arith.minsi %sub3A_3, %min3A : i32
    %mul3A_5 = arith.constant 640 : i32
    %mul3A_6 = arith.muli %arg1, %mul3A_5 : i32
    "tpu.region"() ({
      %run_scoped3A = tpu.sem_alloc : memref<!tpu.dma_semaphore, #tpu.memory_space<semaphore_mem>>
      %dma_start3A = arith.constant 0 : i32
      %dma_start3A_73 = tpu.memref_slice %arg7[%mul3A_6, %dma_start3A] : memref<10240x64xi32, #tpu.memory_space<vmem_shared>> -> memref<640x64xi32, #tpu.memory_space<vmem_shared>>
      %dma_start3A_74 = arith.constant 0 : i32
      %dma_start3A_75 = tpu.memref_slice %arg2[%mul3A_6, %dma_start3A_74] : memref<10240x64xi32, #tpu.memory_space<hbm>> -> memref<640x64xi32, #tpu.memory_space<hbm>>
      tpu.enqueue_dma source(%dma_start3A_75 : memref<640x64xi32, #tpu.memory_space<hbm>>) target(%dma_start3A_73 : memref<640x64xi32, #tpu.memory_space<vmem_shared>>) target_semaphore(%run_scoped3A : memref<!tpu.dma_semaphore, #tpu.memory_space<semaphore_mem>>)
      %dma_wait3A = arith.constant 0 : i32
      %dma_wait3A_76 = tpu.memref_slice %arg7[%mul3A_6, %dma_wait3A] : memref<10240x64xi32, #tpu.memory_space<vmem_shared>> -> memref<640x64xi32, #tpu.memory_space<vmem_shared>>
      %dma_wait3A_77 = arith.constant 0 : i32
      %dma_wait3A_78 = tpu.memref_slice %arg2[%mul3A_6, %dma_wait3A_77] : memref<10240x64xi32, #tpu.memory_space<hbm>> -> memref<640x64xi32, #tpu.memory_space<hbm>>
      tpu.wait_dma2 semaphore(%run_scoped3A : memref<!tpu.dma_semaphore, #tpu.memory_space<semaphore_mem>>) src(%dma_wait3A_78 : memref<640x64xi32, #tpu.memory_space<hbm>>) dst(%dma_wait3A_76 : memref<640x64xi32, #tpu.memory_space<vmem_shared>>)
      tpu.yield
    }) : () -> ()
    %barrier3A = arith.constant 0 : index
    tpu.barrier barrier_id(%barrier3A)
    %gt3A = arith.constant 0 : i32
    %gt3A_7 = arith.cmpi sgt, %min3A_4, %gt3A : i32
    %convert_element_type3A = arith.extui %gt3A_7 : i1 to i32
    %cond3A = arith.constant 0 : i32
    %cond3A_8 = arith.cmpi ne, %convert_element_type3A, %cond3A : i32
    scf.if %cond3A_8 {
      %add3A_73 = arith.constant 0 : i32
      %add3A_74 = arith.addi %mul3A_2, %add3A_73 : i32
      %mul3A_75 = arith.constant 128 : i32
      %mul3A_76 = arith.muli %add3A_74, %mul3A_75 : i32
      %dma_start3A = arith.constant 0 : i32
      %dma_start3A_77 = arith.constant 0 : i32
      %dma_start3A_78 = arith.constant 0 : i32
      %dma_start3A_79 = tpu.memref_slice %arg5[%dma_start3A, %dma_start3A_78] : memref<2x128xi32, #tpu.memory_space<vmem>> -> memref<1x128xi32, #tpu.memory_space<vmem>>
      %dma_start3A_80 = tpu.memref_squeeze %dma_start3A_79 : memref<1x128xi32, #tpu.memory_space<vmem>> -> memref<128xi32, #tpu.memory_space<vmem>>
      %dma_start3A_81 = tpu.memref_slice %arg3[%mul3A_76] : memref<163840xi32, #tpu.memory_space<hbm>> -> memref<128xi32, #tpu.memory_space<hbm>>
      %dma_start3A_82 = tpu.memref_slice %arg8[%dma_start3A_77] : memref<2x!tpu.dma_semaphore, #tpu.memory_space<semaphore_mem>> -> memref<1x!tpu.dma_semaphore, #tpu.memory_space<semaphore_mem>>
      %dma_start3A_83 = tpu.memref_squeeze %dma_start3A_82 : memref<1x!tpu.dma_semaphore, #tpu.memory_space<semaphore_mem>> -> memref<!tpu.dma_semaphore, #tpu.memory_space<semaphore_mem>>
      %dma_start3A_84 = arith.constant 0 : i32
      %dma_start3A_85 = tpu.memref_slice %arg5[%dma_start3A, %dma_start3A_84] : memref<2x128xi32, #tpu.memory_space<vmem>> -> memref<1x128xi32, #tpu.memory_space<vmem>>
      %dma_start3A_86 = tpu.memref_squeeze %dma_start3A_85 : memref<1x128xi32, #tpu.memory_space<vmem>> -> memref<128xi32, #tpu.memory_space<vmem>>
      %dma_start3A_87 = tpu.memref_slice %arg3[%mul3A_76] : memref<163840xi32, #tpu.memory_space<hbm>> -> memref<128xi32, #tpu.memory_space<hbm>>
      tpu.enqueue_dma source(%dma_start3A_87 : memref<128xi32, #tpu.memory_space<hbm>>) target(%dma_start3A_86 : memref<128xi32, #tpu.memory_space<vmem>>) target_semaphore(%dma_start3A_83 : memref<!tpu.dma_semaphore, #tpu.memory_space<semaphore_mem>>)
    } else {
    }
    %gt3A_9 = arith.constant 1 : i32
    %gt3A_10 = arith.cmpi sgt, %min3A_4, %gt3A_9 : i32
    %convert_element_type3A_11 = arith.extui %gt3A_10 : i1 to i32
    %cond3A_12 = arith.constant 0 : i32
    %cond3A_13 = arith.cmpi ne, %convert_element_type3A_11, %cond3A_12 : i32
    scf.if %cond3A_13 {
      %add3A_73 = arith.constant 1 : i32
      %add3A_74 = arith.addi %mul3A_2, %add3A_73 : i32
      %mul3A_75 = arith.constant 128 : i32
      %mul3A_76 = arith.muli %add3A_74, %mul3A_75 : i32
      %dma_start3A = arith.constant 1 : i32
      %dma_start3A_77 = arith.constant 1 : i32
      %dma_start3A_78 = arith.constant 0 : i32
      %dma_start3A_79 = tpu.memref_slice %arg5[%dma_start3A, %dma_start3A_78] : memref<2x128xi32, #tpu.memory_space<vmem>> -> memref<1x128xi32, #tpu.memory_space<vmem>>
      %dma_start3A_80 = tpu.memref_squeeze %dma_start3A_79 : memref<1x128xi32, #tpu.memory_space<vmem>> -> memref<128xi32, #tpu.memory_space<vmem>>
      %dma_start3A_81 = tpu.memref_slice %arg3[%mul3A_76] : memref<163840xi32, #tpu.memory_space<hbm>> -> memref<128xi32, #tpu.memory_space<hbm>>
      %dma_start3A_82 = tpu.memref_slice %arg8[%dma_start3A_77] : memref<2x!tpu.dma_semaphore, #tpu.memory_space<semaphore_mem>> -> memref<1x!tpu.dma_semaphore, #tpu.memory_space<semaphore_mem>>
      %dma_start3A_83 = tpu.memref_squeeze %dma_start3A_82 : memref<1x!tpu.dma_semaphore, #tpu.memory_space<semaphore_mem>> -> memref<!tpu.dma_semaphore, #tpu.memory_space<semaphore_mem>>
      %dma_start3A_84 = arith.constant 0 : i32
      %dma_start3A_85 = tpu.memref_slice %arg5[%dma_start3A, %dma_start3A_84] : memref<2x128xi32, #tpu.memory_space<vmem>> -> memref<1x128xi32, #tpu.memory_space<vmem>>
      %dma_start3A_86 = tpu.memref_squeeze %dma_start3A_85 : memref<1x128xi32, #tpu.memory_space<vmem>> -> memref<128xi32, #tpu.memory_space<vmem>>
      %dma_start3A_87 = tpu.memref_slice %arg3[%mul3A_76] : memref<163840xi32, #tpu.memory_space<hbm>> -> memref<128xi32, #tpu.memory_space<hbm>>
      tpu.enqueue_dma source(%dma_start3A_87 : memref<128xi32, #tpu.memory_space<hbm>>) target(%dma_start3A_86 : memref<128xi32, #tpu.memory_space<vmem>>) target_semaphore(%dma_start3A_83 : memref<!tpu.dma_semaphore, #tpu.memory_space<semaphore_mem>>)
    } else {
    }
    %scan3A = arith.constant 0 : i32
    %scan3A_14 = arith.constant 20 : i32
    %scan3A_15 = arith.addi %scan3A, %scan3A_14 : i32
    %scan3A_16 = arith.constant 1 : i32
    scf.for %scan3A_73 = %scan3A to %scan3A_15 step %scan3A_16  : i32 {
      %mul3A_74 = arith.constant 1 : i32
      %mul3A_75 = arith.muli %scan3A_73, %mul3A_74 : i32
      %add3A_76 = arith.constant 0 : i32
      %add3A_77 = arith.addi %add3A_76, %mul3A_75 : i32
      %mul3A_78 = arith.constant 2 : i32
      %mul3A_79 = arith.muli %add3A_77, %mul3A_78 : i32
      %add3A_80 = arith.constant 0 : i32
      %add3A_81 = arith.addi %mul3A_79, %add3A_80 : i32
      %lt3A_82 = arith.cmpi slt, %add3A_81, %min3A_4 : i32
      %convert_element_type3A_83 = arith.extui %lt3A_82 : i1 to i32
      %cond3A_84 = arith.constant 0 : i32
      %cond3A_85 = arith.cmpi ne, %convert_element_type3A_83, %cond3A_84 : i32
      scf.if %cond3A_85 {
        %ge3A = arith.constant 2 : i32
        %ge3A_94 = arith.cmpi sge, %add3A_81, %ge3A : i32
        %convert_element_type3A_95 = arith.extui %ge3A_94 : i1 to i32
        %cond3A_96 = arith.constant 0 : i32
        %cond3A_97 = arith.cmpi ne, %convert_element_type3A_95, %cond3A_96 : i32
        scf.if %cond3A_97 {
          %sub3A_131 = arith.constant 2 : i32
          %sub3A_132 = arith.subi %add3A_81, %sub3A_131 : i32
          %add3A_133 = arith.addi %mul3A_2, %sub3A_132 : i32
          %mul3A_134 = arith.constant 128 : i32
          %mul3A_135 = arith.muli %add3A_133, %mul3A_134 : i32
          %dma_wait3A_136 = arith.constant 0 : i32
          %dma_wait3A_137 = arith.constant 0 : i32
          %dma_wait3A_138 = arith.constant 0 : i32
          %dma_wait3A_139 = arith.constant 0 : i32
          %dma_wait3A_140 = tpu.memref_slice %arg6[%dma_wait3A_136, %dma_wait3A_138, %dma_wait3A_139] : memref<2x128x64xi32, #tpu.memory_space<vmem>> -> memref<1x128x64xi32, #tpu.memory_space<vmem>>
          %dma_wait3A_141 = tpu.memref_squeeze %dma_wait3A_140 : memref<1x128x64xi32, #tpu.memory_space<vmem>> -> memref<128x64xi32, #tpu.memory_space<vmem>>
          %dma_wait3A_142 = arith.constant 0 : i32
          %dma_wait3A_143 = tpu.memref_slice %arg4[%mul3A_135, %dma_wait3A_142] : memref<163840x64xi32, #tpu.memory_space<hbm>> -> memref<128x64xi32, #tpu.memory_space<hbm>>
          %dma_wait3A_144 = tpu.memref_slice %arg10[%dma_wait3A_137] : memref<2x!tpu.dma_semaphore, #tpu.memory_space<semaphore_mem>> -> memref<1x!tpu.dma_semaphore, #tpu.memory_space<semaphore_mem>>
          %dma_wait3A_145 = tpu.memref_squeeze %dma_wait3A_144 : memref<1x!tpu.dma_semaphore, #tpu.memory_space<semaphore_mem>> -> memref<!tpu.dma_semaphore, #tpu.memory_space<semaphore_mem>>
          %dma_wait3A_146 = arith.constant 0 : i32
          %dma_wait3A_147 = tpu.memref_slice %arg4[%mul3A_135, %dma_wait3A_146] : memref<163840x64xi32, #tpu.memory_space<hbm>> -> memref<128x64xi32, #tpu.memory_space<hbm>>
          %dma_wait3A_148 = arith.constant 0 : i32
          %dma_wait3A_149 = arith.constant 0 : i32
          %dma_wait3A_150 = tpu.memref_slice %arg6[%dma_wait3A_136, %dma_wait3A_148, %dma_wait3A_149] : memref<2x128x64xi32, #tpu.memory_space<vmem>> -> memref<1x128x64xi32, #tpu.memory_space<vmem>>
          %dma_wait3A_151 = tpu.memref_squeeze %dma_wait3A_150 : memref<1x128x64xi32, #tpu.memory_space<vmem>> -> memref<128x64xi32, #tpu.memory_space<vmem>>
          tpu.wait_dma2 semaphore(%dma_wait3A_145 : memref<!tpu.dma_semaphore, #tpu.memory_space<semaphore_mem>>) src(%dma_wait3A_151 : memref<128x64xi32, #tpu.memory_space<vmem>>) dst(%dma_wait3A_147 : memref<128x64xi32, #tpu.memory_space<hbm>>)
        } else {
        }
        %add3A_98 = arith.addi %mul3A_2, %add3A_81 : i32
        %mul3A_99 = arith.constant 128 : i32
        %mul3A_100 = arith.muli %add3A_98, %mul3A_99 : i32
        %dma_wait3A = arith.constant 0 : i32
        %dma_wait3A_101 = arith.constant 0 : i32
        %dma_wait3A_102 = arith.constant 0 : i32
        %dma_wait3A_103 = tpu.memref_slice %arg5[%dma_wait3A, %dma_wait3A_102] : memref<2x128xi32, #tpu.memory_space<vmem>> -> memref<1x128xi32, #tpu.memory_space<vmem>>
        %dma_wait3A_104 = tpu.memref_squeeze %dma_wait3A_103 : memref<1x128xi32, #tpu.memory_space<vmem>> -> memref<128xi32, #tpu.memory_space<vmem>>
        %dma_wait3A_105 = tpu.memref_slice %arg3[%mul3A_100] : memref<163840xi32, #tpu.memory_space<hbm>> -> memref<128xi32, #tpu.memory_space<hbm>>
        %dma_wait3A_106 = tpu.memref_slice %arg8[%dma_wait3A_101] : memref<2x!tpu.dma_semaphore, #tpu.memory_space<semaphore_mem>> -> memref<1x!tpu.dma_semaphore, #tpu.memory_space<semaphore_mem>>
        %dma_wait3A_107 = tpu.memref_squeeze %dma_wait3A_106 : memref<1x!tpu.dma_semaphore, #tpu.memory_space<semaphore_mem>> -> memref<!tpu.dma_semaphore, #tpu.memory_space<semaphore_mem>>
        %dma_wait3A_108 = arith.constant 0 : i32
        %dma_wait3A_109 = tpu.memref_slice %arg5[%dma_wait3A, %dma_wait3A_108] : memref<2x128xi32, #tpu.memory_space<vmem>> -> memref<1x128xi32, #tpu.memory_space<vmem>>
        %dma_wait3A_110 = tpu.memref_squeeze %dma_wait3A_109 : memref<1x128xi32, #tpu.memory_space<vmem>> -> memref<128xi32, #tpu.memory_space<vmem>>
        %dma_wait3A_111 = tpu.memref_slice %arg3[%mul3A_100] : memref<163840xi32, #tpu.memory_space<hbm>> -> memref<128xi32, #tpu.memory_space<hbm>>
        tpu.wait_dma2 semaphore(%dma_wait3A_107 : memref<!tpu.dma_semaphore, #tpu.memory_space<semaphore_mem>>) src(%dma_wait3A_111 : memref<128xi32, #tpu.memory_space<hbm>>) dst(%dma_wait3A_110 : memref<128xi32, #tpu.memory_space<vmem>>)
        %dma_start3A = arith.constant 0 : i32
        %dma_start3A_112 = arith.constant 0 : i32
        %dma_start3A_113 = arith.constant 0 : i32
        %dma_start3A_114 = arith.constant 0 : i32
        %dma_start3A_115 = arith.constant 0 : i32
        %dma_start3A_116 = tpu.memref_slice %arg6[%dma_start3A_112, %dma_start3A_114, %dma_start3A_115] : memref<2x128x64xi32, #tpu.memory_space<vmem>> -> memref<1x128x64xi32, #tpu.memory_space<vmem>>
        %dma_start3A_117 = tpu.memref_squeeze %dma_start3A_116 : memref<1x128x64xi32, #tpu.memory_space<vmem>> -> memref<128x64xi32, #tpu.memory_space<vmem>>
        %dma_start3A_118 = arith.constant 0 : i32
        %dma_start3A_119 = tpu.memref_slice %arg5[%dma_start3A, %dma_start3A_118] : memref<2x128xi32, #tpu.memory_space<vmem>> -> memref<1x128xi32, #tpu.memory_space<vmem>>
        %dma_start3A_120 = tpu.memref_squeeze %dma_start3A_119 : memref<1x128xi32, #tpu.memory_space<vmem>> -> memref<128xi32, #tpu.memory_space<vmem>>
        %dma_start3A_121 = arith.constant 0 : i32
        %dma_start3A_122 = arith.constant 0 : i32
        %dma_start3A_123 = tpu.memref_slice %arg7[%dma_start3A_121, %dma_start3A_122] : memref<10240x64xi32, #tpu.memory_space<vmem_shared>> -> memref<10240x64xi32, #tpu.memory_space<vmem_shared>>
        %dma_start3A_124 = tpu.memref_slice %arg9[%dma_start3A_113] : memref<2x!tpu.dma_semaphore, #tpu.memory_space<semaphore_mem>> -> memref<1x!tpu.dma_semaphore, #tpu.memory_space<semaphore_mem>>
        %dma_start3A_125 = tpu.memref_squeeze %dma_start3A_124 : memref<1x!tpu.dma_semaphore, #tpu.memory_space<semaphore_mem>> -> memref<!tpu.dma_semaphore, #tpu.memory_space<semaphore_mem>>
        tpu.enqueue_indirect_dma source(%dma_start3A_123 : memref<10240x64xi32, #tpu.memory_space<vmem_shared>>) target(%dma_start3A_117 : memref<128x64xi32, #tpu.memory_space<vmem>>) offsets(%dma_start3A_120 : memref<128xi32, #tpu.memory_space<vmem>>) semaphore(%dma_start3A_125 : memref<!tpu.dma_semaphore, #tpu.memory_space<semaphore_mem>>)
        %ge3A_126 = arith.constant 1 : i32
        %ge3A_127 = arith.cmpi sge, %add3A_81, %ge3A_126 : i32
        %convert_element_type3A_128 = arith.extui %ge3A_127 : i1 to i32
        %cond3A_129 = arith.constant 0 : i32
        %cond3A_130 = arith.cmpi ne, %convert_element_type3A_128, %cond3A_129 : i32
        scf.if %cond3A_130 {
          %dma_wait3A_131 = arith.constant 1 : i32
          %dma_wait3A_132 = arith.constant 1 : i32
          %dma_wait3A_133 = arith.constant 1 : i32
          %dma_wait3A_134 = arith.constant 0 : i32
          %dma_wait3A_135 = arith.constant 0 : i32
          %dma_wait3A_136 = tpu.memref_slice %arg6[%dma_wait3A_132, %dma_wait3A_134, %dma_wait3A_135] : memref<2x128x64xi32, #tpu.memory_space<vmem>> -> memref<1x128x64xi32, #tpu.memory_space<vmem>>
          %dma_wait3A_137 = tpu.memref_squeeze %dma_wait3A_136 : memref<1x128x64xi32, #tpu.memory_space<vmem>> -> memref<128x64xi32, #tpu.memory_space<vmem>>
          %dma_wait3A_138 = arith.constant 0 : i32
          %dma_wait3A_139 = tpu.memref_slice %arg5[%dma_wait3A_131, %dma_wait3A_138] : memref<2x128xi32, #tpu.memory_space<vmem>> -> memref<1x128xi32, #tpu.memory_space<vmem>>
          %dma_wait3A_140 = tpu.memref_squeeze %dma_wait3A_139 : memref<1x128xi32, #tpu.memory_space<vmem>> -> memref<128xi32, #tpu.memory_space<vmem>>
          %dma_wait3A_141 = arith.constant 0 : i32
          %dma_wait3A_142 = arith.constant 0 : i32
          %dma_wait3A_143 = tpu.memref_slice %arg7[%dma_wait3A_141, %dma_wait3A_142] : memref<10240x64xi32, #tpu.memory_space<vmem_shared>> -> memref<10240x64xi32, #tpu.memory_space<vmem_shared>>
          %dma_wait3A_144 = tpu.memref_slice %arg9[%dma_wait3A_133] : memref<2x!tpu.dma_semaphore, #tpu.memory_space<semaphore_mem>> -> memref<1x!tpu.dma_semaphore, #tpu.memory_space<semaphore_mem>>
          %dma_wait3A_145 = tpu.memref_squeeze %dma_wait3A_144 : memref<1x!tpu.dma_semaphore, #tpu.memory_space<semaphore_mem>> -> memref<!tpu.dma_semaphore, #tpu.memory_space<semaphore_mem>>
          tpu.wait_indirect_dma semaphore(%dma_wait3A_145 : memref<!tpu.dma_semaphore, #tpu.memory_space<semaphore_mem>>) src(%dma_wait3A_143 : memref<10240x64xi32, #tpu.memory_space<vmem_shared>>) dst(%dma_wait3A_137 : memref<128x64xi32, #tpu.memory_space<vmem>>)
          %sub3A_146 = arith.constant 1 : i32
          %sub3A_147 = arith.subi %add3A_81, %sub3A_146 : i32
          %add3A_148 = arith.addi %mul3A_2, %sub3A_147 : i32
          %mul3A_149 = arith.constant 128 : i32
          %mul3A_150 = arith.muli %add3A_148, %mul3A_149 : i32
          %dma_start3A_151 = arith.constant 1 : i32
          %dma_start3A_152 = arith.constant 1 : i32
          %dma_start3A_153 = arith.constant 0 : i32
          %dma_start3A_154 = arith.constant 0 : i32
          %dma_start3A_155 = tpu.memref_slice %arg6[%dma_start3A_151, %dma_start3A_153, %dma_start3A_154] : memref<2x128x64xi32, #tpu.memory_space<vmem>> -> memref<1x128x64xi32, #tpu.memory_space<vmem>>
          %dma_start3A_156 = tpu.memref_squeeze %dma_start3A_155 : memref<1x128x64xi32, #tpu.memory_space<vmem>> -> memref<128x64xi32, #tpu.memory_space<vmem>>
          %dma_start3A_157 = arith.constant 0 : i32
          %dma_start3A_158 = tpu.memref_slice %arg4[%mul3A_150, %dma_start3A_157] : memref<163840x64xi32, #tpu.memory_space<hbm>> -> memref<128x64xi32, #tpu.memory_space<hbm>>
          %dma_start3A_159 = tpu.memref_slice %arg10[%dma_start3A_152] : memref<2x!tpu.dma_semaphore, #tpu.memory_space<semaphore_mem>> -> memref<1x!tpu.dma_semaphore, #tpu.memory_space<semaphore_mem>>
          %dma_start3A_160 = tpu.memref_squeeze %dma_start3A_159 : memref<1x!tpu.dma_semaphore, #tpu.memory_space<semaphore_mem>> -> memref<!tpu.dma_semaphore, #tpu.memory_space<semaphore_mem>>
          %dma_start3A_161 = arith.constant 0 : i32
          %dma_start3A_162 = tpu.memref_slice %arg4[%mul3A_150, %dma_start3A_161] : memref<163840x64xi32, #tpu.memory_space<hbm>> -> memref<128x64xi32, #tpu.memory_space<hbm>>
          %dma_start3A_163 = arith.constant 0 : i32
          %dma_start3A_164 = arith.constant 0 : i32
          %dma_start3A_165 = tpu.memref_slice %arg6[%dma_start3A_151, %dma_start3A_163, %dma_start3A_164] : memref<2x128x64xi32, #tpu.memory_space<vmem>> -> memref<1x128x64xi32, #tpu.memory_space<vmem>>
          %dma_start3A_166 = tpu.memref_squeeze %dma_start3A_165 : memref<1x128x64xi32, #tpu.memory_space<vmem>> -> memref<128x64xi32, #tpu.memory_space<vmem>>
          tpu.enqueue_dma source(%dma_start3A_166 : memref<128x64xi32, #tpu.memory_space<vmem>>) target(%dma_start3A_162 : memref<128x64xi32, #tpu.memory_space<hbm>>) target_semaphore(%dma_start3A_160 : memref<!tpu.dma_semaphore, #tpu.memory_space<semaphore_mem>>)
          %sub3A_167 = arith.constant 1 : i32
          %sub3A_168 = arith.subi %add3A_81, %sub3A_167 : i32
          %add3A_169 = arith.constant 2 : i32
          %add3A_170 = arith.addi %sub3A_168, %add3A_169 : i32
          %lt3A_171 = arith.cmpi slt, %add3A_170, %min3A_4 : i32
          %convert_element_type3A_172 = arith.extui %lt3A_171 : i1 to i32
          %cond3A_173 = arith.constant 0 : i32
          %cond3A_174 = arith.cmpi ne, %convert_element_type3A_172, %cond3A_173 : i32
          scf.if %cond3A_174 {
            %sub3A_175 = arith.constant 1 : i32
            %sub3A_176 = arith.subi %add3A_81, %sub3A_175 : i32
            %add3A_177 = arith.constant 2 : i32
            %add3A_178 = arith.addi %sub3A_176, %add3A_177 : i32
            %add3A_179 = arith.addi %mul3A_2, %add3A_178 : i32
            %mul3A_180 = arith.constant 128 : i32
            %mul3A_181 = arith.muli %add3A_179, %mul3A_180 : i32
            %dma_start3A_182 = arith.constant 1 : i32
            %dma_start3A_183 = arith.constant 1 : i32
            %dma_start3A_184 = arith.constant 0 : i32
            %dma_start3A_185 = tpu.memref_slice %arg5[%dma_start3A_182, %dma_start3A_184] : memref<2x128xi32, #tpu.memory_space<vmem>> -> memref<1x128xi32, #tpu.memory_space<vmem>>
            %dma_start3A_186 = tpu.memref_squeeze %dma_start3A_185 : memref<1x128xi32, #tpu.memory_space<vmem>> -> memref<128xi32, #tpu.memory_space<vmem>>
            %dma_start3A_187 = tpu.memref_slice %arg3[%mul3A_181] : memref<163840xi32, #tpu.memory_space<hbm>> -> memref<128xi32, #tpu.memory_space<hbm>>
            %dma_start3A_188 = tpu.memref_slice %arg8[%dma_start3A_183] : memref<2x!tpu.dma_semaphore, #tpu.memory_space<semaphore_mem>> -> memref<1x!tpu.dma_semaphore, #tpu.memory_space<semaphore_mem>>
            %dma_start3A_189 = tpu.memref_squeeze %dma_start3A_188 : memref<1x!tpu.dma_semaphore, #tpu.memory_space<semaphore_mem>> -> memref<!tpu.dma_semaphore, #tpu.memory_space<semaphore_mem>>
            %dma_start3A_190 = arith.constant 0 : i32
            %dma_start3A_191 = tpu.memref_slice %arg5[%dma_start3A_182, %dma_start3A_190] : memref<2x128xi32, #tpu.memory_space<vmem>> -> memref<1x128xi32, #tpu.memory_space<vmem>>
            %dma_start3A_192 = tpu.memref_squeeze %dma_start3A_191 : memref<1x128xi32, #tpu.memory_space<vmem>> -> memref<128xi32, #tpu.memory_space<vmem>>
            %dma_start3A_193 = tpu.memref_slice %arg3[%mul3A_181] : memref<163840xi32, #tpu.memory_space<hbm>> -> memref<128xi32, #tpu.memory_space<hbm>>
            tpu.enqueue_dma source(%dma_start3A_193 : memref<128xi32, #tpu.memory_space<hbm>>) target(%dma_start3A_192 : memref<128xi32, #tpu.memory_space<vmem>>) target_semaphore(%dma_start3A_189 : memref<!tpu.dma_semaphore, #tpu.memory_space<semaphore_mem>>)
          } else {
          }
        } else {
        }
      } else {
      }
      %mul3A_86 = arith.constant 2 : i32
      %mul3A_87 = arith.muli %add3A_77, %mul3A_86 : i32
      %add3A_88 = arith.constant 1 : i32
      %add3A_89 = arith.addi %mul3A_87, %add3A_88 : i32
      %lt3A_90 = arith.cmpi slt, %add3A_89, %min3A_4 : i32
      %convert_element_type3A_91 = arith.extui %lt3A_90 : i1 to i32
      %cond3A_92 = arith.constant 0 : i32
      %cond3A_93 = arith.cmpi ne, %convert_element_type3A_91, %cond3A_92 : i32
      scf.if %cond3A_93 {
        %ge3A = arith.constant 2 : i32
        %ge3A_94 = arith.cmpi sge, %add3A_89, %ge3A : i32
        %convert_element_type3A_95 = arith.extui %ge3A_94 : i1 to i32
        %cond3A_96 = arith.constant 0 : i32
        %cond3A_97 = arith.cmpi ne, %convert_element_type3A_95, %cond3A_96 : i32
        scf.if %cond3A_97 {
          %sub3A_131 = arith.constant 2 : i32
          %sub3A_132 = arith.subi %add3A_89, %sub3A_131 : i32
          %add3A_133 = arith.addi %mul3A_2, %sub3A_132 : i32
          %mul3A_134 = arith.constant 128 : i32
          %mul3A_135 = arith.muli %add3A_133, %mul3A_134 : i32
          %dma_wait3A_136 = arith.constant 1 : i32
          %dma_wait3A_137 = arith.constant 1 : i32
          %dma_wait3A_138 = arith.constant 0 : i32
          %dma_wait3A_139 = arith.constant 0 : i32
          %dma_wait3A_140 = tpu.memref_slice %arg6[%dma_wait3A_136, %dma_wait3A_138, %dma_wait3A_139] : memref<2x128x64xi32, #tpu.memory_space<vmem>> -> memref<1x128x64xi32, #tpu.memory_space<vmem>>
          %dma_wait3A_141 = tpu.memref_squeeze %dma_wait3A_140 : memref<1x128x64xi32, #tpu.memory_space<vmem>> -> memref<128x64xi32, #tpu.memory_space<vmem>>
          %dma_wait3A_142 = arith.constant 0 : i32
          %dma_wait3A_143 = tpu.memref_slice %arg4[%mul3A_135, %dma_wait3A_142] : memref<163840x64xi32, #tpu.memory_space<hbm>> -> memref<128x64xi32, #tpu.memory_space<hbm>>
          %dma_wait3A_144 = tpu.memref_slice %arg10[%dma_wait3A_137] : memref<2x!tpu.dma_semaphore, #tpu.memory_space<semaphore_mem>> -> memref<1x!tpu.dma_semaphore, #tpu.memory_space<semaphore_mem>>
          %dma_wait3A_145 = tpu.memref_squeeze %dma_wait3A_144 : memref<1x!tpu.dma_semaphore, #tpu.memory_space<semaphore_mem>> -> memref<!tpu.dma_semaphore, #tpu.memory_space<semaphore_mem>>
          %dma_wait3A_146 = arith.constant 0 : i32
          %dma_wait3A_147 = tpu.memref_slice %arg4[%mul3A_135, %dma_wait3A_146] : memref<163840x64xi32, #tpu.memory_space<hbm>> -> memref<128x64xi32, #tpu.memory_space<hbm>>
          %dma_wait3A_148 = arith.constant 0 : i32
          %dma_wait3A_149 = arith.constant 0 : i32
          %dma_wait3A_150 = tpu.memref_slice %arg6[%dma_wait3A_136, %dma_wait3A_148, %dma_wait3A_149] : memref<2x128x64xi32, #tpu.memory_space<vmem>> -> memref<1x128x64xi32, #tpu.memory_space<vmem>>
          %dma_wait3A_151 = tpu.memref_squeeze %dma_wait3A_150 : memref<1x128x64xi32, #tpu.memory_space<vmem>> -> memref<128x64xi32, #tpu.memory_space<vmem>>
          tpu.wait_dma2 semaphore(%dma_wait3A_145 : memref<!tpu.dma_semaphore, #tpu.memory_space<semaphore_mem>>) src(%dma_wait3A_151 : memref<128x64xi32, #tpu.memory_space<vmem>>) dst(%dma_wait3A_147 : memref<128x64xi32, #tpu.memory_space<hbm>>)
        } else {
        }
        %add3A_98 = arith.addi %mul3A_2, %add3A_89 : i32
        %mul3A_99 = arith.constant 128 : i32
        %mul3A_100 = arith.muli %add3A_98, %mul3A_99 : i32
        %dma_wait3A = arith.constant 1 : i32
        %dma_wait3A_101 = arith.constant 1 : i32
        %dma_wait3A_102 = arith.constant 0 : i32
        %dma_wait3A_103 = tpu.memref_slice %arg5[%dma_wait3A, %dma_wait3A_102] : memref<2x128xi32, #tpu.memory_space<vmem>> -> memref<1x128xi32, #tpu.memory_space<vmem>>
        %dma_wait3A_104 = tpu.memref_squeeze %dma_wait3A_103 : memref<1x128xi32, #tpu.memory_space<vmem>> -> memref<128xi32, #tpu.memory_space<vmem>>
        %dma_wait3A_105 = tpu.memref_slice %arg3[%mul3A_100] : memref<163840xi32, #tpu.memory_space<hbm>> -> memref<128xi32, #tpu.memory_space<hbm>>
        %dma_wait3A_106 = tpu.memref_slice %arg8[%dma_wait3A_101] : memref<2x!tpu.dma_semaphore, #tpu.memory_space<semaphore_mem>> -> memref<1x!tpu.dma_semaphore, #tpu.memory_space<semaphore_mem>>
        %dma_wait3A_107 = tpu.memref_squeeze %dma_wait3A_106 : memref<1x!tpu.dma_semaphore, #tpu.memory_space<semaphore_mem>> -> memref<!tpu.dma_semaphore, #tpu.memory_space<semaphore_mem>>
        %dma_wait3A_108 = arith.constant 0 : i32
        %dma_wait3A_109 = tpu.memref_slice %arg5[%dma_wait3A, %dma_wait3A_108] : memref<2x128xi32, #tpu.memory_space<vmem>> -> memref<1x128xi32, #tpu.memory_space<vmem>>
        %dma_wait3A_110 = tpu.memref_squeeze %dma_wait3A_109 : memref<1x128xi32, #tpu.memory_space<vmem>> -> memref<128xi32, #tpu.memory_space<vmem>>
        %dma_wait3A_111 = tpu.memref_slice %arg3[%mul3A_100] : memref<163840xi32, #tpu.memory_space<hbm>> -> memref<128xi32, #tpu.memory_space<hbm>>
        tpu.wait_dma2 semaphore(%dma_wait3A_107 : memref<!tpu.dma_semaphore, #tpu.memory_space<semaphore_mem>>) src(%dma_wait3A_111 : memref<128xi32, #tpu.memory_space<hbm>>) dst(%dma_wait3A_110 : memref<128xi32, #tpu.memory_space<vmem>>)
        %dma_start3A = arith.constant 1 : i32
        %dma_start3A_112 = arith.constant 1 : i32
        %dma_start3A_113 = arith.constant 1 : i32
        %dma_start3A_114 = arith.constant 0 : i32
        %dma_start3A_115 = arith.constant 0 : i32
        %dma_start3A_116 = tpu.memref_slice %arg6[%dma_start3A_112, %dma_start3A_114, %dma_start3A_115] : memref<2x128x64xi32, #tpu.memory_space<vmem>> -> memref<1x128x64xi32, #tpu.memory_space<vmem>>
        %dma_start3A_117 = tpu.memref_squeeze %dma_start3A_116 : memref<1x128x64xi32, #tpu.memory_space<vmem>> -> memref<128x64xi32, #tpu.memory_space<vmem>>
        %dma_start3A_118 = arith.constant 0 : i32
        %dma_start3A_119 = tpu.memref_slice %arg5[%dma_start3A, %dma_start3A_118] : memref<2x128xi32, #tpu.memory_space<vmem>> -> memref<1x128xi32, #tpu.memory_space<vmem>>
        %dma_start3A_120 = tpu.memref_squeeze %dma_start3A_119 : memref<1x128xi32, #tpu.memory_space<vmem>> -> memref<128xi32, #tpu.memory_space<vmem>>
        %dma_start3A_121 = arith.constant 0 : i32
        %dma_start3A_122 = arith.constant 0 : i32
        %dma_start3A_123 = tpu.memref_slice %arg7[%dma_start3A_121, %dma_start3A_122] : memref<10240x64xi32, #tpu.memory_space<vmem_shared>> -> memref<10240x64xi32, #tpu.memory_space<vmem_shared>>
        %dma_start3A_124 = tpu.memref_slice %arg9[%dma_start3A_113] : memref<2x!tpu.dma_semaphore, #tpu.memory_space<semaphore_mem>> -> memref<1x!tpu.dma_semaphore, #tpu.memory_space<semaphore_mem>>
        %dma_start3A_125 = tpu.memref_squeeze %dma_start3A_124 : memref<1x!tpu.dma_semaphore, #tpu.memory_space<semaphore_mem>> -> memref<!tpu.dma_semaphore, #tpu.memory_space<semaphore_mem>>
        tpu.enqueue_indirect_dma source(%dma_start3A_123 : memref<10240x64xi32, #tpu.memory_space<vmem_shared>>) target(%dma_start3A_117 : memref<128x64xi32, #tpu.memory_space<vmem>>) offsets(%dma_start3A_120 : memref<128xi32, #tpu.memory_space<vmem>>) semaphore(%dma_start3A_125 : memref<!tpu.dma_semaphore, #tpu.memory_space<semaphore_mem>>)
        %ge3A_126 = arith.constant 1 : i32
        %ge3A_127 = arith.cmpi sge, %add3A_89, %ge3A_126 : i32
        %convert_element_type3A_128 = arith.extui %ge3A_127 : i1 to i32
        %cond3A_129 = arith.constant 0 : i32
        %cond3A_130 = arith.cmpi ne, %convert_element_type3A_128, %cond3A_129 : i32
        scf.if %cond3A_130 {
          %dma_wait3A_131 = arith.constant 0 : i32
          %dma_wait3A_132 = arith.constant 0 : i32
          %dma_wait3A_133 = arith.constant 0 : i32
          %dma_wait3A_134 = arith.constant 0 : i32
          %dma_wait3A_135 = arith.constant 0 : i32
          %dma_wait3A_136 = tpu.memref_slice %arg6[%dma_wait3A_132, %dma_wait3A_134, %dma_wait3A_135] : memref<2x128x64xi32, #tpu.memory_space<vmem>> -> memref<1x128x64xi32, #tpu.memory_space<vmem>>
          %dma_wait3A_137 = tpu.memref_squeeze %dma_wait3A_136 : memref<1x128x64xi32, #tpu.memory_space<vmem>> -> memref<128x64xi32, #tpu.memory_space<vmem>>
          %dma_wait3A_138 = arith.constant 0 : i32
          %dma_wait3A_139 = tpu.memref_slice %arg5[%dma_wait3A_131, %dma_wait3A_138] : memref<2x128xi32, #tpu.memory_space<vmem>> -> memref<1x128xi32, #tpu.memory_space<vmem>>
          %dma_wait3A_140 = tpu.memref_squeeze %dma_wait3A_139 : memref<1x128xi32, #tpu.memory_space<vmem>> -> memref<128xi32, #tpu.memory_space<vmem>>
          %dma_wait3A_141 = arith.constant 0 : i32
          %dma_wait3A_142 = arith.constant 0 : i32
          %dma_wait3A_143 = tpu.memref_slice %arg7[%dma_wait3A_141, %dma_wait3A_142] : memref<10240x64xi32, #tpu.memory_space<vmem_shared>> -> memref<10240x64xi32, #tpu.memory_space<vmem_shared>>
          %dma_wait3A_144 = tpu.memref_slice %arg9[%dma_wait3A_133] : memref<2x!tpu.dma_semaphore, #tpu.memory_space<semaphore_mem>> -> memref<1x!tpu.dma_semaphore, #tpu.memory_space<semaphore_mem>>
          %dma_wait3A_145 = tpu.memref_squeeze %dma_wait3A_144 : memref<1x!tpu.dma_semaphore, #tpu.memory_space<semaphore_mem>> -> memref<!tpu.dma_semaphore, #tpu.memory_space<semaphore_mem>>
          tpu.wait_indirect_dma semaphore(%dma_wait3A_145 : memref<!tpu.dma_semaphore, #tpu.memory_space<semaphore_mem>>) src(%dma_wait3A_143 : memref<10240x64xi32, #tpu.memory_space<vmem_shared>>) dst(%dma_wait3A_137 : memref<128x64xi32, #tpu.memory_space<vmem>>)
          %sub3A_146 = arith.constant 1 : i32
          %sub3A_147 = arith.subi %add3A_89, %sub3A_146 : i32
          %add3A_148 = arith.addi %mul3A_2, %sub3A_147 : i32
          %mul3A_149 = arith.constant 128 : i32
          %mul3A_150 = arith.muli %add3A_148, %mul3A_149 : i32
          %dma_start3A_151 = arith.constant 0 : i32
          %dma_start3A_152 = arith.constant 0 : i32
          %dma_start3A_153 = arith.constant 0 : i32
          %dma_start3A_154 = arith.constant 0 : i32
          %dma_start3A_155 = tpu.memref_slice %arg6[%dma_start3A_151, %dma_start3A_153, %dma_start3A_154] : memref<2x128x64xi32, #tpu.memory_space<vmem>> -> memref<1x128x64xi32, #tpu.memory_space<vmem>>
          %dma_start3A_156 = tpu.memref_squeeze %dma_start3A_155 : memref<1x128x64xi32, #tpu.memory_space<vmem>> -> memref<128x64xi32, #tpu.memory_space<vmem>>
          %dma_start3A_157 = arith.constant 0 : i32
          %dma_start3A_158 = tpu.memref_slice %arg4[%mul3A_150, %dma_start3A_157] : memref<163840x64xi32, #tpu.memory_space<hbm>> -> memref<128x64xi32, #tpu.memory_space<hbm>>
          %dma_start3A_159 = tpu.memref_slice %arg10[%dma_start3A_152] : memref<2x!tpu.dma_semaphore, #tpu.memory_space<semaphore_mem>> -> memref<1x!tpu.dma_semaphore, #tpu.memory_space<semaphore_mem>>
          %dma_start3A_160 = tpu.memref_squeeze %dma_start3A_159 : memref<1x!tpu.dma_semaphore, #tpu.memory_space<semaphore_mem>> -> memref<!tpu.dma_semaphore, #tpu.memory_space<semaphore_mem>>
          %dma_start3A_161 = arith.constant 0 : i32
          %dma_start3A_162 = tpu.memref_slice %arg4[%mul3A_150, %dma_start3A_161] : memref<163840x64xi32, #tpu.memory_space<hbm>> -> memref<128x64xi32, #tpu.memory_space<hbm>>
          %dma_start3A_163 = arith.constant 0 : i32
          %dma_start3A_164 = arith.constant 0 : i32
          %dma_start3A_165 = tpu.memref_slice %arg6[%dma_start3A_151, %dma_start3A_163, %dma_start3A_164] : memref<2x128x64xi32, #tpu.memory_space<vmem>> -> memref<1x128x64xi32, #tpu.memory_space<vmem>>
          %dma_start3A_166 = tpu.memref_squeeze %dma_start3A_165 : memref<1x128x64xi32, #tpu.memory_space<vmem>> -> memref<128x64xi32, #tpu.memory_space<vmem>>
          tpu.enqueue_dma source(%dma_start3A_166 : memref<128x64xi32, #tpu.memory_space<vmem>>) target(%dma_start3A_162 : memref<128x64xi32, #tpu.memory_space<hbm>>) target_semaphore(%dma_start3A_160 : memref<!tpu.dma_semaphore, #tpu.memory_space<semaphore_mem>>)
          %sub3A_167 = arith.constant 1 : i32
          %sub3A_168 = arith.subi %add3A_89, %sub3A_167 : i32
          %add3A_169 = arith.constant 2 : i32
          %add3A_170 = arith.addi %sub3A_168, %add3A_169 : i32
          %lt3A_171 = arith.cmpi slt, %add3A_170, %min3A_4 : i32
          %convert_element_type3A_172 = arith.extui %lt3A_171 : i1 to i32
          %cond3A_173 = arith.constant 0 : i32
          %cond3A_174 = arith.cmpi ne, %convert_element_type3A_172, %cond3A_173 : i32
          scf.if %cond3A_174 {
            %sub3A_175 = arith.constant 1 : i32
            %sub3A_176 = arith.subi %add3A_89, %sub3A_175 : i32
            %add3A_177 = arith.constant 2 : i32
            %add3A_178 = arith.addi %sub3A_176, %add3A_177 : i32
            %add3A_179 = arith.addi %mul3A_2, %add3A_178 : i32
            %mul3A_180 = arith.constant 128 : i32
            %mul3A_181 = arith.muli %add3A_179, %mul3A_180 : i32
            %dma_start3A_182 = arith.constant 0 : i32
            %dma_start3A_183 = arith.constant 0 : i32
            %dma_start3A_184 = arith.constant 0 : i32
            %dma_start3A_185 = tpu.memref_slice %arg5[%dma_start3A_182, %dma_start3A_184] : memref<2x128xi32, #tpu.memory_space<vmem>> -> memref<1x128xi32, #tpu.memory_space<vmem>>
            %dma_start3A_186 = tpu.memref_squeeze %dma_start3A_185 : memref<1x128xi32, #tpu.memory_space<vmem>> -> memref<128xi32, #tpu.memory_space<vmem>>
            %dma_start3A_187 = tpu.memref_slice %arg3[%mul3A_181] : memref<163840xi32, #tpu.memory_space<hbm>> -> memref<128xi32, #tpu.memory_space<hbm>>
            %dma_start3A_188 = tpu.memref_slice %arg8[%dma_start3A_183] : memref<2x!tpu.dma_semaphore, #tpu.memory_space<semaphore_mem>> -> memref<1x!tpu.dma_semaphore, #tpu.memory_space<semaphore_mem>>
            %dma_start3A_189 = tpu.memref_squeeze %dma_start3A_188 : memref<1x!tpu.dma_semaphore, #tpu.memory_space<semaphore_mem>> -> memref<!tpu.dma_semaphore, #tpu.memory_space<semaphore_mem>>
            %dma_start3A_190 = arith.constant 0 : i32
            %dma_start3A_191 = tpu.memref_slice %arg5[%dma_start3A_182, %dma_start3A_190] : memref<2x128xi32, #tpu.memory_space<vmem>> -> memref<1x128xi32, #tpu.memory_space<vmem>>
            %dma_start3A_192 = tpu.memref_squeeze %dma_start3A_191 : memref<1x128xi32, #tpu.memory_space<vmem>> -> memref<128xi32, #tpu.memory_space<vmem>>
            %dma_start3A_193 = tpu.memref_slice %arg3[%mul3A_181] : memref<163840xi32, #tpu.memory_space<hbm>> -> memref<128xi32, #tpu.memory_space<hbm>>
            tpu.enqueue_dma source(%dma_start3A_193 : memref<128xi32, #tpu.memory_space<hbm>>) target(%dma_start3A_192 : memref<128xi32, #tpu.memory_space<vmem>>) target_semaphore(%dma_start3A_189 : memref<!tpu.dma_semaphore, #tpu.memory_space<semaphore_mem>>)
          } else {
          }
        } else {
        }
      } else {
      }
    }
    %scan3A_17 = arith.constant 20 : i32
    %gt3A_18 = arith.constant 0 : i32
    %gt3A_19 = arith.cmpi sgt, %min3A_4, %gt3A_18 : i32
    %sub3A_20 = arith.constant 1 : i32
    %sub3A_21 = arith.subi %min3A_4, %sub3A_20 : i32
    %jit3A = arith.constant 2 : i32
    %eq3A = arith.constant 0 : i32
    %eq3A_22 = arith.cmpi eq, %jit3A, %eq3A : i32
    %jit3A_23 = arith.constant 1 : i32
    %select_n3A = arith.select %eq3A_22, %jit3A_23, %jit3A : i32
    %rem3A = arith.remsi %sub3A_21, %select_n3A : i32
    %ne3A = arith.constant 0 : i32
    %ne3A_24 = arith.cmpi ne, %rem3A, %ne3A : i32
    %lt3A = arith.constant 0 : i32
    %lt3A_25 = arith.cmpi slt, %rem3A, %lt3A : i32
    %lt3A_26 = arith.constant 0 : i32
    %lt3A_27 = arith.cmpi slt, %select_n3A, %lt3A_26 : i32
    %ne3A_28 = arith.xori %lt3A_25, %lt3A_27 : i1
    %and3A = arith.andi %ne3A_28, %ne3A_24 : i1
    %add3A_29 = arith.addi %rem3A, %select_n3A : i32
    %select_n3A_30 = arith.select %and3A, %add3A_29, %rem3A : i32
    %eq3A_31 = arith.constant 0 : i32
    %eq3A_32 = arith.cmpi eq, %select_n3A_30, %eq3A_31 : i32
    %and3A_33 = arith.andi %gt3A_19, %eq3A_32 : i1
    %convert_element_type3A_34 = arith.extui %and3A_33 : i1 to i32
    %cond3A_35 = arith.constant 0 : i32
    %cond3A_36 = arith.cmpi ne, %convert_element_type3A_34, %cond3A_35 : i32
    scf.if %cond3A_36 {
      %dma_wait3A = arith.constant 0 : i32
      %dma_wait3A_73 = arith.constant 0 : i32
      %dma_wait3A_74 = arith.constant 0 : i32
      %dma_wait3A_75 = arith.constant 0 : i32
      %dma_wait3A_76 = arith.constant 0 : i32
      %dma_wait3A_77 = tpu.memref_slice %arg6[%dma_wait3A_73, %dma_wait3A_75, %dma_wait3A_76] : memref<2x128x64xi32, #tpu.memory_space<vmem>> -> memref<1x128x64xi32, #tpu.memory_space<vmem>>
      %dma_wait3A_78 = tpu.memref_squeeze %dma_wait3A_77 : memref<1x128x64xi32, #tpu.memory_space<vmem>> -> memref<128x64xi32, #tpu.memory_space<vmem>>
      %dma_wait3A_79 = arith.constant 0 : i32
      %dma_wait3A_80 = tpu.memref_slice %arg5[%dma_wait3A, %dma_wait3A_79] : memref<2x128xi32, #tpu.memory_space<vmem>> -> memref<1x128xi32, #tpu.memory_space<vmem>>
      %dma_wait3A_81 = tpu.memref_squeeze %dma_wait3A_80 : memref<1x128xi32, #tpu.memory_space<vmem>> -> memref<128xi32, #tpu.memory_space<vmem>>
      %dma_wait3A_82 = arith.constant 0 : i32
      %dma_wait3A_83 = arith.constant 0 : i32
      %dma_wait3A_84 = tpu.memref_slice %arg7[%dma_wait3A_82, %dma_wait3A_83] : memref<10240x64xi32, #tpu.memory_space<vmem_shared>> -> memref<10240x64xi32, #tpu.memory_space<vmem_shared>>
      %dma_wait3A_85 = tpu.memref_slice %arg9[%dma_wait3A_74] : memref<2x!tpu.dma_semaphore, #tpu.memory_space<semaphore_mem>> -> memref<1x!tpu.dma_semaphore, #tpu.memory_space<semaphore_mem>>
      %dma_wait3A_86 = tpu.memref_squeeze %dma_wait3A_85 : memref<1x!tpu.dma_semaphore, #tpu.memory_space<semaphore_mem>> -> memref<!tpu.dma_semaphore, #tpu.memory_space<semaphore_mem>>
      tpu.wait_indirect_dma semaphore(%dma_wait3A_86 : memref<!tpu.dma_semaphore, #tpu.memory_space<semaphore_mem>>) src(%dma_wait3A_84 : memref<10240x64xi32, #tpu.memory_space<vmem_shared>>) dst(%dma_wait3A_78 : memref<128x64xi32, #tpu.memory_space<vmem>>)
      %sub3A_87 = arith.constant 1 : i32
      %sub3A_88 = arith.subi %min3A_4, %sub3A_87 : i32
      %add3A_89 = arith.addi %mul3A_2, %sub3A_88 : i32
      %mul3A_90 = arith.constant 128 : i32
      %mul3A_91 = arith.muli %add3A_89, %mul3A_90 : i32
      %dma_start3A = arith.constant 0 : i32
      %dma_start3A_92 = arith.constant 0 : i32
      %dma_start3A_93 = arith.constant 0 : i32
      %dma_start3A_94 = arith.constant 0 : i32
      %dma_start3A_95 = tpu.memref_slice %arg6[%dma_start3A, %dma_start3A_93, %dma_start3A_94] : memref<2x128x64xi32, #tpu.memory_space<vmem>> -> memref<1x128x64xi32, #tpu.memory_space<vmem>>
      %dma_start3A_96 = tpu.memref_squeeze %dma_start3A_95 : memref<1x128x64xi32, #tpu.memory_space<vmem>> -> memref<128x64xi32, #tpu.memory_space<vmem>>
      %dma_start3A_97 = arith.constant 0 : i32
      %dma_start3A_98 = tpu.memref_slice %arg4[%mul3A_91, %dma_start3A_97] : memref<163840x64xi32, #tpu.memory_space<hbm>> -> memref<128x64xi32, #tpu.memory_space<hbm>>
      %dma_start3A_99 = tpu.memref_slice %arg10[%dma_start3A_92] : memref<2x!tpu.dma_semaphore, #tpu.memory_space<semaphore_mem>> -> memref<1x!tpu.dma_semaphore, #tpu.memory_space<semaphore_mem>>
      %dma_start3A_100 = tpu.memref_squeeze %dma_start3A_99 : memref<1x!tpu.dma_semaphore, #tpu.memory_space<semaphore_mem>> -> memref<!tpu.dma_semaphore, #tpu.memory_space<semaphore_mem>>
      %dma_start3A_101 = arith.constant 0 : i32
      %dma_start3A_102 = tpu.memref_slice %arg4[%mul3A_91, %dma_start3A_101] : memref<163840x64xi32, #tpu.memory_space<hbm>> -> memref<128x64xi32, #tpu.memory_space<hbm>>
      %dma_start3A_103 = arith.constant 0 : i32
      %dma_start3A_104 = arith.constant 0 : i32
      %dma_start3A_105 = tpu.memref_slice %arg6[%dma_start3A, %dma_start3A_103, %dma_start3A_104] : memref<2x128x64xi32, #tpu.memory_space<vmem>> -> memref<1x128x64xi32, #tpu.memory_space<vmem>>
      %dma_start3A_106 = tpu.memref_squeeze %dma_start3A_105 : memref<1x128x64xi32, #tpu.memory_space<vmem>> -> memref<128x64xi32, #tpu.memory_space<vmem>>
      tpu.enqueue_dma source(%dma_start3A_106 : memref<128x64xi32, #tpu.memory_space<vmem>>) target(%dma_start3A_102 : memref<128x64xi32, #tpu.memory_space<hbm>>) target_semaphore(%dma_start3A_100 : memref<!tpu.dma_semaphore, #tpu.memory_space<semaphore_mem>>)
    } else {
    }
    %gt3A_37 = arith.constant 0 : i32
    %gt3A_38 = arith.cmpi sgt, %min3A_4, %gt3A_37 : i32
    %sub3A_39 = arith.constant 1 : i32
    %sub3A_40 = arith.subi %min3A_4, %sub3A_39 : i32
    %jit3A_41 = arith.constant 2 : i32
    %eq3A_42 = arith.constant 0 : i32
    %eq3A_43 = arith.cmpi eq, %jit3A_41, %eq3A_42 : i32
    %jit3A_44 = arith.constant 1 : i32
    %select_n3A_45 = arith.select %eq3A_43, %jit3A_44, %jit3A_41 : i32
    %rem3A_46 = arith.remsi %sub3A_40, %select_n3A_45 : i32
    %ne3A_47 = arith.constant 0 : i32
    %ne3A_48 = arith.cmpi ne, %rem3A_46, %ne3A_47 : i32
    %lt3A_49 = arith.constant 0 : i32
    %lt3A_50 = arith.cmpi slt, %rem3A_46, %lt3A_49 : i32
    %lt3A_51 = arith.constant 0 : i32
    %lt3A_52 = arith.cmpi slt, %select_n3A_45, %lt3A_51 : i32
    %ne3A_53 = arith.xori %lt3A_50, %lt3A_52 : i1
    %and3A_54 = arith.andi %ne3A_53, %ne3A_48 : i1
    %add3A_55 = arith.addi %rem3A_46, %select_n3A_45 : i32
    %select_n3A_56 = arith.select %and3A_54, %add3A_55, %rem3A_46 : i32
    %eq3A_57 = arith.constant 1 : i32
    %eq3A_58 = arith.cmpi eq, %select_n3A_56, %eq3A_57 : i32
    %and3A_59 = arith.andi %gt3A_38, %eq3A_58 : i1
    %convert_element_type3A_60 = arith.extui %and3A_59 : i1 to i32
    %cond3A_61 = arith.constant 0 : i32
    %cond3A_62 = arith.cmpi ne, %convert_element_type3A_60, %cond3A_61 : i32
    scf.if %cond3A_62 {
      %dma_wait3A = arith.constant 1 : i32
      %dma_wait3A_73 = arith.constant 1 : i32
      %dma_wait3A_74 = arith.constant 1 : i32
      %dma_wait3A_75 = arith.constant 0 : i32
      %dma_wait3A_76 = arith.constant 0 : i32
      %dma_wait3A_77 = tpu.memref_slice %arg6[%dma_wait3A_73, %dma_wait3A_75, %dma_wait3A_76] : memref<2x128x64xi32, #tpu.memory_space<vmem>> -> memref<1x128x64xi32, #tpu.memory_space<vmem>>
      %dma_wait3A_78 = tpu.memref_squeeze %dma_wait3A_77 : memref<1x128x64xi32, #tpu.memory_space<vmem>> -> memref<128x64xi32, #tpu.memory_space<vmem>>
      %dma_wait3A_79 = arith.constant 0 : i32
      %dma_wait3A_80 = tpu.memref_slice %arg5[%dma_wait3A, %dma_wait3A_79] : memref<2x128xi32, #tpu.memory_space<vmem>> -> memref<1x128xi32, #tpu.memory_space<vmem>>
      %dma_wait3A_81 = tpu.memref_squeeze %dma_wait3A_80 : memref<1x128xi32, #tpu.memory_space<vmem>> -> memref<128xi32, #tpu.memory_space<vmem>>
      %dma_wait3A_82 = arith.constant 0 : i32
      %dma_wait3A_83 = arith.constant 0 : i32
      %dma_wait3A_84 = tpu.memref_slice %arg7[%dma_wait3A_82, %dma_wait3A_83] : memref<10240x64xi32, #tpu.memory_space<vmem_shared>> -> memref<10240x64xi32, #tpu.memory_space<vmem_shared>>
      %dma_wait3A_85 = tpu.memref_slice %arg9[%dma_wait3A_74] : memref<2x!tpu.dma_semaphore, #tpu.memory_space<semaphore_mem>> -> memref<1x!tpu.dma_semaphore, #tpu.memory_space<semaphore_mem>>
      %dma_wait3A_86 = tpu.memref_squeeze %dma_wait3A_85 : memref<1x!tpu.dma_semaphore, #tpu.memory_space<semaphore_mem>> -> memref<!tpu.dma_semaphore, #tpu.memory_space<semaphore_mem>>
      tpu.wait_indirect_dma semaphore(%dma_wait3A_86 : memref<!tpu.dma_semaphore, #tpu.memory_space<semaphore_mem>>) src(%dma_wait3A_84 : memref<10240x64xi32, #tpu.memory_space<vmem_shared>>) dst(%dma_wait3A_78 : memref<128x64xi32, #tpu.memory_space<vmem>>)
      %sub3A_87 = arith.constant 1 : i32
      %sub3A_88 = arith.subi %min3A_4, %sub3A_87 : i32
      %add3A_89 = arith.addi %mul3A_2, %sub3A_88 : i32
      %mul3A_90 = arith.constant 128 : i32
      %mul3A_91 = arith.muli %add3A_89, %mul3A_90 : i32
      %dma_start3A = arith.constant 1 : i32
      %dma_start3A_92 = arith.constant 1 : i32
      %dma_start3A_93 = arith.constant 0 : i32
      %dma_start3A_94 = arith.constant 0 : i32
      %dma_start3A_95 = tpu.memref_slice %arg6[%dma_start3A, %dma_start3A_93, %dma_start3A_94] : memref<2x128x64xi32, #tpu.memory_space<vmem>> -> memref<1x128x64xi32, #tpu.memory_space<vmem>>
      %dma_start3A_96 = tpu.memref_squeeze %dma_start3A_95 : memref<1x128x64xi32, #tpu.memory_space<vmem>> -> memref<128x64xi32, #tpu.memory_space<vmem>>
      %dma_start3A_97 = arith.constant 0 : i32
      %dma_start3A_98 = tpu.memref_slice %arg4[%mul3A_91, %dma_start3A_97] : memref<163840x64xi32, #tpu.memory_space<hbm>> -> memref<128x64xi32, #tpu.memory_space<hbm>>
      %dma_start3A_99 = tpu.memref_slice %arg10[%dma_start3A_92] : memref<2x!tpu.dma_semaphore, #tpu.memory_space<semaphore_mem>> -> memref<1x!tpu.dma_semaphore, #tpu.memory_space<semaphore_mem>>
      %dma_start3A_100 = tpu.memref_squeeze %dma_start3A_99 : memref<1x!tpu.dma_semaphore, #tpu.memory_space<semaphore_mem>> -> memref<!tpu.dma_semaphore, #tpu.memory_space<semaphore_mem>>
      %dma_start3A_101 = arith.constant 0 : i32
      %dma_start3A_102 = tpu.memref_slice %arg4[%mul3A_91, %dma_start3A_101] : memref<163840x64xi32, #tpu.memory_space<hbm>> -> memref<128x64xi32, #tpu.memory_space<hbm>>
      %dma_start3A_103 = arith.constant 0 : i32
      %dma_start3A_104 = arith.constant 0 : i32
      %dma_start3A_105 = tpu.memref_slice %arg6[%dma_start3A, %dma_start3A_103, %dma_start3A_104] : memref<2x128x64xi32, #tpu.memory_space<vmem>> -> memref<1x128x64xi32, #tpu.memory_space<vmem>>
      %dma_start3A_106 = tpu.memref_squeeze %dma_start3A_105 : memref<1x128x64xi32, #tpu.memory_space<vmem>> -> memref<128x64xi32, #tpu.memory_space<vmem>>
      tpu.enqueue_dma source(%dma_start3A_106 : memref<128x64xi32, #tpu.memory_space<vmem>>) target(%dma_start3A_102 : memref<128x64xi32, #tpu.memory_space<hbm>>) target_semaphore(%dma_start3A_100 : memref<!tpu.dma_semaphore, #tpu.memory_space<semaphore_mem>>)
    } else {
    }
    %gt3A_63 = arith.constant 0 : i32
    %gt3A_64 = arith.cmpi sgt, %min3A_4, %gt3A_63 : i32
    %convert_element_type3A_65 = arith.extui %gt3A_64 : i1 to i32
    %cond3A_66 = arith.constant 0 : i32
    %cond3A_67 = arith.cmpi ne, %convert_element_type3A_65, %cond3A_66 : i32
    scf.if %cond3A_67 {
      %add3A_73 = arith.constant 0 : i32
      %add3A_74 = arith.addi %mul3A_2, %add3A_73 : i32
      %mul3A_75 = arith.constant 128 : i32
      %mul3A_76 = arith.muli %add3A_74, %mul3A_75 : i32
      %dma_wait3A = arith.constant 0 : i32
      %dma_wait3A_77 = arith.constant 0 : i32
      %dma_wait3A_78 = arith.constant 0 : i32
      %dma_wait3A_79 = arith.constant 0 : i32
      %dma_wait3A_80 = tpu.memref_slice %arg6[%dma_wait3A, %dma_wait3A_78, %dma_wait3A_79] : memref<2x128x64xi32, #tpu.memory_space<vmem>> -> memref<1x128x64xi32, #tpu.memory_space<vmem>>
      %dma_wait3A_81 = tpu.memref_squeeze %dma_wait3A_80 : memref<1x128x64xi32, #tpu.memory_space<vmem>> -> memref<128x64xi32, #tpu.memory_space<vmem>>
      %dma_wait3A_82 = arith.constant 0 : i32
      %dma_wait3A_83 = tpu.memref_slice %arg4[%mul3A_76, %dma_wait3A_82] : memref<163840x64xi32, #tpu.memory_space<hbm>> -> memref<128x64xi32, #tpu.memory_space<hbm>>
      %dma_wait3A_84 = tpu.memref_slice %arg10[%dma_wait3A_77] : memref<2x!tpu.dma_semaphore, #tpu.memory_space<semaphore_mem>> -> memref<1x!tpu.dma_semaphore, #tpu.memory_space<semaphore_mem>>
      %dma_wait3A_85 = tpu.memref_squeeze %dma_wait3A_84 : memref<1x!tpu.dma_semaphore, #tpu.memory_space<semaphore_mem>> -> memref<!tpu.dma_semaphore, #tpu.memory_space<semaphore_mem>>
      %dma_wait3A_86 = arith.constant 0 : i32
      %dma_wait3A_87 = tpu.memref_slice %arg4[%mul3A_76, %dma_wait3A_86] : memref<163840x64xi32, #tpu.memory_space<hbm>> -> memref<128x64xi32, #tpu.memory_space<hbm>>
      %dma_wait3A_88 = arith.constant 0 : i32
      %dma_wait3A_89 = arith.constant 0 : i32
      %dma_wait3A_90 = tpu.memref_slice %arg6[%dma_wait3A, %dma_wait3A_88, %dma_wait3A_89] : memref<2x128x64xi32, #tpu.memory_space<vmem>> -> memref<1x128x64xi32, #tpu.memory_space<vmem>>
      %dma_wait3A_91 = tpu.memref_squeeze %dma_wait3A_90 : memref<1x128x64xi32, #tpu.memory_space<vmem>> -> memref<128x64xi32, #tpu.memory_space<vmem>>
      tpu.wait_dma2 semaphore(%dma_wait3A_85 : memref<!tpu.dma_semaphore, #tpu.memory_space<semaphore_mem>>) src(%dma_wait3A_91 : memref<128x64xi32, #tpu.memory_space<vmem>>) dst(%dma_wait3A_87 : memref<128x64xi32, #tpu.memory_space<hbm>>)
    } else {
    }
    %gt3A_68 = arith.constant 1 : i32
    %gt3A_69 = arith.cmpi sgt, %min3A_4, %gt3A_68 : i32
    %convert_element_type3A_70 = arith.extui %gt3A_69 : i1 to i32
    %cond3A_71 = arith.constant 0 : i32
    %cond3A_72 = arith.cmpi ne, %convert_element_type3A_70, %cond3A_71 : i32
    scf.if %cond3A_72 {
      %add3A_73 = arith.constant 0 : i32
      %add3A_74 = arith.addi %mul3A_2, %add3A_73 : i32
      %mul3A_75 = arith.constant 128 : i32
      %mul3A_76 = arith.muli %add3A_74, %mul3A_75 : i32
      %dma_wait3A = arith.constant 1 : i32
      %dma_wait3A_77 = arith.constant 1 : i32
      %dma_wait3A_78 = arith.constant 0 : i32
      %dma_wait3A_79 = arith.constant 0 : i32
      %dma_wait3A_80 = tpu.memref_slice %arg6[%dma_wait3A, %dma_wait3A_78, %dma_wait3A_79] : memref<2x128x64xi32, #tpu.memory_space<vmem>> -> memref<1x128x64xi32, #tpu.memory_space<vmem>>
      %dma_wait3A_81 = tpu.memref_squeeze %dma_wait3A_80 : memref<1x128x64xi32, #tpu.memory_space<vmem>> -> memref<128x64xi32, #tpu.memory_space<vmem>>
      %dma_wait3A_82 = arith.constant 0 : i32
      %dma_wait3A_83 = tpu.memref_slice %arg4[%mul3A_76, %dma_wait3A_82] : memref<163840x64xi32, #tpu.memory_space<hbm>> -> memref<128x64xi32, #tpu.memory_space<hbm>>
      %dma_wait3A_84 = tpu.memref_slice %arg10[%dma_wait3A_77] : memref<2x!tpu.dma_semaphore, #tpu.memory_space<semaphore_mem>> -> memref<1x!tpu.dma_semaphore, #tpu.memory_space<semaphore_mem>>
      %dma_wait3A_85 = tpu.memref_squeeze %dma_wait3A_84 : memref<1x!tpu.dma_semaphore, #tpu.memory_space<semaphore_mem>> -> memref<!tpu.dma_semaphore, #tpu.memory_space<semaphore_mem>>
      %dma_wait3A_86 = arith.constant 0 : i32
      %dma_wait3A_87 = tpu.memref_slice %arg4[%mul3A_76, %dma_wait3A_86] : memref<163840x64xi32, #tpu.memory_space<hbm>> -> memref<128x64xi32, #tpu.memory_space<hbm>>
      %dma_wait3A_88 = arith.constant 0 : i32
      %dma_wait3A_89 = arith.constant 0 : i32
      %dma_wait3A_90 = tpu.memref_slice %arg6[%dma_wait3A, %dma_wait3A_88, %dma_wait3A_89] : memref<2x128x64xi32, #tpu.memory_space<vmem>> -> memref<1x128x64xi32, #tpu.memory_space<vmem>>
      %dma_wait3A_91 = tpu.memref_squeeze %dma_wait3A_90 : memref<1x128x64xi32, #tpu.memory_space<vmem>> -> memref<128x64xi32, #tpu.memory_space<vmem>>
      tpu.wait_dma2 semaphore(%dma_wait3A_85 : memref<!tpu.dma_semaphore, #tpu.memory_space<semaphore_mem>>) src(%dma_wait3A_91 : memref<128x64xi32, #tpu.memory_space<vmem>>) dst(%dma_wait3A_87 : memref<128x64xi32, #tpu.memory_space<hbm>>)
    } else {
    }
    return
  }
}

module attributes {stable_mosaic.version = 14 : i64} {
  func.func @_tc_median_body(%arg0: i32, %arg1: memref<1x2xf32, #tpu.memory_space<smem>>, %arg2: memref<32x512x64xi32, #tpu.memory_space<vmem>>, %arg3: memref<1x128x512xf32, #tpu.memory_space<vmem>>, %arg4: memref<1x128x512xf32, #tpu.memory_space<vmem>>, %arg5: memref<512x128xf32, #tpu.memory_space<vmem>>, %arg6: memref<512x128xf32, #tpu.memory_space<vmem>>) attributes {dimension_semantics = [#tpu.dimension_semantics<arbitrary>], iteration_bounds = array<i64: 10>, scalar_prefetch = 0 : i64, scratch_operands = 2 : i64, tpu.core_type = #tpu.core_type<tc>, window_params = [{transform_indices = @transform_0, window_bounds = array<i64: 1, 2>}, {transform_indices = @transform_1, window_bounds = array<i64: 32, 512, 64>}, {transform_indices = @transform_2, window_bounds = array<i64: 1, 128, 512>}, {transform_indices = @transform_3, window_bounds = array<i64: 1, 128, 512>}]} {
    %mul3A = arith.constant 512 : i32
    %mul3A_0 = arith.muli %arg0, %mul3A : i32
    %sub3A = arith.constant 4880 : i32
    %sub3A_1 = arith.subi %sub3A, %mul3A_0 : i32
    %iota3A = tpu.iota {dimensions = array<i32: 0>} : vector<128x128xi32>
    %iota3A_2 = tpu.iota {dimensions = array<i32: 1>} : vector<128x128xi32>
    %eq3A = arith.cmpi eq, %iota3A, %iota3A_2 : vector<128x128xi32>
    %convert_element_type3A = arith.extui %eq3A : vector<128x128xi1> to vector<128x128xi32>
    %convert_element_type3A_3 = arith.sitofp %convert_element_type3A : vector<128x128xi32> to vector<128x128xf32>
    %get3A = arith.constant 0 : index
    %get3A_4 = arith.constant 0 : index
    %get3A_5 = arith.constant 0 : index
    %get3A_6 = vector.load %arg3[%get3A, %get3A_4, %get3A_5] : memref<1x128x512xf32, #tpu.memory_space<vmem>>, vector<1x128x512xf32>
    %get3A_7 = vector.shape_cast %get3A_6 : vector<1x128x512xf32> to vector<128x512xf32>
    %dot_general3A = arith.constant dense<0.000000e+00> : vector<512x128xf32>
    %dot_general3A_8 = tpu.matmul %get3A_7, %convert_element_type3A_3, %dot_general3A {dimension_numbers = #tpu.dot_dimension_numbers<[0], [0], [1], [1], [0, 1, 1, 1], [], []>, transpose_lhs_hint = false} : vector<128x512xf32>, vector<128x128xf32>, vector<512x128xf32> -> vector<512x128xf32>
    %swap3A = arith.constant 0 : index
    %swap3A_9 = arith.constant 0 : index
    %swap3A_10 = vector.load %arg6[%swap3A, %swap3A_9] : memref<512x128xf32, #tpu.memory_space<vmem>>, vector<512x128xf32>
    tpu.vector_store %arg6[%swap3A, %swap3A_9], %dot_general3A_8 {strides = array<i32>} : memref<512x128xf32, #tpu.memory_space<vmem>>, vector<512x128xf32>,
    %scan3A = arith.constant 0 : i32
    %scan3A_11 = arith.constant 64 : i32
    %scan3A_12 = arith.addi %scan3A, %scan3A_11 : i32
    %scan3A_13 = arith.constant 1 : i32
    scf.for %scan3A_46 = %scan3A to %scan3A_12 step %scan3A_13  : i32 {
      %mul3A_47 = arith.constant 8 : i32
      %mul3A_48 = arith.muli %scan3A_46, %mul3A_47 : i32
      %multiple_of3A = tpu.assume_multiple %mul3A_48, 8 : i32
      %get3A_49 = arith.constant 0 : index
      %get3A_50 = arith.index_cast %multiple_of3A : i32 to index
      %get3A_51 = arith.constant 0 : index
      %get3A_52 = vector.load %arg2[%get3A_49, %get3A_50, %get3A_51] : memref<32x512x64xi32, #tpu.memory_space<vmem>>, vector<1x8x64xi32>
      %get3A_53 = vector.shape_cast %get3A_52 : vector<1x8x64xi32> to vector<8x64xi32>
      %shift_left3A = arith.constant 16 : i32
      %shift_left3A_54 = vector.broadcast %shift_left3A : i32 to vector<8x64xi32>
      %shift_left3A_55 = arith.shli %get3A_53, %shift_left3A_54 : vector<8x64xi32>
      %bitcast_convert_type3A = tpu.bitcast %shift_left3A_55 : vector<8x64xi32> -> vector<8x64xf32>
      %and3A = arith.constant -65536 : i32
      %and3A_56 = vector.broadcast %and3A : i32 to vector<8x64xi32>
      %and3A_57 = arith.andi %get3A_53, %and3A_56 : vector<8x64xi32>
      %bitcast_convert_type3A_58 = tpu.bitcast %and3A_57 : vector<8x64xi32> -> vector<8x64xf32>
      %concatenate3A = tpu.concatenate %bitcast_convert_type3A, %bitcast_convert_type3A_58 in 1 : vector<8x64xf32>, vector<8x64xf32> -> vector<8x128xf32>
      %get3A_59 = arith.constant 1 : index
      %get3A_60 = arith.index_cast %multiple_of3A : i32 to index
      %get3A_61 = arith.constant 0 : index
      %get3A_62 = vector.load %arg2[%get3A_59, %get3A_60, %get3A_61] : memref<32x512x64xi32, #tpu.memory_space<vmem>>, vector<1x8x64xi32>
      %get3A_63 = vector.shape_cast %get3A_62 : vector<1x8x64xi32> to vector<8x64xi32>
      %shift_left3A_64 = arith.constant 16 : i32
      %shift_left3A_65 = vector.broadcast %shift_left3A_64 : i32 to vector<8x64xi32>
      %shift_left3A_66 = arith.shli %get3A_63, %shift_left3A_65 : vector<8x64xi32>
      %bitcast_convert_type3A_67 = tpu.bitcast %shift_left3A_66 : vector<8x64xi32> -> vector<8x64xf32>
      %and3A_68 = arith.constant -65536 : i32
      %and3A_69 = vector.broadcast %and3A_68 : i32 to vector<8x64xi32>
      %and3A_70 = arith.andi %get3A_63, %and3A_69 : vector<8x64xi32>
      %bitcast_convert_type3A_71 = tpu.bitcast %and3A_70 : vector<8x64xi32> -> vector<8x64xf32>
      %concatenate3A_72 = tpu.concatenate %bitcast_convert_type3A_67, %bitcast_convert_type3A_71 in 1 : vector<8x64xf32>, vector<8x64xf32> -> vector<8x128xf32>
      %get3A_73 = arith.constant 2 : index
      %get3A_74 = arith.index_cast %multiple_of3A : i32 to index
      %get3A_75 = arith.constant 0 : index
      %get3A_76 = vector.load %arg2[%get3A_73, %get3A_74, %get3A_75] : memref<32x512x64xi32, #tpu.memory_space<vmem>>, vector<1x8x64xi32>
      %get3A_77 = vector.shape_cast %get3A_76 : vector<1x8x64xi32> to vector<8x64xi32>
      %shift_left3A_78 = arith.constant 16 : i32
      %shift_left3A_79 = vector.broadcast %shift_left3A_78 : i32 to vector<8x64xi32>
      %shift_left3A_80 = arith.shli %get3A_77, %shift_left3A_79 : vector<8x64xi32>
      %bitcast_convert_type3A_81 = tpu.bitcast %shift_left3A_80 : vector<8x64xi32> -> vector<8x64xf32>
      %and3A_82 = arith.constant -65536 : i32
      %and3A_83 = vector.broadcast %and3A_82 : i32 to vector<8x64xi32>
      %and3A_84 = arith.andi %get3A_77, %and3A_83 : vector<8x64xi32>
      %bitcast_convert_type3A_85 = tpu.bitcast %and3A_84 : vector<8x64xi32> -> vector<8x64xf32>
      %concatenate3A_86 = tpu.concatenate %bitcast_convert_type3A_81, %bitcast_convert_type3A_85 in 1 : vector<8x64xf32>, vector<8x64xf32> -> vector<8x128xf32>
      %get3A_87 = arith.constant 3 : index
      %get3A_88 = arith.index_cast %multiple_of3A : i32 to index
      %get3A_89 = arith.constant 0 : index
      %get3A_90 = vector.load %arg2[%get3A_87, %get3A_88, %get3A_89] : memref<32x512x64xi32, #tpu.memory_space<vmem>>, vector<1x8x64xi32>
      %get3A_91 = vector.shape_cast %get3A_90 : vector<1x8x64xi32> to vector<8x64xi32>
      %shift_left3A_92 = arith.constant 16 : i32
      %shift_left3A_93 = vector.broadcast %shift_left3A_92 : i32 to vector<8x64xi32>
      %shift_left3A_94 = arith.shli %get3A_91, %shift_left3A_93 : vector<8x64xi32>
      %bitcast_convert_type3A_95 = tpu.bitcast %shift_left3A_94 : vector<8x64xi32> -> vector<8x64xf32>
      %and3A_96 = arith.constant -65536 : i32
      %and3A_97 = vector.broadcast %and3A_96 : i32 to vector<8x64xi32>
      %and3A_98 = arith.andi %get3A_91, %and3A_97 : vector<8x64xi32>
      %bitcast_convert_type3A_99 = tpu.bitcast %and3A_98 : vector<8x64xi32> -> vector<8x64xf32>
      %concatenate3A_100 = tpu.concatenate %bitcast_convert_type3A_95, %bitcast_convert_type3A_99 in 1 : vector<8x64xf32>, vector<8x64xf32> -> vector<8x128xf32>
      %get3A_101 = arith.constant 4 : index
      %get3A_102 = arith.index_cast %multiple_of3A : i32 to index
      %get3A_103 = arith.constant 0 : index
      %get3A_104 = vector.load %arg2[%get3A_101, %get3A_102, %get3A_103] : memref<32x512x64xi32, #tpu.memory_space<vmem>>, vector<1x8x64xi32>
      %get3A_105 = vector.shape_cast %get3A_104 : vector<1x8x64xi32> to vector<8x64xi32>
      %shift_left3A_106 = arith.constant 16 : i32
      %shift_left3A_107 = vector.broadcast %shift_left3A_106 : i32 to vector<8x64xi32>
      %shift_left3A_108 = arith.shli %get3A_105, %shift_left3A_107 : vector<8x64xi32>
      %bitcast_convert_type3A_109 = tpu.bitcast %shift_left3A_108 : vector<8x64xi32> -> vector<8x64xf32>
      %and3A_110 = arith.constant -65536 : i32
      %and3A_111 = vector.broadcast %and3A_110 : i32 to vector<8x64xi32>
      %and3A_112 = arith.andi %get3A_105, %and3A_111 : vector<8x64xi32>
      %bitcast_convert_type3A_113 = tpu.bitcast %and3A_112 : vector<8x64xi32> -> vector<8x64xf32>
      %concatenate3A_114 = tpu.concatenate %bitcast_convert_type3A_109, %bitcast_convert_type3A_113 in 1 : vector<8x64xf32>, vector<8x64xf32> -> vector<8x128xf32>
      %get3A_115 = arith.constant 5 : index
      %get3A_116 = arith.index_cast %multiple_of3A : i32 to index
      %get3A_117 = arith.constant 0 : index
      %get3A_118 = vector.load %arg2[%get3A_115, %get3A_116, %get3A_117] : memref<32x512x64xi32, #tpu.memory_space<vmem>>, vector<1x8x64xi32>
      %get3A_119 = vector.shape_cast %get3A_118 : vector<1x8x64xi32> to vector<8x64xi32>
      %shift_left3A_120 = arith.constant 16 : i32
      %shift_left3A_121 = vector.broadcast %shift_left3A_120 : i32 to vector<8x64xi32>
      %shift_left3A_122 = arith.shli %get3A_119, %shift_left3A_121 : vector<8x64xi32>
      %bitcast_convert_type3A_123 = tpu.bitcast %shift_left3A_122 : vector<8x64xi32> -> vector<8x64xf32>
      %and3A_124 = arith.constant -65536 : i32
      %and3A_125 = vector.broadcast %and3A_124 : i32 to vector<8x64xi32>
      %and3A_126 = arith.andi %get3A_119, %and3A_125 : vector<8x64xi32>
      %bitcast_convert_type3A_127 = tpu.bitcast %and3A_126 : vector<8x64xi32> -> vector<8x64xf32>
      %concatenate3A_128 = tpu.concatenate %bitcast_convert_type3A_123, %bitcast_convert_type3A_127 in 1 : vector<8x64xf32>, vector<8x64xf32> -> vector<8x128xf32>
      %get3A_129 = arith.constant 6 : index
      %get3A_130 = arith.index_cast %multiple_of3A : i32 to index
      %get3A_131 = arith.constant 0 : index
      %get3A_132 = vector.load %arg2[%get3A_129, %get3A_130, %get3A_131] : memref<32x512x64xi32, #tpu.memory_space<vmem>>, vector<1x8x64xi32>
      %get3A_133 = vector.shape_cast %get3A_132 : vector<1x8x64xi32> to vector<8x64xi32>
      %shift_left3A_134 = arith.constant 16 : i32
      %shift_left3A_135 = vector.broadcast %shift_left3A_134 : i32 to vector<8x64xi32>
      %shift_left3A_136 = arith.shli %get3A_133, %shift_left3A_135 : vector<8x64xi32>
      %bitcast_convert_type3A_137 = tpu.bitcast %shift_left3A_136 : vector<8x64xi32> -> vector<8x64xf32>
      %and3A_138 = arith.constant -65536 : i32
      %and3A_139 = vector.broadcast %and3A_138 : i32 to vector<8x64xi32>
      %and3A_140 = arith.andi %get3A_133, %and3A_139 : vector<8x64xi32>
      %bitcast_convert_type3A_141 = tpu.bitcast %and3A_140 : vector<8x64xi32> -> vector<8x64xf32>
      %concatenate3A_142 = tpu.concatenate %bitcast_convert_type3A_137, %bitcast_convert_type3A_141 in 1 : vector<8x64xf32>, vector<8x64xf32> -> vector<8x128xf32>
      %get3A_143 = arith.constant 7 : index
      %get3A_144 = arith.index_cast %multiple_of3A : i32 to index
      %get3A_145 = arith.constant 0 : index
      %get3A_146 = vector.load %arg2[%get3A_143, %get3A_144, %get3A_145] : memref<32x512x64xi32, #tpu.memory_space<vmem>>, vector<1x8x64xi32>
      %get3A_147 = vector.shape_cast %get3A_146 : vector<1x8x64xi32> to vector<8x64xi32>
      %shift_left3A_148 = arith.constant 16 : i32
      %shift_left3A_149 = vector.broadcast %shift_left3A_148 : i32 to vector<8x64xi32>
      %shift_left3A_150 = arith.shli %get3A_147, %shift_left3A_149 : vector<8x64xi32>
      %bitcast_convert_type3A_151 = tpu.bitcast %shift_left3A_150 : vector<8x64xi32> -> vector<8x64xf32>
      %and3A_152 = arith.constant -65536 : i32
      %and3A_153 = vector.broadcast %and3A_152 : i32 to vector<8x64xi32>
      %and3A_154 = arith.andi %get3A_147, %and3A_153 : vector<8x64xi32>
      %bitcast_convert_type3A_155 = tpu.bitcast %and3A_154 : vector<8x64xi32> -> vector<8x64xf32>
      %concatenate3A_156 = tpu.concatenate %bitcast_convert_type3A_151, %bitcast_convert_type3A_155 in 1 : vector<8x64xf32>, vector<8x64xf32> -> vector<8x128xf32>
      %get3A_157 = arith.constant 8 : index
      %get3A_158 = arith.index_cast %multiple_of3A : i32 to index
      %get3A_159 = arith.constant 0 : index
      %get3A_160 = vector.load %arg2[%get3A_157, %get3A_158, %get3A_159] : memref<32x512x64xi32, #tpu.memory_space<vmem>>, vector<1x8x64xi32>
      %get3A_161 = vector.shape_cast %get3A_160 : vector<1x8x64xi32> to vector<8x64xi32>
      %shift_left3A_162 = arith.constant 16 : i32
      %shift_left3A_163 = vector.broadcast %shift_left3A_162 : i32 to vector<8x64xi32>
      %shift_left3A_164 = arith.shli %get3A_161, %shift_left3A_163 : vector<8x64xi32>
      %bitcast_convert_type3A_165 = tpu.bitcast %shift_left3A_164 : vector<8x64xi32> -> vector<8x64xf32>
      %and3A_166 = arith.constant -65536 : i32
      %and3A_167 = vector.broadcast %and3A_166 : i32 to vector<8x64xi32>
      %and3A_168 = arith.andi %get3A_161, %and3A_167 : vector<8x64xi32>
      %bitcast_convert_type3A_169 = tpu.bitcast %and3A_168 : vector<8x64xi32> -> vector<8x64xf32>
      %concatenate3A_170 = tpu.concatenate %bitcast_convert_type3A_165, %bitcast_convert_type3A_169 in 1 : vector<8x64xf32>, vector<8x64xf32> -> vector<8x128xf32>
      %get3A_171 = arith.constant 9 : index
      %get3A_172 = arith.index_cast %multiple_of3A : i32 to index
      %get3A_173 = arith.constant 0 : index
      %get3A_174 = vector.load %arg2[%get3A_171, %get3A_172, %get3A_173] : memref<32x512x64xi32, #tpu.memory_space<vmem>>, vector<1x8x64xi32>
      %get3A_175 = vector.shape_cast %get3A_174 : vector<1x8x64xi32> to vector<8x64xi32>
      %shift_left3A_176 = arith.constant 16 : i32
      %shift_left3A_177 = vector.broadcast %shift_left3A_176 : i32 to vector<8x64xi32>
      %shift_left3A_178 = arith.shli %get3A_175, %shift_left3A_177 : vector<8x64xi32>
      %bitcast_convert_type3A_179 = tpu.bitcast %shift_left3A_178 : vector<8x64xi32> -> vector<8x64xf32>
      %and3A_180 = arith.constant -65536 : i32
      %and3A_181 = vector.broadcast %and3A_180 : i32 to vector<8x64xi32>
      %and3A_182 = arith.andi %get3A_175, %and3A_181 : vector<8x64xi32>
      %bitcast_convert_type3A_183 = tpu.bitcast %and3A_182 : vector<8x64xi32> -> vector<8x64xf32>
      %concatenate3A_184 = tpu.concatenate %bitcast_convert_type3A_179, %bitcast_convert_type3A_183 in 1 : vector<8x64xf32>, vector<8x64xf32> -> vector<8x128xf32>
      %get3A_185 = arith.constant 10 : index
      %get3A_186 = arith.index_cast %multiple_of3A : i32 to index
      %get3A_187 = arith.constant 0 : index
      %get3A_188 = vector.load %arg2[%get3A_185, %get3A_186, %get3A_187] : memref<32x512x64xi32, #tpu.memory_space<vmem>>, vector<1x8x64xi32>
      %get3A_189 = vector.shape_cast %get3A_188 : vector<1x8x64xi32> to vector<8x64xi32>
      %shift_left3A_190 = arith.constant 16 : i32
      %shift_left3A_191 = vector.broadcast %shift_left3A_190 : i32 to vector<8x64xi32>
      %shift_left3A_192 = arith.shli %get3A_189, %shift_left3A_191 : vector<8x64xi32>
      %bitcast_convert_type3A_193 = tpu.bitcast %shift_left3A_192 : vector<8x64xi32> -> vector<8x64xf32>
      %and3A_194 = arith.constant -65536 : i32
      %and3A_195 = vector.broadcast %and3A_194 : i32 to vector<8x64xi32>
      %and3A_196 = arith.andi %get3A_189, %and3A_195 : vector<8x64xi32>
      %bitcast_convert_type3A_197 = tpu.bitcast %and3A_196 : vector<8x64xi32> -> vector<8x64xf32>
      %concatenate3A_198 = tpu.concatenate %bitcast_convert_type3A_193, %bitcast_convert_type3A_197 in 1 : vector<8x64xf32>, vector<8x64xf32> -> vector<8x128xf32>
      %get3A_199 = arith.constant 11 : index
      %get3A_200 = arith.index_cast %multiple_of3A : i32 to index
      %get3A_201 = arith.constant 0 : index
      %get3A_202 = vector.load %arg2[%get3A_199, %get3A_200, %get3A_201] : memref<32x512x64xi32, #tpu.memory_space<vmem>>, vector<1x8x64xi32>
      %get3A_203 = vector.shape_cast %get3A_202 : vector<1x8x64xi32> to vector<8x64xi32>
      %shift_left3A_204 = arith.constant 16 : i32
      %shift_left3A_205 = vector.broadcast %shift_left3A_204 : i32 to vector<8x64xi32>
      %shift_left3A_206 = arith.shli %get3A_203, %shift_left3A_205 : vector<8x64xi32>
      %bitcast_convert_type3A_207 = tpu.bitcast %shift_left3A_206 : vector<8x64xi32> -> vector<8x64xf32>
      %and3A_208 = arith.constant -65536 : i32
      %and3A_209 = vector.broadcast %and3A_208 : i32 to vector<8x64xi32>
      %and3A_210 = arith.andi %get3A_203, %and3A_209 : vector<8x64xi32>
      %bitcast_convert_type3A_211 = tpu.bitcast %and3A_210 : vector<8x64xi32> -> vector<8x64xf32>
      %concatenate3A_212 = tpu.concatenate %bitcast_convert_type3A_207, %bitcast_convert_type3A_211 in 1 : vector<8x64xf32>, vector<8x64xf32> -> vector<8x128xf32>
      %get3A_213 = arith.constant 12 : index
      %get3A_214 = arith.index_cast %multiple_of3A : i32 to index
      %get3A_215 = arith.constant 0 : index
      %get3A_216 = vector.load %arg2[%get3A_213, %get3A_214, %get3A_215] : memref<32x512x64xi32, #tpu.memory_space<vmem>>, vector<1x8x64xi32>
      %get3A_217 = vector.shape_cast %get3A_216 : vector<1x8x64xi32> to vector<8x64xi32>
      %shift_left3A_218 = arith.constant 16 : i32
      %shift_left3A_219 = vector.broadcast %shift_left3A_218 : i32 to vector<8x64xi32>
      %shift_left3A_220 = arith.shli %get3A_217, %shift_left3A_219 : vector<8x64xi32>
      %bitcast_convert_type3A_221 = tpu.bitcast %shift_left3A_220 : vector<8x64xi32> -> vector<8x64xf32>
      %and3A_222 = arith.constant -65536 : i32
      %and3A_223 = vector.broadcast %and3A_222 : i32 to vector<8x64xi32>
      %and3A_224 = arith.andi %get3A_217, %and3A_223 : vector<8x64xi32>
      %bitcast_convert_type3A_225 = tpu.bitcast %and3A_224 : vector<8x64xi32> -> vector<8x64xf32>
      %concatenate3A_226 = tpu.concatenate %bitcast_convert_type3A_221, %bitcast_convert_type3A_225 in 1 : vector<8x64xf32>, vector<8x64xf32> -> vector<8x128xf32>
      %get3A_227 = arith.constant 13 : index
      %get3A_228 = arith.index_cast %multiple_of3A : i32 to index
      %get3A_229 = arith.constant 0 : index
      %get3A_230 = vector.load %arg2[%get3A_227, %get3A_228, %get3A_229] : memref<32x512x64xi32, #tpu.memory_space<vmem>>, vector<1x8x64xi32>
      %get3A_231 = vector.shape_cast %get3A_230 : vector<1x8x64xi32> to vector<8x64xi32>
      %shift_left3A_232 = arith.constant 16 : i32
      %shift_left3A_233 = vector.broadcast %shift_left3A_232 : i32 to vector<8x64xi32>
      %shift_left3A_234 = arith.shli %get3A_231, %shift_left3A_233 : vector<8x64xi32>
      %bitcast_convert_type3A_235 = tpu.bitcast %shift_left3A_234 : vector<8x64xi32> -> vector<8x64xf32>
      %and3A_236 = arith.constant -65536 : i32
      %and3A_237 = vector.broadcast %and3A_236 : i32 to vector<8x64xi32>
      %and3A_238 = arith.andi %get3A_231, %and3A_237 : vector<8x64xi32>
      %bitcast_convert_type3A_239 = tpu.bitcast %and3A_238 : vector<8x64xi32> -> vector<8x64xf32>
      %concatenate3A_240 = tpu.concatenate %bitcast_convert_type3A_235, %bitcast_convert_type3A_239 in 1 : vector<8x64xf32>, vector<8x64xf32> -> vector<8x128xf32>
      %get3A_241 = arith.constant 14 : index
      %get3A_242 = arith.index_cast %multiple_of3A : i32 to index
      %get3A_243 = arith.constant 0 : index
      %get3A_244 = vector.load %arg2[%get3A_241, %get3A_242, %get3A_243] : memref<32x512x64xi32, #tpu.memory_space<vmem>>, vector<1x8x64xi32>
      %get3A_245 = vector.shape_cast %get3A_244 : vector<1x8x64xi32> to vector<8x64xi32>
      %shift_left3A_246 = arith.constant 16 : i32
      %shift_left3A_247 = vector.broadcast %shift_left3A_246 : i32 to vector<8x64xi32>
      %shift_left3A_248 = arith.shli %get3A_245, %shift_left3A_247 : vector<8x64xi32>
      %bitcast_convert_type3A_249 = tpu.bitcast %shift_left3A_248 : vector<8x64xi32> -> vector<8x64xf32>
      %and3A_250 = arith.constant -65536 : i32
      %and3A_251 = vector.broadcast %and3A_250 : i32 to vector<8x64xi32>
      %and3A_252 = arith.andi %get3A_245, %and3A_251 : vector<8x64xi32>
      %bitcast_convert_type3A_253 = tpu.bitcast %and3A_252 : vector<8x64xi32> -> vector<8x64xf32>
      %concatenate3A_254 = tpu.concatenate %bitcast_convert_type3A_249, %bitcast_convert_type3A_253 in 1 : vector<8x64xf32>, vector<8x64xf32> -> vector<8x128xf32>
      %get3A_255 = arith.constant 15 : index
      %get3A_256 = arith.index_cast %multiple_of3A : i32 to index
      %get3A_257 = arith.constant 0 : index
      %get3A_258 = vector.load %arg2[%get3A_255, %get3A_256, %get3A_257] : memref<32x512x64xi32, #tpu.memory_space<vmem>>, vector<1x8x64xi32>
      %get3A_259 = vector.shape_cast %get3A_258 : vector<1x8x64xi32> to vector<8x64xi32>
      %shift_left3A_260 = arith.constant 16 : i32
      %shift_left3A_261 = vector.broadcast %shift_left3A_260 : i32 to vector<8x64xi32>
      %shift_left3A_262 = arith.shli %get3A_259, %shift_left3A_261 : vector<8x64xi32>
      %bitcast_convert_type3A_263 = tpu.bitcast %shift_left3A_262 : vector<8x64xi32> -> vector<8x64xf32>
      %and3A_264 = arith.constant -65536 : i32
      %and3A_265 = vector.broadcast %and3A_264 : i32 to vector<8x64xi32>
      %and3A_266 = arith.andi %get3A_259, %and3A_265 : vector<8x64xi32>
      %bitcast_convert_type3A_267 = tpu.bitcast %and3A_266 : vector<8x64xi32> -> vector<8x64xf32>
      %concatenate3A_268 = tpu.concatenate %bitcast_convert_type3A_263, %bitcast_convert_type3A_267 in 1 : vector<8x64xf32>, vector<8x64xf32> -> vector<8x128xf32>
      %get3A_269 = arith.constant 16 : index
      %get3A_270 = arith.index_cast %multiple_of3A : i32 to index
      %get3A_271 = arith.constant 0 : index
      %get3A_272 = vector.load %arg2[%get3A_269, %get3A_270, %get3A_271] : memref<32x512x64xi32, #tpu.memory_space<vmem>>, vector<1x8x64xi32>
      %get3A_273 = vector.shape_cast %get3A_272 : vector<1x8x64xi32> to vector<8x64xi32>
      %shift_left3A_274 = arith.constant 16 : i32
      %shift_left3A_275 = vector.broadcast %shift_left3A_274 : i32 to vector<8x64xi32>
      %shift_left3A_276 = arith.shli %get3A_273, %shift_left3A_275 : vector<8x64xi32>
      %bitcast_convert_type3A_277 = tpu.bitcast %shift_left3A_276 : vector<8x64xi32> -> vector<8x64xf32>
      %and3A_278 = arith.constant -65536 : i32
      %and3A_279 = vector.broadcast %and3A_278 : i32 to vector<8x64xi32>
      %and3A_280 = arith.andi %get3A_273, %and3A_279 : vector<8x64xi32>
      %bitcast_convert_type3A_281 = tpu.bitcast %and3A_280 : vector<8x64xi32> -> vector<8x64xf32>
      %concatenate3A_282 = tpu.concatenate %bitcast_convert_type3A_277, %bitcast_convert_type3A_281 in 1 : vector<8x64xf32>, vector<8x64xf32> -> vector<8x128xf32>
      %get3A_283 = arith.constant 17 : index
      %get3A_284 = arith.index_cast %multiple_of3A : i32 to index
      %get3A_285 = arith.constant 0 : index
      %get3A_286 = vector.load %arg2[%get3A_283, %get3A_284, %get3A_285] : memref<32x512x64xi32, #tpu.memory_space<vmem>>, vector<1x8x64xi32>
      %get3A_287 = vector.shape_cast %get3A_286 : vector<1x8x64xi32> to vector<8x64xi32>
      %shift_left3A_288 = arith.constant 16 : i32
      %shift_left3A_289 = vector.broadcast %shift_left3A_288 : i32 to vector<8x64xi32>
      %shift_left3A_290 = arith.shli %get3A_287, %shift_left3A_289 : vector<8x64xi32>
      %bitcast_convert_type3A_291 = tpu.bitcast %shift_left3A_290 : vector<8x64xi32> -> vector<8x64xf32>
      %and3A_292 = arith.constant -65536 : i32
      %and3A_293 = vector.broadcast %and3A_292 : i32 to vector<8x64xi32>
      %and3A_294 = arith.andi %get3A_287, %and3A_293 : vector<8x64xi32>
      %bitcast_convert_type3A_295 = tpu.bitcast %and3A_294 : vector<8x64xi32> -> vector<8x64xf32>
      %concatenate3A_296 = tpu.concatenate %bitcast_convert_type3A_291, %bitcast_convert_type3A_295 in 1 : vector<8x64xf32>, vector<8x64xf32> -> vector<8x128xf32>
      %get3A_297 = arith.constant 18 : index
      %get3A_298 = arith.index_cast %multiple_of3A : i32 to index
      %get3A_299 = arith.constant 0 : index
      %get3A_300 = vector.load %arg2[%get3A_297, %get3A_298, %get3A_299] : memref<32x512x64xi32, #tpu.memory_space<vmem>>, vector<1x8x64xi32>
      %get3A_301 = vector.shape_cast %get3A_300 : vector<1x8x64xi32> to vector<8x64xi32>
      %shift_left3A_302 = arith.constant 16 : i32
      %shift_left3A_303 = vector.broadcast %shift_left3A_302 : i32 to vector<8x64xi32>
      %shift_left3A_304 = arith.shli %get3A_301, %shift_left3A_303 : vector<8x64xi32>
      %bitcast_convert_type3A_305 = tpu.bitcast %shift_left3A_304 : vector<8x64xi32> -> vector<8x64xf32>
      %and3A_306 = arith.constant -65536 : i32
      %and3A_307 = vector.broadcast %and3A_306 : i32 to vector<8x64xi32>
      %and3A_308 = arith.andi %get3A_301, %and3A_307 : vector<8x64xi32>
      %bitcast_convert_type3A_309 = tpu.bitcast %and3A_308 : vector<8x64xi32> -> vector<8x64xf32>
      %concatenate3A_310 = tpu.concatenate %bitcast_convert_type3A_305, %bitcast_convert_type3A_309 in 1 : vector<8x64xf32>, vector<8x64xf32> -> vector<8x128xf32>
      %get3A_311 = arith.constant 19 : index
      %get3A_312 = arith.index_cast %multiple_of3A : i32 to index
      %get3A_313 = arith.constant 0 : index
      %get3A_314 = vector.load %arg2[%get3A_311, %get3A_312, %get3A_313] : memref<32x512x64xi32, #tpu.memory_space<vmem>>, vector<1x8x64xi32>
      %get3A_315 = vector.shape_cast %get3A_314 : vector<1x8x64xi32> to vector<8x64xi32>
      %shift_left3A_316 = arith.constant 16 : i32
      %shift_left3A_317 = vector.broadcast %shift_left3A_316 : i32 to vector<8x64xi32>
      %shift_left3A_318 = arith.shli %get3A_315, %shift_left3A_317 : vector<8x64xi32>
      %bitcast_convert_type3A_319 = tpu.bitcast %shift_left3A_318 : vector<8x64xi32> -> vector<8x64xf32>
      %and3A_320 = arith.constant -65536 : i32
      %and3A_321 = vector.broadcast %and3A_320 : i32 to vector<8x64xi32>
      %and3A_322 = arith.andi %get3A_315, %and3A_321 : vector<8x64xi32>
      %bitcast_convert_type3A_323 = tpu.bitcast %and3A_322 : vector<8x64xi32> -> vector<8x64xf32>
      %concatenate3A_324 = tpu.concatenate %bitcast_convert_type3A_319, %bitcast_convert_type3A_323 in 1 : vector<8x64xf32>, vector<8x64xf32> -> vector<8x128xf32>
      %get3A_325 = arith.constant 20 : index
      %get3A_326 = arith.index_cast %multiple_of3A : i32 to index
      %get3A_327 = arith.constant 0 : index
      %get3A_328 = vector.load %arg2[%get3A_325, %get3A_326, %get3A_327] : memref<32x512x64xi32, #tpu.memory_space<vmem>>, vector<1x8x64xi32>
      %get3A_329 = vector.shape_cast %get3A_328 : vector<1x8x64xi32> to vector<8x64xi32>
      %shift_left3A_330 = arith.constant 16 : i32
      %shift_left3A_331 = vector.broadcast %shift_left3A_330 : i32 to vector<8x64xi32>
      %shift_left3A_332 = arith.shli %get3A_329, %shift_left3A_331 : vector<8x64xi32>
      %bitcast_convert_type3A_333 = tpu.bitcast %shift_left3A_332 : vector<8x64xi32> -> vector<8x64xf32>
      %and3A_334 = arith.constant -65536 : i32
      %and3A_335 = vector.broadcast %and3A_334 : i32 to vector<8x64xi32>
      %and3A_336 = arith.andi %get3A_329, %and3A_335 : vector<8x64xi32>
      %bitcast_convert_type3A_337 = tpu.bitcast %and3A_336 : vector<8x64xi32> -> vector<8x64xf32>
      %concatenate3A_338 = tpu.concatenate %bitcast_convert_type3A_333, %bitcast_convert_type3A_337 in 1 : vector<8x64xf32>, vector<8x64xf32> -> vector<8x128xf32>
      %get3A_339 = arith.constant 21 : index
      %get3A_340 = arith.index_cast %multiple_of3A : i32 to index
      %get3A_341 = arith.constant 0 : index
      %get3A_342 = vector.load %arg2[%get3A_339, %get3A_340, %get3A_341] : memref<32x512x64xi32, #tpu.memory_space<vmem>>, vector<1x8x64xi32>
      %get3A_343 = vector.shape_cast %get3A_342 : vector<1x8x64xi32> to vector<8x64xi32>
      %shift_left3A_344 = arith.constant 16 : i32
      %shift_left3A_345 = vector.broadcast %shift_left3A_344 : i32 to vector<8x64xi32>
      %shift_left3A_346 = arith.shli %get3A_343, %shift_left3A_345 : vector<8x64xi32>
      %bitcast_convert_type3A_347 = tpu.bitcast %shift_left3A_346 : vector<8x64xi32> -> vector<8x64xf32>
      %and3A_348 = arith.constant -65536 : i32
      %and3A_349 = vector.broadcast %and3A_348 : i32 to vector<8x64xi32>
      %and3A_350 = arith.andi %get3A_343, %and3A_349 : vector<8x64xi32>
      %bitcast_convert_type3A_351 = tpu.bitcast %and3A_350 : vector<8x64xi32> -> vector<8x64xf32>
      %concatenate3A_352 = tpu.concatenate %bitcast_convert_type3A_347, %bitcast_convert_type3A_351 in 1 : vector<8x64xf32>, vector<8x64xf32> -> vector<8x128xf32>
      %get3A_353 = arith.constant 22 : index
      %get3A_354 = arith.index_cast %multiple_of3A : i32 to index
      %get3A_355 = arith.constant 0 : index
      %get3A_356 = vector.load %arg2[%get3A_353, %get3A_354, %get3A_355] : memref<32x512x64xi32, #tpu.memory_space<vmem>>, vector<1x8x64xi32>
      %get3A_357 = vector.shape_cast %get3A_356 : vector<1x8x64xi32> to vector<8x64xi32>
      %shift_left3A_358 = arith.constant 16 : i32
      %shift_left3A_359 = vector.broadcast %shift_left3A_358 : i32 to vector<8x64xi32>
      %shift_left3A_360 = arith.shli %get3A_357, %shift_left3A_359 : vector<8x64xi32>
      %bitcast_convert_type3A_361 = tpu.bitcast %shift_left3A_360 : vector<8x64xi32> -> vector<8x64xf32>
      %and3A_362 = arith.constant -65536 : i32
      %and3A_363 = vector.broadcast %and3A_362 : i32 to vector<8x64xi32>
      %and3A_364 = arith.andi %get3A_357, %and3A_363 : vector<8x64xi32>
      %bitcast_convert_type3A_365 = tpu.bitcast %and3A_364 : vector<8x64xi32> -> vector<8x64xf32>
      %concatenate3A_366 = tpu.concatenate %bitcast_convert_type3A_361, %bitcast_convert_type3A_365 in 1 : vector<8x64xf32>, vector<8x64xf32> -> vector<8x128xf32>
      %get3A_367 = arith.constant 23 : index
      %get3A_368 = arith.index_cast %multiple_of3A : i32 to index
      %get3A_369 = arith.constant 0 : index
      %get3A_370 = vector.load %arg2[%get3A_367, %get3A_368, %get3A_369] : memref<32x512x64xi32, #tpu.memory_space<vmem>>, vector<1x8x64xi32>
      %get3A_371 = vector.shape_cast %get3A_370 : vector<1x8x64xi32> to vector<8x64xi32>
      %shift_left3A_372 = arith.constant 16 : i32
      %shift_left3A_373 = vector.broadcast %shift_left3A_372 : i32 to vector<8x64xi32>
      %shift_left3A_374 = arith.shli %get3A_371, %shift_left3A_373 : vector<8x64xi32>
      %bitcast_convert_type3A_375 = tpu.bitcast %shift_left3A_374 : vector<8x64xi32> -> vector<8x64xf32>
      %and3A_376 = arith.constant -65536 : i32
      %and3A_377 = vector.broadcast %and3A_376 : i32 to vector<8x64xi32>
      %and3A_378 = arith.andi %get3A_371, %and3A_377 : vector<8x64xi32>
      %bitcast_convert_type3A_379 = tpu.bitcast %and3A_378 : vector<8x64xi32> -> vector<8x64xf32>
      %concatenate3A_380 = tpu.concatenate %bitcast_convert_type3A_375, %bitcast_convert_type3A_379 in 1 : vector<8x64xf32>, vector<8x64xf32> -> vector<8x128xf32>
      %get3A_381 = arith.constant 24 : index
      %get3A_382 = arith.index_cast %multiple_of3A : i32 to index
      %get3A_383 = arith.constant 0 : index
      %get3A_384 = vector.load %arg2[%get3A_381, %get3A_382, %get3A_383] : memref<32x512x64xi32, #tpu.memory_space<vmem>>, vector<1x8x64xi32>
      %get3A_385 = vector.shape_cast %get3A_384 : vector<1x8x64xi32> to vector<8x64xi32>
      %shift_left3A_386 = arith.constant 16 : i32
      %shift_left3A_387 = vector.broadcast %shift_left3A_386 : i32 to vector<8x64xi32>
      %shift_left3A_388 = arith.shli %get3A_385, %shift_left3A_387 : vector<8x64xi32>
      %bitcast_convert_type3A_389 = tpu.bitcast %shift_left3A_388 : vector<8x64xi32> -> vector<8x64xf32>
      %and3A_390 = arith.constant -65536 : i32
      %and3A_391 = vector.broadcast %and3A_390 : i32 to vector<8x64xi32>
      %and3A_392 = arith.andi %get3A_385, %and3A_391 : vector<8x64xi32>
      %bitcast_convert_type3A_393 = tpu.bitcast %and3A_392 : vector<8x64xi32> -> vector<8x64xf32>
      %concatenate3A_394 = tpu.concatenate %bitcast_convert_type3A_389, %bitcast_convert_type3A_393 in 1 : vector<8x64xf32>, vector<8x64xf32> -> vector<8x128xf32>
      %get3A_395 = arith.constant 25 : index
      %get3A_396 = arith.index_cast %multiple_of3A : i32 to index
      %get3A_397 = arith.constant 0 : index
      %get3A_398 = vector.load %arg2[%get3A_395, %get3A_396, %get3A_397] : memref<32x512x64xi32, #tpu.memory_space<vmem>>, vector<1x8x64xi32>
      %get3A_399 = vector.shape_cast %get3A_398 : vector<1x8x64xi32> to vector<8x64xi32>
      %shift_left3A_400 = arith.constant 16 : i32
      %shift_left3A_401 = vector.broadcast %shift_left3A_400 : i32 to vector<8x64xi32>
      %shift_left3A_402 = arith.shli %get3A_399, %shift_left3A_401 : vector<8x64xi32>
      %bitcast_convert_type3A_403 = tpu.bitcast %shift_left3A_402 : vector<8x64xi32> -> vector<8x64xf32>
      %and3A_404 = arith.constant -65536 : i32
      %and3A_405 = vector.broadcast %and3A_404 : i32 to vector<8x64xi32>
      %and3A_406 = arith.andi %get3A_399, %and3A_405 : vector<8x64xi32>
      %bitcast_convert_type3A_407 = tpu.bitcast %and3A_406 : vector<8x64xi32> -> vector<8x64xf32>
      %concatenate3A_408 = tpu.concatenate %bitcast_convert_type3A_403, %bitcast_convert_type3A_407 in 1 : vector<8x64xf32>, vector<8x64xf32> -> vector<8x128xf32>
      %get3A_409 = arith.constant 26 : index
      %get3A_410 = arith.index_cast %multiple_of3A : i32 to index
      %get3A_411 = arith.constant 0 : index
      %get3A_412 = vector.load %arg2[%get3A_409, %get3A_410, %get3A_411] : memref<32x512x64xi32, #tpu.memory_space<vmem>>, vector<1x8x64xi32>
      %get3A_413 = vector.shape_cast %get3A_412 : vector<1x8x64xi32> to vector<8x64xi32>
      %shift_left3A_414 = arith.constant 16 : i32
      %shift_left3A_415 = vector.broadcast %shift_left3A_414 : i32 to vector<8x64xi32>
      %shift_left3A_416 = arith.shli %get3A_413, %shift_left3A_415 : vector<8x64xi32>
      %bitcast_convert_type3A_417 = tpu.bitcast %shift_left3A_416 : vector<8x64xi32> -> vector<8x64xf32>
      %and3A_418 = arith.constant -65536 : i32
      %and3A_419 = vector.broadcast %and3A_418 : i32 to vector<8x64xi32>
      %and3A_420 = arith.andi %get3A_413, %and3A_419 : vector<8x64xi32>
      %bitcast_convert_type3A_421 = tpu.bitcast %and3A_420 : vector<8x64xi32> -> vector<8x64xf32>
      %concatenate3A_422 = tpu.concatenate %bitcast_convert_type3A_417, %bitcast_convert_type3A_421 in 1 : vector<8x64xf32>, vector<8x64xf32> -> vector<8x128xf32>
      %get3A_423 = arith.constant 27 : index
      %get3A_424 = arith.index_cast %multiple_of3A : i32 to index
      %get3A_425 = arith.constant 0 : index
      %get3A_426 = vector.load %arg2[%get3A_423, %get3A_424, %get3A_425] : memref<32x512x64xi32, #tpu.memory_space<vmem>>, vector<1x8x64xi32>
      %get3A_427 = vector.shape_cast %get3A_426 : vector<1x8x64xi32> to vector<8x64xi32>
      %shift_left3A_428 = arith.constant 16 : i32
      %shift_left3A_429 = vector.broadcast %shift_left3A_428 : i32 to vector<8x64xi32>
      %shift_left3A_430 = arith.shli %get3A_427, %shift_left3A_429 : vector<8x64xi32>
      %bitcast_convert_type3A_431 = tpu.bitcast %shift_left3A_430 : vector<8x64xi32> -> vector<8x64xf32>
      %and3A_432 = arith.constant -65536 : i32
      %and3A_433 = vector.broadcast %and3A_432 : i32 to vector<8x64xi32>
      %and3A_434 = arith.andi %get3A_427, %and3A_433 : vector<8x64xi32>
      %bitcast_convert_type3A_435 = tpu.bitcast %and3A_434 : vector<8x64xi32> -> vector<8x64xf32>
      %concatenate3A_436 = tpu.concatenate %bitcast_convert_type3A_431, %bitcast_convert_type3A_435 in 1 : vector<8x64xf32>, vector<8x64xf32> -> vector<8x128xf32>
      %get3A_437 = arith.constant 28 : index
      %get3A_438 = arith.index_cast %multiple_of3A : i32 to index
      %get3A_439 = arith.constant 0 : index
      %get3A_440 = vector.load %arg2[%get3A_437, %get3A_438, %get3A_439] : memref<32x512x64xi32, #tpu.memory_space<vmem>>, vector<1x8x64xi32>
      %get3A_441 = vector.shape_cast %get3A_440 : vector<1x8x64xi32> to vector<8x64xi32>
      %shift_left3A_442 = arith.constant 16 : i32
      %shift_left3A_443 = vector.broadcast %shift_left3A_442 : i32 to vector<8x64xi32>
      %shift_left3A_444 = arith.shli %get3A_441, %shift_left3A_443 : vector<8x64xi32>
      %bitcast_convert_type3A_445 = tpu.bitcast %shift_left3A_444 : vector<8x64xi32> -> vector<8x64xf32>
      %and3A_446 = arith.constant -65536 : i32
      %and3A_447 = vector.broadcast %and3A_446 : i32 to vector<8x64xi32>
      %and3A_448 = arith.andi %get3A_441, %and3A_447 : vector<8x64xi32>
      %bitcast_convert_type3A_449 = tpu.bitcast %and3A_448 : vector<8x64xi32> -> vector<8x64xf32>
      %concatenate3A_450 = tpu.concatenate %bitcast_convert_type3A_445, %bitcast_convert_type3A_449 in 1 : vector<8x64xf32>, vector<8x64xf32> -> vector<8x128xf32>
      %get3A_451 = arith.constant 29 : index
      %get3A_452 = arith.index_cast %multiple_of3A : i32 to index
      %get3A_453 = arith.constant 0 : index
      %get3A_454 = vector.load %arg2[%get3A_451, %get3A_452, %get3A_453] : memref<32x512x64xi32, #tpu.memory_space<vmem>>, vector<1x8x64xi32>
      %get3A_455 = vector.shape_cast %get3A_454 : vector<1x8x64xi32> to vector<8x64xi32>
      %shift_left3A_456 = arith.constant 16 : i32
      %shift_left3A_457 = vector.broadcast %shift_left3A_456 : i32 to vector<8x64xi32>
      %shift_left3A_458 = arith.shli %get3A_455, %shift_left3A_457 : vector<8x64xi32>
      %bitcast_convert_type3A_459 = tpu.bitcast %shift_left3A_458 : vector<8x64xi32> -> vector<8x64xf32>
      %and3A_460 = arith.constant -65536 : i32
      %and3A_461 = vector.broadcast %and3A_460 : i32 to vector<8x64xi32>
      %and3A_462 = arith.andi %get3A_455, %and3A_461 : vector<8x64xi32>
      %bitcast_convert_type3A_463 = tpu.bitcast %and3A_462 : vector<8x64xi32> -> vector<8x64xf32>
      %concatenate3A_464 = tpu.concatenate %bitcast_convert_type3A_459, %bitcast_convert_type3A_463 in 1 : vector<8x64xf32>, vector<8x64xf32> -> vector<8x128xf32>
      %get3A_465 = arith.constant 30 : index
      %get3A_466 = arith.index_cast %multiple_of3A : i32 to index
      %get3A_467 = arith.constant 0 : index
      %get3A_468 = vector.load %arg2[%get3A_465, %get3A_466, %get3A_467] : memref<32x512x64xi32, #tpu.memory_space<vmem>>, vector<1x8x64xi32>
      %get3A_469 = vector.shape_cast %get3A_468 : vector<1x8x64xi32> to vector<8x64xi32>
      %shift_left3A_470 = arith.constant 16 : i32
      %shift_left3A_471 = vector.broadcast %shift_left3A_470 : i32 to vector<8x64xi32>
      %shift_left3A_472 = arith.shli %get3A_469, %shift_left3A_471 : vector<8x64xi32>
      %bitcast_convert_type3A_473 = tpu.bitcast %shift_left3A_472 : vector<8x64xi32> -> vector<8x64xf32>
      %and3A_474 = arith.constant -65536 : i32
      %and3A_475 = vector.broadcast %and3A_474 : i32 to vector<8x64xi32>
      %and3A_476 = arith.andi %get3A_469, %and3A_475 : vector<8x64xi32>
      %bitcast_convert_type3A_477 = tpu.bitcast %and3A_476 : vector<8x64xi32> -> vector<8x64xf32>
      %concatenate3A_478 = tpu.concatenate %bitcast_convert_type3A_473, %bitcast_convert_type3A_477 in 1 : vector<8x64xf32>, vector<8x64xf32> -> vector<8x128xf32>
      %get3A_479 = arith.constant 31 : index
      %get3A_480 = arith.index_cast %multiple_of3A : i32 to index
      %get3A_481 = arith.constant 0 : index
      %get3A_482 = vector.load %arg2[%get3A_479, %get3A_480, %get3A_481] : memref<32x512x64xi32, #tpu.memory_space<vmem>>, vector<1x8x64xi32>
      %get3A_483 = vector.shape_cast %get3A_482 : vector<1x8x64xi32> to vector<8x64xi32>
      %shift_left3A_484 = arith.constant 16 : i32
      %shift_left3A_485 = vector.broadcast %shift_left3A_484 : i32 to vector<8x64xi32>
      %shift_left3A_486 = arith.shli %get3A_483, %shift_left3A_485 : vector<8x64xi32>
      %bitcast_convert_type3A_487 = tpu.bitcast %shift_left3A_486 : vector<8x64xi32> -> vector<8x64xf32>
      %and3A_488 = arith.constant -65536 : i32
      %and3A_489 = vector.broadcast %and3A_488 : i32 to vector<8x64xi32>
      %and3A_490 = arith.andi %get3A_483, %and3A_489 : vector<8x64xi32>
      %bitcast_convert_type3A_491 = tpu.bitcast %and3A_490 : vector<8x64xi32> -> vector<8x64xf32>
      %concatenate3A_492 = tpu.concatenate %bitcast_convert_type3A_487, %bitcast_convert_type3A_491 in 1 : vector<8x64xf32>, vector<8x64xf32> -> vector<8x128xf32>
      %min3A = arith.minimumf %concatenate3A, %concatenate3A_72 : vector<8x128xf32>
      %max3A = arith.maximumf %concatenate3A, %concatenate3A_72 : vector<8x128xf32>
      %min3A_493 = arith.minimumf %concatenate3A_86, %concatenate3A_100 : vector<8x128xf32>
      %max3A_494 = arith.maximumf %concatenate3A_86, %concatenate3A_100 : vector<8x128xf32>
      %min3A_495 = arith.minimumf %concatenate3A_114, %concatenate3A_128 : vector<8x128xf32>
      %max3A_496 = arith.maximumf %concatenate3A_114, %concatenate3A_128 : vector<8x128xf32>
      %min3A_497 = arith.minimumf %concatenate3A_142, %concatenate3A_156 : vector<8x128xf32>
      %max3A_498 = arith.maximumf %concatenate3A_142, %concatenate3A_156 : vector<8x128xf32>
      %min3A_499 = arith.minimumf %concatenate3A_170, %concatenate3A_184 : vector<8x128xf32>
      %max3A_500 = arith.maximumf %concatenate3A_170, %concatenate3A_184 : vector<8x128xf32>
      %min3A_501 = arith.minimumf %concatenate3A_198, %concatenate3A_212 : vector<8x128xf32>
      %max3A_502 = arith.maximumf %concatenate3A_198, %concatenate3A_212 : vector<8x128xf32>
      %min3A_503 = arith.minimumf %concatenate3A_226, %concatenate3A_240 : vector<8x128xf32>
      %max3A_504 = arith.maximumf %concatenate3A_226, %concatenate3A_240 : vector<8x128xf32>
      %min3A_505 = arith.minimumf %concatenate3A_254, %concatenate3A_268 : vector<8x128xf32>
      %max3A_506 = arith.maximumf %concatenate3A_254, %concatenate3A_268 : vector<8x128xf32>
      %min3A_507 = arith.minimumf %concatenate3A_282, %concatenate3A_296 : vector<8x128xf32>
      %max3A_508 = arith.maximumf %concatenate3A_282, %concatenate3A_296 : vector<8x128xf32>
      %min3A_509 = arith.minimumf %concatenate3A_310, %concatenate3A_324 : vector<8x128xf32>
      %max3A_510 = arith.maximumf %concatenate3A_310, %concatenate3A_324 : vector<8x128xf32>
      %min3A_511 = arith.minimumf %concatenate3A_338, %concatenate3A_352 : vector<8x128xf32>
      %max3A_512 = arith.maximumf %concatenate3A_338, %concatenate3A_352 : vector<8x128xf32>
      %min3A_513 = arith.minimumf %concatenate3A_366, %concatenate3A_380 : vector<8x128xf32>
      %max3A_514 = arith.maximumf %concatenate3A_366, %concatenate3A_380 : vector<8x128xf32>
      %min3A_515 = arith.minimumf %concatenate3A_394, %concatenate3A_408 : vector<8x128xf32>
      %max3A_516 = arith.maximumf %concatenate3A_394, %concatenate3A_408 : vector<8x128xf32>
      %min3A_517 = arith.minimumf %concatenate3A_422, %concatenate3A_436 : vector<8x128xf32>
      %max3A_518 = arith.maximumf %concatenate3A_422, %concatenate3A_436 : vector<8x128xf32>
      %min3A_519 = arith.minimumf %concatenate3A_450, %concatenate3A_464 : vector<8x128xf32>
      %max3A_520 = arith.maximumf %concatenate3A_450, %concatenate3A_464 : vector<8x128xf32>
      %min3A_521 = arith.minimumf %concatenate3A_478, %concatenate3A_492 : vector<8x128xf32>
      %max3A_522 = arith.maximumf %concatenate3A_478, %concatenate3A_492 : vector<8x128xf32>
      %min3A_523 = arith.minimumf %min3A, %min3A_493 : vector<8x128xf32>
      %max3A_524 = arith.maximumf %min3A, %min3A_493 : vector<8x128xf32>
      %min3A_525 = arith.minimumf %max3A, %max3A_494 : vector<8x128xf32>
      %max3A_526 = arith.maximumf %max3A, %max3A_494 : vector<8x128xf32>
      %min3A_527 = arith.minimumf %min3A_495, %min3A_497 : vector<8x128xf32>
      %max3A_528 = arith.maximumf %min3A_495, %min3A_497 : vector<8x128xf32>
      %min3A_529 = arith.minimumf %max3A_496, %max3A_498 : vector<8x128xf32>
      %max3A_530 = arith.maximumf %max3A_496, %max3A_498 : vector<8x128xf32>
      %min3A_531 = arith.minimumf %min3A_499, %min3A_501 : vector<8x128xf32>
      %max3A_532 = arith.maximumf %min3A_499, %min3A_501 : vector<8x128xf32>
      %min3A_533 = arith.minimumf %max3A_500, %max3A_502 : vector<8x128xf32>
      %max3A_534 = arith.maximumf %max3A_500, %max3A_502 : vector<8x128xf32>
      %min3A_535 = arith.minimumf %min3A_503, %min3A_505 : vector<8x128xf32>
      %max3A_536 = arith.maximumf %min3A_503, %min3A_505 : vector<8x128xf32>
      %min3A_537 = arith.minimumf %max3A_504, %max3A_506 : vector<8x128xf32>
      %max3A_538 = arith.maximumf %max3A_504, %max3A_506 : vector<8x128xf32>
      %min3A_539 = arith.minimumf %min3A_507, %min3A_509 : vector<8x128xf32>
      %max3A_540 = arith.maximumf %min3A_507, %min3A_509 : vector<8x128xf32>
      %min3A_541 = arith.minimumf %max3A_508, %max3A_510 : vector<8x128xf32>
      %max3A_542 = arith.maximumf %max3A_508, %max3A_510 : vector<8x128xf32>
      %min3A_543 = arith.minimumf %min3A_511, %min3A_513 : vector<8x128xf32>
      %max3A_544 = arith.maximumf %min3A_511, %min3A_513 : vector<8x128xf32>
      %min3A_545 = arith.minimumf %max3A_512, %max3A_514 : vector<8x128xf32>
      %max3A_546 = arith.maximumf %max3A_512, %max3A_514 : vector<8x128xf32>
      %min3A_547 = arith.minimumf %min3A_515, %min3A_517 : vector<8x128xf32>
      %max3A_548 = arith.maximumf %min3A_515, %min3A_517 : vector<8x128xf32>
      %min3A_549 = arith.minimumf %max3A_516, %max3A_518 : vector<8x128xf32>
      %max3A_550 = arith.maximumf %max3A_516, %max3A_518 : vector<8x128xf32>
      %min3A_551 = arith.minimumf %min3A_519, %min3A_521 : vector<8x128xf32>
      %max3A_552 = arith.maximumf %min3A_519, %min3A_521 : vector<8x128xf32>
      %min3A_553 = arith.minimumf %max3A_520, %max3A_522 : vector<8x128xf32>
      %max3A_554 = arith.maximumf %max3A_520, %max3A_522 : vector<8x128xf32>
      %min3A_555 = arith.minimumf %min3A_525, %max3A_524 : vector<8x128xf32>
      %max3A_556 = arith.maximumf %min3A_525, %max3A_524 : vector<8x128xf32>
      %min3A_557 = arith.minimumf %min3A_529, %max3A_528 : vector<8x128xf32>
      %max3A_558 = arith.maximumf %min3A_529, %max3A_528 : vector<8x128xf32>
      %min3A_559 = arith.minimumf %min3A_533, %max3A_532 : vector<8x128xf32>
      %max3A_560 = arith.maximumf %min3A_533, %max3A_532 : vector<8x128xf32>
      %min3A_561 = arith.minimumf %min3A_537, %max3A_536 : vector<8x128xf32>
      %max3A_562 = arith.maximumf %min3A_537, %max3A_536 : vector<8x128xf32>
      %min3A_563 = arith.minimumf %min3A_541, %max3A_540 : vector<8x128xf32>
      %max3A_564 = arith.maximumf %min3A_541, %max3A_540 : vector<8x128xf32>
      %min3A_565 = arith.minimumf %min3A_545, %max3A_544 : vector<8x128xf32>
      %max3A_566 = arith.maximumf %min3A_545, %max3A_544 : vector<8x128xf32>
      %min3A_567 = arith.minimumf %min3A_549, %max3A_548 : vector<8x128xf32>
      %max3A_568 = arith.maximumf %min3A_549, %max3A_548 : vector<8x128xf32>
      %min3A_569 = arith.minimumf %min3A_553, %max3A_552 : vector<8x128xf32>
      %max3A_570 = arith.maximumf %min3A_553, %max3A_552 : vector<8x128xf32>
      %min3A_571 = arith.minimumf %min3A_523, %min3A_527 : vector<8x128xf32>
      %max3A_572 = arith.maximumf %min3A_523, %min3A_527 : vector<8x128xf32>
      %min3A_573 = arith.minimumf %min3A_555, %min3A_557 : vector<8x128xf32>
      %max3A_574 = arith.maximumf %min3A_555, %min3A_557 : vector<8x128xf32>
      %min3A_575 = arith.minimumf %max3A_556, %max3A_558 : vector<8x128xf32>
      %max3A_576 = arith.maximumf %max3A_556, %max3A_558 : vector<8x128xf32>
      %min3A_577 = arith.minimumf %max3A_526, %max3A_530 : vector<8x128xf32>
      %max3A_578 = arith.maximumf %max3A_526, %max3A_530 : vector<8x128xf32>
      %min3A_579 = arith.minimumf %min3A_531, %min3A_535 : vector<8x128xf32>
      %max3A_580 = arith.maximumf %min3A_531, %min3A_535 : vector<8x128xf32>
      %min3A_581 = arith.minimumf %min3A_559, %min3A_561 : vector<8x128xf32>
      %max3A_582 = arith.maximumf %min3A_559, %min3A_561 : vector<8x128xf32>
      %min3A_583 = arith.minimumf %max3A_560, %max3A_562 : vector<8x128xf32>
      %max3A_584 = arith.maximumf %max3A_560, %max3A_562 : vector<8x128xf32>
      %min3A_585 = arith.minimumf %max3A_534, %max3A_538 : vector<8x128xf32>
      %max3A_586 = arith.maximumf %max3A_534, %max3A_538 : vector<8x128xf32>
      %min3A_587 = arith.minimumf %min3A_539, %min3A_543 : vector<8x128xf32>
      %max3A_588 = arith.maximumf %min3A_539, %min3A_543 : vector<8x128xf32>
      %min3A_589 = arith.minimumf %min3A_563, %min3A_565 : vector<8x128xf32>
      %max3A_590 = arith.maximumf %min3A_563, %min3A_565 : vector<8x128xf32>
      %min3A_591 = arith.minimumf %max3A_564, %max3A_566 : vector<8x128xf32>
      %max3A_592 = arith.maximumf %max3A_564, %max3A_566 : vector<8x128xf32>
      %min3A_593 = arith.minimumf %max3A_542, %max3A_546 : vector<8x128xf32>
      %max3A_594 = arith.maximumf %max3A_542, %max3A_546 : vector<8x128xf32>
      %min3A_595 = arith.minimumf %min3A_547, %min3A_551 : vector<8x128xf32>
      %max3A_596 = arith.maximumf %min3A_547, %min3A_551 : vector<8x128xf32>
      %min3A_597 = arith.minimumf %min3A_567, %min3A_569 : vector<8x128xf32>
      %max3A_598 = arith.maximumf %min3A_567, %min3A_569 : vector<8x128xf32>
      %min3A_599 = arith.minimumf %max3A_568, %max3A_570 : vector<8x128xf32>
      %max3A_600 = arith.maximumf %max3A_568, %max3A_570 : vector<8x128xf32>
      %min3A_601 = arith.minimumf %max3A_550, %max3A_554 : vector<8x128xf32>
      %max3A_602 = arith.maximumf %max3A_550, %max3A_554 : vector<8x128xf32>
      %min3A_603 = arith.minimumf %min3A_575, %max3A_572 : vector<8x128xf32>
      %max3A_604 = arith.maximumf %min3A_575, %max3A_572 : vector<8x128xf32>
      %min3A_605 = arith.minimumf %min3A_577, %max3A_574 : vector<8x128xf32>
      %max3A_606 = arith.maximumf %min3A_577, %max3A_574 : vector<8x128xf32>
      %min3A_607 = arith.minimumf %min3A_583, %max3A_580 : vector<8x128xf32>
      %max3A_608 = arith.maximumf %min3A_583, %max3A_580 : vector<8x128xf32>
      %min3A_609 = arith.minimumf %min3A_585, %max3A_582 : vector<8x128xf32>
      %max3A_610 = arith.maximumf %min3A_585, %max3A_582 : vector<8x128xf32>
      %min3A_611 = arith.minimumf %min3A_591, %max3A_588 : vector<8x128xf32>
      %max3A_612 = arith.maximumf %min3A_591, %max3A_588 : vector<8x128xf32>
      %min3A_613 = arith.minimumf %min3A_593, %max3A_590 : vector<8x128xf32>
      %max3A_614 = arith.maximumf %min3A_593, %max3A_590 : vector<8x128xf32>
      %min3A_615 = arith.minimumf %min3A_599, %max3A_596 : vector<8x128xf32>
      %max3A_616 = arith.maximumf %min3A_599, %max3A_596 : vector<8x128xf32>
      %min3A_617 = arith.minimumf %min3A_601, %max3A_598 : vector<8x128xf32>
      %max3A_618 = arith.maximumf %min3A_601, %max3A_598 : vector<8x128xf32>
      %min3A_619 = arith.minimumf %min3A_573, %min3A_603 : vector<8x128xf32>
      %max3A_620 = arith.maximumf %min3A_573, %min3A_603 : vector<8x128xf32>
      %min3A_621 = arith.minimumf %min3A_605, %max3A_604 : vector<8x128xf32>
      %max3A_622 = arith.maximumf %min3A_605, %max3A_604 : vector<8x128xf32>
      %min3A_623 = arith.minimumf %max3A_606, %max3A_576 : vector<8x128xf32>
      %max3A_624 = arith.maximumf %max3A_606, %max3A_576 : vector<8x128xf32>
      %min3A_625 = arith.minimumf %min3A_581, %min3A_607 : vector<8x128xf32>
      %max3A_626 = arith.maximumf %min3A_581, %min3A_607 : vector<8x128xf32>
      %min3A_627 = arith.minimumf %min3A_609, %max3A_608 : vector<8x128xf32>
      %max3A_628 = arith.maximumf %min3A_609, %max3A_608 : vector<8x128xf32>
      %min3A_629 = arith.minimumf %max3A_610, %max3A_584 : vector<8x128xf32>
      %max3A_630 = arith.maximumf %max3A_610, %max3A_584 : vector<8x128xf32>
      %min3A_631 = arith.minimumf %min3A_589, %min3A_611 : vector<8x128xf32>
      %max3A_632 = arith.maximumf %min3A_589, %min3A_611 : vector<8x128xf32>
      %min3A_633 = arith.minimumf %min3A_613, %max3A_612 : vector<8x128xf32>
      %max3A_634 = arith.maximumf %min3A_613, %max3A_612 : vector<8x128xf32>
      %min3A_635 = arith.minimumf %max3A_614, %max3A_592 : vector<8x128xf32>
      %max3A_636 = arith.maximumf %max3A_614, %max3A_592 : vector<8x128xf32>
      %min3A_637 = arith.minimumf %min3A_597, %min3A_615 : vector<8x128xf32>
      %max3A_638 = arith.maximumf %min3A_597, %min3A_615 : vector<8x128xf32>
      %min3A_639 = arith.minimumf %min3A_617, %max3A_616 : vector<8x128xf32>
      %max3A_640 = arith.maximumf %min3A_617, %max3A_616 : vector<8x128xf32>
      %min3A_641 = arith.minimumf %max3A_618, %max3A_600 : vector<8x128xf32>
      %max3A_642 = arith.maximumf %max3A_618, %max3A_600 : vector<8x128xf32>
      %min3A_643 = arith.minimumf %min3A_571, %min3A_579 : vector<8x128xf32>
      %max3A_644 = arith.maximumf %min3A_571, %min3A_579 : vector<8x128xf32>
      %min3A_645 = arith.minimumf %min3A_619, %min3A_625 : vector<8x128xf32>
      %max3A_646 = arith.maximumf %min3A_619, %min3A_625 : vector<8x128xf32>
      %min3A_647 = arith.minimumf %max3A_620, %max3A_626 : vector<8x128xf32>
      %max3A_648 = arith.maximumf %max3A_620, %max3A_626 : vector<8x128xf32>
      %min3A_649 = arith.minimumf %min3A_621, %min3A_627 : vector<8x128xf32>
      %max3A_650 = arith.maximumf %min3A_621, %min3A_627 : vector<8x128xf32>
      %min3A_651 = arith.minimumf %max3A_622, %max3A_628 : vector<8x128xf32>
      %max3A_652 = arith.maximumf %max3A_622, %max3A_628 : vector<8x128xf32>
      %min3A_653 = arith.minimumf %min3A_623, %min3A_629 : vector<8x128xf32>
      %max3A_654 = arith.maximumf %min3A_623, %min3A_629 : vector<8x128xf32>
      %min3A_655 = arith.minimumf %max3A_624, %max3A_630 : vector<8x128xf32>
      %max3A_656 = arith.maximumf %max3A_624, %max3A_630 : vector<8x128xf32>
      %min3A_657 = arith.minimumf %max3A_578, %max3A_586 : vector<8x128xf32>
      %max3A_658 = arith.maximumf %max3A_578, %max3A_586 : vector<8x128xf32>
      %min3A_659 = arith.minimumf %min3A_587, %min3A_595 : vector<8x128xf32>
      %max3A_660 = arith.maximumf %min3A_587, %min3A_595 : vector<8x128xf32>
      %min3A_661 = arith.minimumf %min3A_631, %min3A_637 : vector<8x128xf32>
      %max3A_662 = arith.maximumf %min3A_631, %min3A_637 : vector<8x128xf32>
      %min3A_663 = arith.minimumf %max3A_632, %max3A_638 : vector<8x128xf32>
      %max3A_664 = arith.maximumf %max3A_632, %max3A_638 : vector<8x128xf32>
      %min3A_665 = arith.minimumf %min3A_633, %min3A_639 : vector<8x128xf32>
      %max3A_666 = arith.maximumf %min3A_633, %min3A_639 : vector<8x128xf32>
      %min3A_667 = arith.minimumf %max3A_634, %max3A_640 : vector<8x128xf32>
      %max3A_668 = arith.maximumf %max3A_634, %max3A_640 : vector<8x128xf32>
      %min3A_669 = arith.minimumf %min3A_635, %min3A_641 : vector<8x128xf32>
      %max3A_670 = arith.maximumf %min3A_635, %min3A_641 : vector<8x128xf32>
      %min3A_671 = arith.minimumf %max3A_636, %max3A_642 : vector<8x128xf32>
      %max3A_672 = arith.maximumf %max3A_636, %max3A_642 : vector<8x128xf32>
      %min3A_673 = arith.minimumf %max3A_594, %max3A_602 : vector<8x128xf32>
      %max3A_674 = arith.maximumf %max3A_594, %max3A_602 : vector<8x128xf32>
      %min3A_675 = arith.minimumf %min3A_651, %max3A_644 : vector<8x128xf32>
      %max3A_676 = arith.maximumf %min3A_651, %max3A_644 : vector<8x128xf32>
      %min3A_677 = arith.minimumf %min3A_653, %max3A_646 : vector<8x128xf32>
      %max3A_678 = arith.maximumf %min3A_653, %max3A_646 : vector<8x128xf32>
      %min3A_679 = arith.minimumf %min3A_655, %max3A_648 : vector<8x128xf32>
      %max3A_680 = arith.maximumf %min3A_655, %max3A_648 : vector<8x128xf32>
      %min3A_681 = arith.minimumf %min3A_657, %max3A_650 : vector<8x128xf32>
      %max3A_682 = arith.maximumf %min3A_657, %max3A_650 : vector<8x128xf32>
      %min3A_683 = arith.minimumf %min3A_667, %max3A_660 : vector<8x128xf32>
      %max3A_684 = arith.maximumf %min3A_667, %max3A_660 : vector<8x128xf32>
      %min3A_685 = arith.minimumf %min3A_669, %max3A_662 : vector<8x128xf32>
      %max3A_686 = arith.maximumf %min3A_669, %max3A_662 : vector<8x128xf32>
      %min3A_687 = arith.minimumf %min3A_671, %max3A_664 : vector<8x128xf32>
      %max3A_688 = arith.maximumf %min3A_671, %max3A_664 : vector<8x128xf32>
      %min3A_689 = arith.minimumf %min3A_673, %max3A_666 : vector<8x128xf32>
      %max3A_690 = arith.maximumf %min3A_673, %max3A_666 : vector<8x128xf32>
      %min3A_691 = arith.minimumf %min3A_647, %min3A_675 : vector<8x128xf32>
      %max3A_692 = arith.maximumf %min3A_647, %min3A_675 : vector<8x128xf32>
      %min3A_693 = arith.minimumf %min3A_649, %min3A_677 : vector<8x128xf32>
      %max3A_694 = arith.maximumf %min3A_649, %min3A_677 : vector<8x128xf32>
      %min3A_695 = arith.minimumf %min3A_679, %max3A_676 : vector<8x128xf32>
      %max3A_696 = arith.maximumf %min3A_679, %max3A_676 : vector<8x128xf32>
      %min3A_697 = arith.minimumf %min3A_681, %max3A_678 : vector<8x128xf32>
      %max3A_698 = arith.maximumf %min3A_681, %max3A_678 : vector<8x128xf32>
      %min3A_699 = arith.minimumf %max3A_680, %max3A_652 : vector<8x128xf32>
      %max3A_700 = arith.maximumf %max3A_680, %max3A_652 : vector<8x128xf32>
      %min3A_701 = arith.minimumf %max3A_682, %max3A_654 : vector<8x128xf32>
      %max3A_702 = arith.maximumf %max3A_682, %max3A_654 : vector<8x128xf32>
      %min3A_703 = arith.minimumf %min3A_663, %min3A_683 : vector<8x128xf32>
      %max3A_704 = arith.maximumf %min3A_663, %min3A_683 : vector<8x128xf32>
      %min3A_705 = arith.minimumf %min3A_665, %min3A_685 : vector<8x128xf32>
      %max3A_706 = arith.maximumf %min3A_665, %min3A_685 : vector<8x128xf32>
      %min3A_707 = arith.minimumf %min3A_687, %max3A_684 : vector<8x128xf32>
      %max3A_708 = arith.maximumf %min3A_687, %max3A_684 : vector<8x128xf32>
      %min3A_709 = arith.minimumf %min3A_689, %max3A_686 : vector<8x128xf32>
      %max3A_710 = arith.maximumf %min3A_689, %max3A_686 : vector<8x128xf32>
      %min3A_711 = arith.minimumf %max3A_688, %max3A_668 : vector<8x128xf32>
      %max3A_712 = arith.maximumf %max3A_688, %max3A_668 : vector<8x128xf32>
      %min3A_713 = arith.minimumf %max3A_690, %max3A_670 : vector<8x128xf32>
      %max3A_714 = arith.maximumf %max3A_690, %max3A_670 : vector<8x128xf32>
      %min3A_715 = arith.minimumf %min3A_645, %min3A_691 : vector<8x128xf32>
      %max3A_716 = arith.maximumf %min3A_645, %min3A_691 : vector<8x128xf32>
      %min3A_717 = arith.minimumf %min3A_693, %max3A_692 : vector<8x128xf32>
      %max3A_718 = arith.maximumf %min3A_693, %max3A_692 : vector<8x128xf32>
      %min3A_719 = arith.minimumf %max3A_694, %min3A_695 : vector<8x128xf32>
      %max3A_720 = arith.maximumf %max3A_694, %min3A_695 : vector<8x128xf32>
      %min3A_721 = arith.minimumf %min3A_697, %max3A_696 : vector<8x128xf32>
      %max3A_722 = arith.maximumf %min3A_697, %max3A_696 : vector<8x128xf32>
      %min3A_723 = arith.minimumf %max3A_698, %min3A_699 : vector<8x128xf32>
      %max3A_724 = arith.maximumf %max3A_698, %min3A_699 : vector<8x128xf32>
      %min3A_725 = arith.minimumf %min3A_701, %max3A_700 : vector<8x128xf32>
      %max3A_726 = arith.maximumf %min3A_701, %max3A_700 : vector<8x128xf32>
      %min3A_727 = arith.minimumf %max3A_702, %max3A_656 : vector<8x128xf32>
      %max3A_728 = arith.maximumf %max3A_702, %max3A_656 : vector<8x128xf32>
      %min3A_729 = arith.minimumf %min3A_661, %min3A_703 : vector<8x128xf32>
      %max3A_730 = arith.maximumf %min3A_661, %min3A_703 : vector<8x128xf32>
      %min3A_731 = arith.minimumf %min3A_705, %max3A_704 : vector<8x128xf32>
      %max3A_732 = arith.maximumf %min3A_705, %max3A_704 : vector<8x128xf32>
      %min3A_733 = arith.minimumf %max3A_706, %min3A_707 : vector<8x128xf32>
      %max3A_734 = arith.maximumf %max3A_706, %min3A_707 : vector<8x128xf32>
      %min3A_735 = arith.minimumf %min3A_709, %max3A_708 : vector<8x128xf32>
      %max3A_736 = arith.maximumf %min3A_709, %max3A_708 : vector<8x128xf32>
      %min3A_737 = arith.minimumf %max3A_710, %min3A_711 : vector<8x128xf32>
      %max3A_738 = arith.maximumf %max3A_710, %min3A_711 : vector<8x128xf32>
      %min3A_739 = arith.minimumf %min3A_713, %max3A_712 : vector<8x128xf32>
      %max3A_740 = arith.maximumf %min3A_713, %max3A_712 : vector<8x128xf32>
      %min3A_741 = arith.minimumf %max3A_714, %max3A_672 : vector<8x128xf32>
      %max3A_742 = arith.maximumf %max3A_714, %max3A_672 : vector<8x128xf32>
      %max3A_743 = arith.maximumf %min3A_643, %min3A_659 : vector<8x128xf32>
      %max3A_744 = arith.maximumf %min3A_715, %min3A_729 : vector<8x128xf32>
      %max3A_745 = arith.maximumf %max3A_716, %max3A_730 : vector<8x128xf32>
      %max3A_746 = arith.maximumf %min3A_717, %min3A_731 : vector<8x128xf32>
      %max3A_747 = arith.maximumf %max3A_718, %max3A_732 : vector<8x128xf32>
      %max3A_748 = arith.maximumf %min3A_719, %min3A_733 : vector<8x128xf32>
      %max3A_749 = arith.maximumf %max3A_720, %max3A_734 : vector<8x128xf32>
      %max3A_750 = arith.maximumf %min3A_721, %min3A_735 : vector<8x128xf32>
      %min3A_751 = arith.minimumf %max3A_722, %max3A_736 : vector<8x128xf32>
      %min3A_752 = arith.minimumf %min3A_723, %min3A_737 : vector<8x128xf32>
      %min3A_753 = arith.minimumf %max3A_724, %max3A_738 : vector<8x128xf32>
      %min3A_754 = arith.minimumf %min3A_725, %min3A_739 : vector<8x128xf32>
      %min3A_755 = arith.minimumf %max3A_726, %max3A_740 : vector<8x128xf32>
      %min3A_756 = arith.minimumf %min3A_727, %min3A_741 : vector<8x128xf32>
      %min3A_757 = arith.minimumf %max3A_728, %max3A_742 : vector<8x128xf32>
      %min3A_758 = arith.minimumf %max3A_658, %max3A_674 : vector<8x128xf32>
      %max3A_759 = arith.maximumf %min3A_751, %max3A_743 : vector<8x128xf32>
      %max3A_760 = arith.maximumf %min3A_752, %max3A_744 : vector<8x128xf32>
      %max3A_761 = arith.maximumf %min3A_753, %max3A_745 : vector<8x128xf32>
      %max3A_762 = arith.maximumf %min3A_754, %max3A_746 : vector<8x128xf32>
      %min3A_763 = arith.minimumf %min3A_755, %max3A_747 : vector<8x128xf32>
      %min3A_764 = arith.minimumf %min3A_756, %max3A_748 : vector<8x128xf32>
      %min3A_765 = arith.minimumf %min3A_757, %max3A_749 : vector<8x128xf32>
      %min3A_766 = arith.minimumf %min3A_758, %max3A_750 : vector<8x128xf32>
      %max3A_767 = arith.maximumf %min3A_763, %max3A_759 : vector<8x128xf32>
      %max3A_768 = arith.maximumf %min3A_764, %max3A_760 : vector<8x128xf32>
      %min3A_769 = arith.minimumf %min3A_765, %max3A_761 : vector<8x128xf32>
      %min3A_770 = arith.minimumf %min3A_766, %max3A_762 : vector<8x128xf32>
      %max3A_771 = arith.maximumf %min3A_769, %max3A_767 : vector<8x128xf32>
      %min3A_772 = arith.minimumf %min3A_770, %max3A_768 : vector<8x128xf32>
      %min3A_773 = arith.minimumf %min3A_772, %max3A_771 : vector<8x128xf32>
      %max3A_774 = arith.maximumf %min3A_772, %max3A_771 : vector<8x128xf32>
      %get3A_775 = arith.index_cast %multiple_of3A : i32 to index
      %get3A_776 = arith.constant 0 : index
      %get3A_777 = vector.load %arg6[%get3A_775, %get3A_776] : memref<512x128xf32, #tpu.memory_space<vmem>>, vector<8x128xf32>
      %max3A_778 = arith.maximumf %get3A_777, %min3A_773 : vector<8x128xf32>
      %min3A_779 = arith.minimumf %max3A_778, %max3A_774 : vector<8x128xf32>
      %iota3A_780 = tpu.iota {dimensions = array<i32: 0>} : vector<8x128xi32>
      %add3A_781 = vector.broadcast %multiple_of3A : i32 to vector<8x128xi32>
      %add3A_782 = arith.addi %add3A_781, %iota3A_780 : vector<8x128xi32>
      %lt3A = vector.broadcast %sub3A_1 : i32 to vector<8x128xi32>
      %lt3A_783 = arith.cmpi slt, %add3A_782, %lt3A : vector<8x128xi32>
      %jit3A = arith.constant 0.000000e+00 : f32
      %broadcast_in_dim3A = vector.broadcast %jit3A : f32 to vector<8x128xf32>
      %select_n3A = arith.select %lt3A_783, %min3A_779, %broadcast_in_dim3A : vector<8x128xi1>, vector<8x128xf32>
      %swap3A_784 = arith.index_cast %multiple_of3A : i32 to index
      %swap3A_785 = arith.constant 0 : index
      %swap3A_786 = vector.load %arg5[%swap3A_784, %swap3A_785] : memref<512x128xf32, #tpu.memory_space<vmem>>, vector<8x128xf32>
      tpu.vector_store %arg5[%swap3A_784, %swap3A_785], %select_n3A {strides = array<i32>} : memref<512x128xf32, #tpu.memory_space<vmem>>, vector<8x128xf32>,
    }
    %scan3A_14 = arith.constant 64 : i32
    %get3A_15 = arith.constant 0 : index
    %get3A_16 = arith.constant 0 : index
    %get3A_17 = memref.load %arg1[%get3A_15, %get3A_16] : memref<1x2xf32, #tpu.memory_space<smem>>
    %get3A_18 = arith.constant 0 : index
    %get3A_19 = arith.constant 1 : index
    %get3A_20 = memref.load %arg1[%get3A_18, %get3A_19] : memref<1x2xf32, #tpu.memory_space<smem>>
    %get3A_21 = arith.constant 0 : index
    %get3A_22 = arith.constant 0 : index
    %get3A_23 = vector.load %arg5[%get3A_21, %get3A_22] : memref<512x128xf32, #tpu.memory_space<vmem>>, vector<512x128xf32>
    %iota3A_24 = tpu.iota {dimensions = array<i32: 0>} : vector<512x512xi32>
    %iota3A_25 = tpu.iota {dimensions = array<i32: 1>} : vector<512x512xi32>
    %eq3A_26 = arith.cmpi eq, %iota3A_24, %iota3A_25 : vector<512x512xi32>
    %convert_element_type3A_27 = arith.extui %eq3A_26 : vector<512x512xi1> to vector<512x512xi32>
    %convert_element_type3A_28 = arith.sitofp %convert_element_type3A_27 : vector<512x512xi32> to vector<512x512xf32>
    %dot_general3A_29 = arith.constant dense<0.000000e+00> : vector<128x512xf32>
    %dot_general3A_30 = tpu.matmul %get3A_23, %convert_element_type3A_28, %dot_general3A_29 {dimension_numbers = #tpu.dot_dimension_numbers<[0], [0], [1], [1], [0, 1, 1, 1], [], []>, transpose_lhs_hint = false} : vector<512x128xf32>, vector<512x512xf32>, vector<128x512xf32> -> vector<128x512xf32>
    %get3A_31 = arith.constant 0 : index
    %get3A_32 = arith.constant 0 : index
    %get3A_33 = arith.constant 0 : index
    %get3A_34 = vector.load %arg3[%get3A_31, %get3A_32, %get3A_33] : memref<1x128x512xf32, #tpu.memory_space<vmem>>, vector<1x128x512xf32>
    %get3A_35 = vector.shape_cast %get3A_34 : vector<1x128x512xf32> to vector<128x512xf32>
    %mul3A_36 = vector.broadcast %get3A_17 : f32 to vector<128x512xf32>
    %mul3A_37 = arith.mulf %mul3A_36, %get3A_35 : vector<128x512xf32>
    %mul3A_38 = vector.broadcast %get3A_20 : f32 to vector<128x512xf32>
    %mul3A_39 = arith.mulf %mul3A_38, %dot_general3A_30 : vector<128x512xf32>
    %add3A = arith.addf %mul3A_37, %mul3A_39 : vector<128x512xf32>
    %swap3A_40 = arith.constant 0 : index
    %swap3A_41 = arith.constant 0 : index
    %swap3A_42 = arith.constant 0 : index
    %swap3A_43 = vector.load %arg4[%swap3A_40, %swap3A_41, %swap3A_42] : memref<1x128x512xf32, #tpu.memory_space<vmem>>, vector<1x128x512xf32>
    %swap3A_44 = vector.shape_cast %swap3A_43 : vector<1x128x512xf32> to vector<128x512xf32>
    %swap3A_45 = vector.shape_cast %add3A : vector<128x512xf32> to vector<1x128x512xf32>
    tpu.vector_store %arg4[%swap3A_40, %swap3A_41, %swap3A_42], %swap3A_45 {strides = array<i32>} : memref<1x128x512xf32, #tpu.memory_space<vmem>>, vector<1x128x512xf32>,
    return
  }
  func.func @transform_0(%arg0: i32) -> (i32, i32) {
    %c0_i32 = arith.constant 0 : i32
    %c0_i32_0 = arith.constant 0 : i32
    %c0_i32_1 = arith.constant 0 : i32
    return %c0_i32, %c0_i32_0 : i32, i32
  }
  func.func @transform_1(%arg0: i32) -> (i32, i32, i32) {
    %c0_i32 = arith.constant 0 : i32
    %c0_i32_0 = arith.constant 0 : i32
    %c0_i32_1 = arith.constant 0 : i32
    return %c0_i32, %arg0, %c0_i32_0 : i32, i32, i32
  }
  func.func @transform_2(%arg0: i32) -> (i32, i32, i32) {
    %c0_i32 = arith.constant 0 : i32
    %c0_i32_0 = arith.constant 0 : i32
    %c0_i32_1 = arith.constant 0 : i32
    return %c0_i32, %c0_i32_0, %arg0 : i32, i32, i32
  }
  func.func @transform_3(%arg0: i32) -> (i32, i32, i32) {
    %c0_i32 = arith.constant 0 : i32
    %c0_i32_0 = arith.constant 0 : i32
    %c0_i32_1 = arith.constant 0 : i32
    return %c0_i32, %c0_i32_0, %arg0 : i32, i32, i32
  }
}

module attributes {stable_mosaic.version = 14 : i64} {
  func.func @_tc_median_body(%arg0: i32, %arg1: memref<1x2xf32, #tpu.memory_space<smem>>, %arg2: memref<32x512x64xi32, #tpu.memory_space<vmem>>, %arg3: memref<1x128x512xf32, #tpu.memory_space<vmem>>, %arg4: memref<1x128x512xf32, #tpu.memory_space<vmem>>, %arg5: memref<512x128xf32, #tpu.memory_space<vmem>>, %arg6: memref<512x128xf32, #tpu.memory_space<vmem>>) attributes {dimension_semantics = [#tpu.dimension_semantics<arbitrary>], iteration_bounds = array<i64: 10>, scalar_prefetch = 0 : i64, scratch_operands = 2 : i64, tpu.core_type = #tpu.core_type<tc>, window_params = [{transform_indices = @transform_0, window_bounds = array<i64: 1, 2>}, {transform_indices = @transform_1, window_bounds = array<i64: 32, 512, 64>}, {transform_indices = @transform_2, window_bounds = array<i64: 1, 128, 512>}, {transform_indices = @transform_3, window_bounds = array<i64: 1, 128, 512>}]} {
    %mul3A = arith.constant 512 : i32
    %mul3A_0 = arith.muli %arg0, %mul3A : i32
    %sub3A = arith.constant 5120 : i32
    %sub3A_1 = arith.subi %sub3A, %mul3A_0 : i32
    %iota3A = tpu.iota {dimensions = array<i32: 0>} : vector<128x128xi32>
    %iota3A_2 = tpu.iota {dimensions = array<i32: 1>} : vector<128x128xi32>
    %eq3A = arith.cmpi eq, %iota3A, %iota3A_2 : vector<128x128xi32>
    %convert_element_type3A = arith.extui %eq3A : vector<128x128xi1> to vector<128x128xi32>
    %convert_element_type3A_3 = arith.sitofp %convert_element_type3A : vector<128x128xi32> to vector<128x128xf32>
    %get3A = arith.constant 0 : index
    %get3A_4 = arith.constant 0 : index
    %get3A_5 = arith.constant 0 : index
    %get3A_6 = vector.load %arg3[%get3A, %get3A_4, %get3A_5] : memref<1x128x512xf32, #tpu.memory_space<vmem>>, vector<1x128x512xf32>
    %get3A_7 = vector.shape_cast %get3A_6 : vector<1x128x512xf32> to vector<128x512xf32>
    %dot_general3A = arith.constant dense<0.000000e+00> : vector<512x128xf32>
    %dot_general3A_8 = tpu.matmul %get3A_7, %convert_element_type3A_3, %dot_general3A {dimension_numbers = #tpu.dot_dimension_numbers<[0], [0], [1], [1], [0, 1, 1, 1], [], []>, transpose_lhs_hint = false} : vector<128x512xf32>, vector<128x128xf32>, vector<512x128xf32> -> vector<512x128xf32>
    %swap3A = arith.constant 0 : index
    %swap3A_9 = arith.constant 0 : index
    %swap3A_10 = vector.load %arg6[%swap3A, %swap3A_9] : memref<512x128xf32, #tpu.memory_space<vmem>>, vector<512x128xf32>
    tpu.vector_store %arg6[%swap3A, %swap3A_9], %dot_general3A_8 {strides = array<i32>} : memref<512x128xf32, #tpu.memory_space<vmem>>, vector<512x128xf32>,
    %scan3A = arith.constant 0 : i32
    %scan3A_11 = arith.constant 64 : i32
    %scan3A_12 = arith.addi %scan3A, %scan3A_11 : i32
    %scan3A_13 = arith.constant 1 : i32
    scf.for %scan3A_46 = %scan3A to %scan3A_12 step %scan3A_13  : i32 {
      %mul3A_47 = arith.constant 8 : i32
      %mul3A_48 = arith.muli %scan3A_46, %mul3A_47 : i32
      %multiple_of3A = tpu.assume_multiple %mul3A_48, 8 : i32
      %get3A_49 = arith.constant 0 : index
      %get3A_50 = arith.index_cast %multiple_of3A : i32 to index
      %get3A_51 = arith.constant 0 : index
      %get3A_52 = vector.load %arg2[%get3A_49, %get3A_50, %get3A_51] : memref<32x512x64xi32, #tpu.memory_space<vmem>>, vector<1x8x64xi32>
      %get3A_53 = vector.shape_cast %get3A_52 : vector<1x8x64xi32> to vector<8x64xi32>
      %shift_left3A = arith.constant 16 : i32
      %shift_left3A_54 = vector.broadcast %shift_left3A : i32 to vector<8x64xi32>
      %shift_left3A_55 = arith.shli %get3A_53, %shift_left3A_54 : vector<8x64xi32>
      %bitcast_convert_type3A = tpu.bitcast %shift_left3A_55 : vector<8x64xi32> -> vector<8x64xf32>
      %and3A = arith.constant -65536 : i32
      %and3A_56 = vector.broadcast %and3A : i32 to vector<8x64xi32>
      %and3A_57 = arith.andi %get3A_53, %and3A_56 : vector<8x64xi32>
      %bitcast_convert_type3A_58 = tpu.bitcast %and3A_57 : vector<8x64xi32> -> vector<8x64xf32>
      %concatenate3A = tpu.concatenate %bitcast_convert_type3A, %bitcast_convert_type3A_58 in 1 : vector<8x64xf32>, vector<8x64xf32> -> vector<8x128xf32>
      %get3A_59 = arith.constant 1 : index
      %get3A_60 = arith.index_cast %multiple_of3A : i32 to index
      %get3A_61 = arith.constant 0 : index
      %get3A_62 = vector.load %arg2[%get3A_59, %get3A_60, %get3A_61] : memref<32x512x64xi32, #tpu.memory_space<vmem>>, vector<1x8x64xi32>
      %get3A_63 = vector.shape_cast %get3A_62 : vector<1x8x64xi32> to vector<8x64xi32>
      %shift_left3A_64 = arith.constant 16 : i32
      %shift_left3A_65 = vector.broadcast %shift_left3A_64 : i32 to vector<8x64xi32>
      %shift_left3A_66 = arith.shli %get3A_63, %shift_left3A_65 : vector<8x64xi32>
      %bitcast_convert_type3A_67 = tpu.bitcast %shift_left3A_66 : vector<8x64xi32> -> vector<8x64xf32>
      %and3A_68 = arith.constant -65536 : i32
      %and3A_69 = vector.broadcast %and3A_68 : i32 to vector<8x64xi32>
      %and3A_70 = arith.andi %get3A_63, %and3A_69 : vector<8x64xi32>
      %bitcast_convert_type3A_71 = tpu.bitcast %and3A_70 : vector<8x64xi32> -> vector<8x64xf32>
      %concatenate3A_72 = tpu.concatenate %bitcast_convert_type3A_67, %bitcast_convert_type3A_71 in 1 : vector<8x64xf32>, vector<8x64xf32> -> vector<8x128xf32>
      %get3A_73 = arith.constant 2 : index
      %get3A_74 = arith.index_cast %multiple_of3A : i32 to index
      %get3A_75 = arith.constant 0 : index
      %get3A_76 = vector.load %arg2[%get3A_73, %get3A_74, %get3A_75] : memref<32x512x64xi32, #tpu.memory_space<vmem>>, vector<1x8x64xi32>
      %get3A_77 = vector.shape_cast %get3A_76 : vector<1x8x64xi32> to vector<8x64xi32>
      %shift_left3A_78 = arith.constant 16 : i32
      %shift_left3A_79 = vector.broadcast %shift_left3A_78 : i32 to vector<8x64xi32>
      %shift_left3A_80 = arith.shli %get3A_77, %shift_left3A_79 : vector<8x64xi32>
      %bitcast_convert_type3A_81 = tpu.bitcast %shift_left3A_80 : vector<8x64xi32> -> vector<8x64xf32>
      %and3A_82 = arith.constant -65536 : i32
      %and3A_83 = vector.broadcast %and3A_82 : i32 to vector<8x64xi32>
      %and3A_84 = arith.andi %get3A_77, %and3A_83 : vector<8x64xi32>
      %bitcast_convert_type3A_85 = tpu.bitcast %and3A_84 : vector<8x64xi32> -> vector<8x64xf32>
      %concatenate3A_86 = tpu.concatenate %bitcast_convert_type3A_81, %bitcast_convert_type3A_85 in 1 : vector<8x64xf32>, vector<8x64xf32> -> vector<8x128xf32>
      %get3A_87 = arith.constant 3 : index
      %get3A_88 = arith.index_cast %multiple_of3A : i32 to index
      %get3A_89 = arith.constant 0 : index
      %get3A_90 = vector.load %arg2[%get3A_87, %get3A_88, %get3A_89] : memref<32x512x64xi32, #tpu.memory_space<vmem>>, vector<1x8x64xi32>
      %get3A_91 = vector.shape_cast %get3A_90 : vector<1x8x64xi32> to vector<8x64xi32>
      %shift_left3A_92 = arith.constant 16 : i32
      %shift_left3A_93 = vector.broadcast %shift_left3A_92 : i32 to vector<8x64xi32>
      %shift_left3A_94 = arith.shli %get3A_91, %shift_left3A_93 : vector<8x64xi32>
      %bitcast_convert_type3A_95 = tpu.bitcast %shift_left3A_94 : vector<8x64xi32> -> vector<8x64xf32>
      %and3A_96 = arith.constant -65536 : i32
      %and3A_97 = vector.broadcast %and3A_96 : i32 to vector<8x64xi32>
      %and3A_98 = arith.andi %get3A_91, %and3A_97 : vector<8x64xi32>
      %bitcast_convert_type3A_99 = tpu.bitcast %and3A_98 : vector<8x64xi32> -> vector<8x64xf32>
      %concatenate3A_100 = tpu.concatenate %bitcast_convert_type3A_95, %bitcast_convert_type3A_99 in 1 : vector<8x64xf32>, vector<8x64xf32> -> vector<8x128xf32>
      %get3A_101 = arith.constant 4 : index
      %get3A_102 = arith.index_cast %multiple_of3A : i32 to index
      %get3A_103 = arith.constant 0 : index
      %get3A_104 = vector.load %arg2[%get3A_101, %get3A_102, %get3A_103] : memref<32x512x64xi32, #tpu.memory_space<vmem>>, vector<1x8x64xi32>
      %get3A_105 = vector.shape_cast %get3A_104 : vector<1x8x64xi32> to vector<8x64xi32>
      %shift_left3A_106 = arith.constant 16 : i32
      %shift_left3A_107 = vector.broadcast %shift_left3A_106 : i32 to vector<8x64xi32>
      %shift_left3A_108 = arith.shli %get3A_105, %shift_left3A_107 : vector<8x64xi32>
      %bitcast_convert_type3A_109 = tpu.bitcast %shift_left3A_108 : vector<8x64xi32> -> vector<8x64xf32>
      %and3A_110 = arith.constant -65536 : i32
      %and3A_111 = vector.broadcast %and3A_110 : i32 to vector<8x64xi32>
      %and3A_112 = arith.andi %get3A_105, %and3A_111 : vector<8x64xi32>
      %bitcast_convert_type3A_113 = tpu.bitcast %and3A_112 : vector<8x64xi32> -> vector<8x64xf32>
      %concatenate3A_114 = tpu.concatenate %bitcast_convert_type3A_109, %bitcast_convert_type3A_113 in 1 : vector<8x64xf32>, vector<8x64xf32> -> vector<8x128xf32>
      %get3A_115 = arith.constant 5 : index
      %get3A_116 = arith.index_cast %multiple_of3A : i32 to index
      %get3A_117 = arith.constant 0 : index
      %get3A_118 = vector.load %arg2[%get3A_115, %get3A_116, %get3A_117] : memref<32x512x64xi32, #tpu.memory_space<vmem>>, vector<1x8x64xi32>
      %get3A_119 = vector.shape_cast %get3A_118 : vector<1x8x64xi32> to vector<8x64xi32>
      %shift_left3A_120 = arith.constant 16 : i32
      %shift_left3A_121 = vector.broadcast %shift_left3A_120 : i32 to vector<8x64xi32>
      %shift_left3A_122 = arith.shli %get3A_119, %shift_left3A_121 : vector<8x64xi32>
      %bitcast_convert_type3A_123 = tpu.bitcast %shift_left3A_122 : vector<8x64xi32> -> vector<8x64xf32>
      %and3A_124 = arith.constant -65536 : i32
      %and3A_125 = vector.broadcast %and3A_124 : i32 to vector<8x64xi32>
      %and3A_126 = arith.andi %get3A_119, %and3A_125 : vector<8x64xi32>
      %bitcast_convert_type3A_127 = tpu.bitcast %and3A_126 : vector<8x64xi32> -> vector<8x64xf32>
      %concatenate3A_128 = tpu.concatenate %bitcast_convert_type3A_123, %bitcast_convert_type3A_127 in 1 : vector<8x64xf32>, vector<8x64xf32> -> vector<8x128xf32>
      %get3A_129 = arith.constant 6 : index
      %get3A_130 = arith.index_cast %multiple_of3A : i32 to index
      %get3A_131 = arith.constant 0 : index
      %get3A_132 = vector.load %arg2[%get3A_129, %get3A_130, %get3A_131] : memref<32x512x64xi32, #tpu.memory_space<vmem>>, vector<1x8x64xi32>
      %get3A_133 = vector.shape_cast %get3A_132 : vector<1x8x64xi32> to vector<8x64xi32>
      %shift_left3A_134 = arith.constant 16 : i32
      %shift_left3A_135 = vector.broadcast %shift_left3A_134 : i32 to vector<8x64xi32>
      %shift_left3A_136 = arith.shli %get3A_133, %shift_left3A_135 : vector<8x64xi32>
      %bitcast_convert_type3A_137 = tpu.bitcast %shift_left3A_136 : vector<8x64xi32> -> vector<8x64xf32>
      %and3A_138 = arith.constant -65536 : i32
      %and3A_139 = vector.broadcast %and3A_138 : i32 to vector<8x64xi32>
      %and3A_140 = arith.andi %get3A_133, %and3A_139 : vector<8x64xi32>
      %bitcast_convert_type3A_141 = tpu.bitcast %and3A_140 : vector<8x64xi32> -> vector<8x64xf32>
      %concatenate3A_142 = tpu.concatenate %bitcast_convert_type3A_137, %bitcast_convert_type3A_141 in 1 : vector<8x64xf32>, vector<8x64xf32> -> vector<8x128xf32>
      %get3A_143 = arith.constant 7 : index
      %get3A_144 = arith.index_cast %multiple_of3A : i32 to index
      %get3A_145 = arith.constant 0 : index
      %get3A_146 = vector.load %arg2[%get3A_143, %get3A_144, %get3A_145] : memref<32x512x64xi32, #tpu.memory_space<vmem>>, vector<1x8x64xi32>
      %get3A_147 = vector.shape_cast %get3A_146 : vector<1x8x64xi32> to vector<8x64xi32>
      %shift_left3A_148 = arith.constant 16 : i32
      %shift_left3A_149 = vector.broadcast %shift_left3A_148 : i32 to vector<8x64xi32>
      %shift_left3A_150 = arith.shli %get3A_147, %shift_left3A_149 : vector<8x64xi32>
      %bitcast_convert_type3A_151 = tpu.bitcast %shift_left3A_150 : vector<8x64xi32> -> vector<8x64xf32>
      %and3A_152 = arith.constant -65536 : i32
      %and3A_153 = vector.broadcast %and3A_152 : i32 to vector<8x64xi32>
      %and3A_154 = arith.andi %get3A_147, %and3A_153 : vector<8x64xi32>
      %bitcast_convert_type3A_155 = tpu.bitcast %and3A_154 : vector<8x64xi32> -> vector<8x64xf32>
      %concatenate3A_156 = tpu.concatenate %bitcast_convert_type3A_151, %bitcast_convert_type3A_155 in 1 : vector<8x64xf32>, vector<8x64xf32> -> vector<8x128xf32>
      %get3A_157 = arith.constant 8 : index
      %get3A_158 = arith.index_cast %multiple_of3A : i32 to index
      %get3A_159 = arith.constant 0 : index
      %get3A_160 = vector.load %arg2[%get3A_157, %get3A_158, %get3A_159] : memref<32x512x64xi32, #tpu.memory_space<vmem>>, vector<1x8x64xi32>
      %get3A_161 = vector.shape_cast %get3A_160 : vector<1x8x64xi32> to vector<8x64xi32>
      %shift_left3A_162 = arith.constant 16 : i32
      %shift_left3A_163 = vector.broadcast %shift_left3A_162 : i32 to vector<8x64xi32>
      %shift_left3A_164 = arith.shli %get3A_161, %shift_left3A_163 : vector<8x64xi32>
      %bitcast_convert_type3A_165 = tpu.bitcast %shift_left3A_164 : vector<8x64xi32> -> vector<8x64xf32>
      %and3A_166 = arith.constant -65536 : i32
      %and3A_167 = vector.broadcast %and3A_166 : i32 to vector<8x64xi32>
      %and3A_168 = arith.andi %get3A_161, %and3A_167 : vector<8x64xi32>
      %bitcast_convert_type3A_169 = tpu.bitcast %and3A_168 : vector<8x64xi32> -> vector<8x64xf32>
      %concatenate3A_170 = tpu.concatenate %bitcast_convert_type3A_165, %bitcast_convert_type3A_169 in 1 : vector<8x64xf32>, vector<8x64xf32> -> vector<8x128xf32>
      %get3A_171 = arith.constant 9 : index
      %get3A_172 = arith.index_cast %multiple_of3A : i32 to index
      %get3A_173 = arith.constant 0 : index
      %get3A_174 = vector.load %arg2[%get3A_171, %get3A_172, %get3A_173] : memref<32x512x64xi32, #tpu.memory_space<vmem>>, vector<1x8x64xi32>
      %get3A_175 = vector.shape_cast %get3A_174 : vector<1x8x64xi32> to vector<8x64xi32>
      %shift_left3A_176 = arith.constant 16 : i32
      %shift_left3A_177 = vector.broadcast %shift_left3A_176 : i32 to vector<8x64xi32>
      %shift_left3A_178 = arith.shli %get3A_175, %shift_left3A_177 : vector<8x64xi32>
      %bitcast_convert_type3A_179 = tpu.bitcast %shift_left3A_178 : vector<8x64xi32> -> vector<8x64xf32>
      %and3A_180 = arith.constant -65536 : i32
      %and3A_181 = vector.broadcast %and3A_180 : i32 to vector<8x64xi32>
      %and3A_182 = arith.andi %get3A_175, %and3A_181 : vector<8x64xi32>
      %bitcast_convert_type3A_183 = tpu.bitcast %and3A_182 : vector<8x64xi32> -> vector<8x64xf32>
      %concatenate3A_184 = tpu.concatenate %bitcast_convert_type3A_179, %bitcast_convert_type3A_183 in 1 : vector<8x64xf32>, vector<8x64xf32> -> vector<8x128xf32>
      %get3A_185 = arith.constant 10 : index
      %get3A_186 = arith.index_cast %multiple_of3A : i32 to index
      %get3A_187 = arith.constant 0 : index
      %get3A_188 = vector.load %arg2[%get3A_185, %get3A_186, %get3A_187] : memref<32x512x64xi32, #tpu.memory_space<vmem>>, vector<1x8x64xi32>
      %get3A_189 = vector.shape_cast %get3A_188 : vector<1x8x64xi32> to vector<8x64xi32>
      %shift_left3A_190 = arith.constant 16 : i32
      %shift_left3A_191 = vector.broadcast %shift_left3A_190 : i32 to vector<8x64xi32>
      %shift_left3A_192 = arith.shli %get3A_189, %shift_left3A_191 : vector<8x64xi32>
      %bitcast_convert_type3A_193 = tpu.bitcast %shift_left3A_192 : vector<8x64xi32> -> vector<8x64xf32>
      %and3A_194 = arith.constant -65536 : i32
      %and3A_195 = vector.broadcast %and3A_194 : i32 to vector<8x64xi32>
      %and3A_196 = arith.andi %get3A_189, %and3A_195 : vector<8x64xi32>
      %bitcast_convert_type3A_197 = tpu.bitcast %and3A_196 : vector<8x64xi32> -> vector<8x64xf32>
      %concatenate3A_198 = tpu.concatenate %bitcast_convert_type3A_193, %bitcast_convert_type3A_197 in 1 : vector<8x64xf32>, vector<8x64xf32> -> vector<8x128xf32>
      %get3A_199 = arith.constant 11 : index
      %get3A_200 = arith.index_cast %multiple_of3A : i32 to index
      %get3A_201 = arith.constant 0 : index
      %get3A_202 = vector.load %arg2[%get3A_199, %get3A_200, %get3A_201] : memref<32x512x64xi32, #tpu.memory_space<vmem>>, vector<1x8x64xi32>
      %get3A_203 = vector.shape_cast %get3A_202 : vector<1x8x64xi32> to vector<8x64xi32>
      %shift_left3A_204 = arith.constant 16 : i32
      %shift_left3A_205 = vector.broadcast %shift_left3A_204 : i32 to vector<8x64xi32>
      %shift_left3A_206 = arith.shli %get3A_203, %shift_left3A_205 : vector<8x64xi32>
      %bitcast_convert_type3A_207 = tpu.bitcast %shift_left3A_206 : vector<8x64xi32> -> vector<8x64xf32>
      %and3A_208 = arith.constant -65536 : i32
      %and3A_209 = vector.broadcast %and3A_208 : i32 to vector<8x64xi32>
      %and3A_210 = arith.andi %get3A_203, %and3A_209 : vector<8x64xi32>
      %bitcast_convert_type3A_211 = tpu.bitcast %and3A_210 : vector<8x64xi32> -> vector<8x64xf32>
      %concatenate3A_212 = tpu.concatenate %bitcast_convert_type3A_207, %bitcast_convert_type3A_211 in 1 : vector<8x64xf32>, vector<8x64xf32> -> vector<8x128xf32>
      %get3A_213 = arith.constant 12 : index
      %get3A_214 = arith.index_cast %multiple_of3A : i32 to index
      %get3A_215 = arith.constant 0 : index
      %get3A_216 = vector.load %arg2[%get3A_213, %get3A_214, %get3A_215] : memref<32x512x64xi32, #tpu.memory_space<vmem>>, vector<1x8x64xi32>
      %get3A_217 = vector.shape_cast %get3A_216 : vector<1x8x64xi32> to vector<8x64xi32>
      %shift_left3A_218 = arith.constant 16 : i32
      %shift_left3A_219 = vector.broadcast %shift_left3A_218 : i32 to vector<8x64xi32>
      %shift_left3A_220 = arith.shli %get3A_217, %shift_left3A_219 : vector<8x64xi32>
      %bitcast_convert_type3A_221 = tpu.bitcast %shift_left3A_220 : vector<8x64xi32> -> vector<8x64xf32>
      %and3A_222 = arith.constant -65536 : i32
      %and3A_223 = vector.broadcast %and3A_222 : i32 to vector<8x64xi32>
      %and3A_224 = arith.andi %get3A_217, %and3A_223 : vector<8x64xi32>
      %bitcast_convert_type3A_225 = tpu.bitcast %and3A_224 : vector<8x64xi32> -> vector<8x64xf32>
      %concatenate3A_226 = tpu.concatenate %bitcast_convert_type3A_221, %bitcast_convert_type3A_225 in 1 : vector<8x64xf32>, vector<8x64xf32> -> vector<8x128xf32>
      %get3A_227 = arith.constant 13 : index
      %get3A_228 = arith.index_cast %multiple_of3A : i32 to index
      %get3A_229 = arith.constant 0 : index
      %get3A_230 = vector.load %arg2[%get3A_227, %get3A_228, %get3A_229] : memref<32x512x64xi32, #tpu.memory_space<vmem>>, vector<1x8x64xi32>
      %get3A_231 = vector.shape_cast %get3A_230 : vector<1x8x64xi32> to vector<8x64xi32>
      %shift_left3A_232 = arith.constant 16 : i32
      %shift_left3A_233 = vector.broadcast %shift_left3A_232 : i32 to vector<8x64xi32>
      %shift_left3A_234 = arith.shli %get3A_231, %shift_left3A_233 : vector<8x64xi32>
      %bitcast_convert_type3A_235 = tpu.bitcast %shift_left3A_234 : vector<8x64xi32> -> vector<8x64xf32>
      %and3A_236 = arith.constant -65536 : i32
      %and3A_237 = vector.broadcast %and3A_236 : i32 to vector<8x64xi32>
      %and3A_238 = arith.andi %get3A_231, %and3A_237 : vector<8x64xi32>
      %bitcast_convert_type3A_239 = tpu.bitcast %and3A_238 : vector<8x64xi32> -> vector<8x64xf32>
      %concatenate3A_240 = tpu.concatenate %bitcast_convert_type3A_235, %bitcast_convert_type3A_239 in 1 : vector<8x64xf32>, vector<8x64xf32> -> vector<8x128xf32>
      %get3A_241 = arith.constant 14 : index
      %get3A_242 = arith.index_cast %multiple_of3A : i32 to index
      %get3A_243 = arith.constant 0 : index
      %get3A_244 = vector.load %arg2[%get3A_241, %get3A_242, %get3A_243] : memref<32x512x64xi32, #tpu.memory_space<vmem>>, vector<1x8x64xi32>
      %get3A_245 = vector.shape_cast %get3A_244 : vector<1x8x64xi32> to vector<8x64xi32>
      %shift_left3A_246 = arith.constant 16 : i32
      %shift_left3A_247 = vector.broadcast %shift_left3A_246 : i32 to vector<8x64xi32>
      %shift_left3A_248 = arith.shli %get3A_245, %shift_left3A_247 : vector<8x64xi32>
      %bitcast_convert_type3A_249 = tpu.bitcast %shift_left3A_248 : vector<8x64xi32> -> vector<8x64xf32>
      %and3A_250 = arith.constant -65536 : i32
      %and3A_251 = vector.broadcast %and3A_250 : i32 to vector<8x64xi32>
      %and3A_252 = arith.andi %get3A_245, %and3A_251 : vector<8x64xi32>
      %bitcast_convert_type3A_253 = tpu.bitcast %and3A_252 : vector<8x64xi32> -> vector<8x64xf32>
      %concatenate3A_254 = tpu.concatenate %bitcast_convert_type3A_249, %bitcast_convert_type3A_253 in 1 : vector<8x64xf32>, vector<8x64xf32> -> vector<8x128xf32>
      %get3A_255 = arith.constant 15 : index
      %get3A_256 = arith.index_cast %multiple_of3A : i32 to index
      %get3A_257 = arith.constant 0 : index
      %get3A_258 = vector.load %arg2[%get3A_255, %get3A_256, %get3A_257] : memref<32x512x64xi32, #tpu.memory_space<vmem>>, vector<1x8x64xi32>
      %get3A_259 = vector.shape_cast %get3A_258 : vector<1x8x64xi32> to vector<8x64xi32>
      %shift_left3A_260 = arith.constant 16 : i32
      %shift_left3A_261 = vector.broadcast %shift_left3A_260 : i32 to vector<8x64xi32>
      %shift_left3A_262 = arith.shli %get3A_259, %shift_left3A_261 : vector<8x64xi32>
      %bitcast_convert_type3A_263 = tpu.bitcast %shift_left3A_262 : vector<8x64xi32> -> vector<8x64xf32>
      %and3A_264 = arith.constant -65536 : i32
      %and3A_265 = vector.broadcast %and3A_264 : i32 to vector<8x64xi32>
      %and3A_266 = arith.andi %get3A_259, %and3A_265 : vector<8x64xi32>
      %bitcast_convert_type3A_267 = tpu.bitcast %and3A_266 : vector<8x64xi32> -> vector<8x64xf32>
      %concatenate3A_268 = tpu.concatenate %bitcast_convert_type3A_263, %bitcast_convert_type3A_267 in 1 : vector<8x64xf32>, vector<8x64xf32> -> vector<8x128xf32>
      %get3A_269 = arith.constant 16 : index
      %get3A_270 = arith.index_cast %multiple_of3A : i32 to index
      %get3A_271 = arith.constant 0 : index
      %get3A_272 = vector.load %arg2[%get3A_269, %get3A_270, %get3A_271] : memref<32x512x64xi32, #tpu.memory_space<vmem>>, vector<1x8x64xi32>
      %get3A_273 = vector.shape_cast %get3A_272 : vector<1x8x64xi32> to vector<8x64xi32>
      %shift_left3A_274 = arith.constant 16 : i32
      %shift_left3A_275 = vector.broadcast %shift_left3A_274 : i32 to vector<8x64xi32>
      %shift_left3A_276 = arith.shli %get3A_273, %shift_left3A_275 : vector<8x64xi32>
      %bitcast_convert_type3A_277 = tpu.bitcast %shift_left3A_276 : vector<8x64xi32> -> vector<8x64xf32>
      %and3A_278 = arith.constant -65536 : i32
      %and3A_279 = vector.broadcast %and3A_278 : i32 to vector<8x64xi32>
      %and3A_280 = arith.andi %get3A_273, %and3A_279 : vector<8x64xi32>
      %bitcast_convert_type3A_281 = tpu.bitcast %and3A_280 : vector<8x64xi32> -> vector<8x64xf32>
      %concatenate3A_282 = tpu.concatenate %bitcast_convert_type3A_277, %bitcast_convert_type3A_281 in 1 : vector<8x64xf32>, vector<8x64xf32> -> vector<8x128xf32>
      %get3A_283 = arith.constant 17 : index
      %get3A_284 = arith.index_cast %multiple_of3A : i32 to index
      %get3A_285 = arith.constant 0 : index
      %get3A_286 = vector.load %arg2[%get3A_283, %get3A_284, %get3A_285] : memref<32x512x64xi32, #tpu.memory_space<vmem>>, vector<1x8x64xi32>
      %get3A_287 = vector.shape_cast %get3A_286 : vector<1x8x64xi32> to vector<8x64xi32>
      %shift_left3A_288 = arith.constant 16 : i32
      %shift_left3A_289 = vector.broadcast %shift_left3A_288 : i32 to vector<8x64xi32>
      %shift_left3A_290 = arith.shli %get3A_287, %shift_left3A_289 : vector<8x64xi32>
      %bitcast_convert_type3A_291 = tpu.bitcast %shift_left3A_290 : vector<8x64xi32> -> vector<8x64xf32>
      %and3A_292 = arith.constant -65536 : i32
      %and3A_293 = vector.broadcast %and3A_292 : i32 to vector<8x64xi32>
      %and3A_294 = arith.andi %get3A_287, %and3A_293 : vector<8x64xi32>
      %bitcast_convert_type3A_295 = tpu.bitcast %and3A_294 : vector<8x64xi32> -> vector<8x64xf32>
      %concatenate3A_296 = tpu.concatenate %bitcast_convert_type3A_291, %bitcast_convert_type3A_295 in 1 : vector<8x64xf32>, vector<8x64xf32> -> vector<8x128xf32>
      %get3A_297 = arith.constant 18 : index
      %get3A_298 = arith.index_cast %multiple_of3A : i32 to index
      %get3A_299 = arith.constant 0 : index
      %get3A_300 = vector.load %arg2[%get3A_297, %get3A_298, %get3A_299] : memref<32x512x64xi32, #tpu.memory_space<vmem>>, vector<1x8x64xi32>
      %get3A_301 = vector.shape_cast %get3A_300 : vector<1x8x64xi32> to vector<8x64xi32>
      %shift_left3A_302 = arith.constant 16 : i32
      %shift_left3A_303 = vector.broadcast %shift_left3A_302 : i32 to vector<8x64xi32>
      %shift_left3A_304 = arith.shli %get3A_301, %shift_left3A_303 : vector<8x64xi32>
      %bitcast_convert_type3A_305 = tpu.bitcast %shift_left3A_304 : vector<8x64xi32> -> vector<8x64xf32>
      %and3A_306 = arith.constant -65536 : i32
      %and3A_307 = vector.broadcast %and3A_306 : i32 to vector<8x64xi32>
      %and3A_308 = arith.andi %get3A_301, %and3A_307 : vector<8x64xi32>
      %bitcast_convert_type3A_309 = tpu.bitcast %and3A_308 : vector<8x64xi32> -> vector<8x64xf32>
      %concatenate3A_310 = tpu.concatenate %bitcast_convert_type3A_305, %bitcast_convert_type3A_309 in 1 : vector<8x64xf32>, vector<8x64xf32> -> vector<8x128xf32>
      %get3A_311 = arith.constant 19 : index
      %get3A_312 = arith.index_cast %multiple_of3A : i32 to index
      %get3A_313 = arith.constant 0 : index
      %get3A_314 = vector.load %arg2[%get3A_311, %get3A_312, %get3A_313] : memref<32x512x64xi32, #tpu.memory_space<vmem>>, vector<1x8x64xi32>
      %get3A_315 = vector.shape_cast %get3A_314 : vector<1x8x64xi32> to vector<8x64xi32>
      %shift_left3A_316 = arith.constant 16 : i32
      %shift_left3A_317 = vector.broadcast %shift_left3A_316 : i32 to vector<8x64xi32>
      %shift_left3A_318 = arith.shli %get3A_315, %shift_left3A_317 : vector<8x64xi32>
      %bitcast_convert_type3A_319 = tpu.bitcast %shift_left3A_318 : vector<8x64xi32> -> vector<8x64xf32>
      %and3A_320 = arith.constant -65536 : i32
      %and3A_321 = vector.broadcast %and3A_320 : i32 to vector<8x64xi32>
      %and3A_322 = arith.andi %get3A_315, %and3A_321 : vector<8x64xi32>
      %bitcast_convert_type3A_323 = tpu.bitcast %and3A_322 : vector<8x64xi32> -> vector<8x64xf32>
      %concatenate3A_324 = tpu.concatenate %bitcast_convert_type3A_319, %bitcast_convert_type3A_323 in 1 : vector<8x64xf32>, vector<8x64xf32> -> vector<8x128xf32>
      %get3A_325 = arith.constant 20 : index
      %get3A_326 = arith.index_cast %multiple_of3A : i32 to index
      %get3A_327 = arith.constant 0 : index
      %get3A_328 = vector.load %arg2[%get3A_325, %get3A_326, %get3A_327] : memref<32x512x64xi32, #tpu.memory_space<vmem>>, vector<1x8x64xi32>
      %get3A_329 = vector.shape_cast %get3A_328 : vector<1x8x64xi32> to vector<8x64xi32>
      %shift_left3A_330 = arith.constant 16 : i32
      %shift_left3A_331 = vector.broadcast %shift_left3A_330 : i32 to vector<8x64xi32>
      %shift_left3A_332 = arith.shli %get3A_329, %shift_left3A_331 : vector<8x64xi32>
      %bitcast_convert_type3A_333 = tpu.bitcast %shift_left3A_332 : vector<8x64xi32> -> vector<8x64xf32>
      %and3A_334 = arith.constant -65536 : i32
      %and3A_335 = vector.broadcast %and3A_334 : i32 to vector<8x64xi32>
      %and3A_336 = arith.andi %get3A_329, %and3A_335 : vector<8x64xi32>
      %bitcast_convert_type3A_337 = tpu.bitcast %and3A_336 : vector<8x64xi32> -> vector<8x64xf32>
      %concatenate3A_338 = tpu.concatenate %bitcast_convert_type3A_333, %bitcast_convert_type3A_337 in 1 : vector<8x64xf32>, vector<8x64xf32> -> vector<8x128xf32>
      %get3A_339 = arith.constant 21 : index
      %get3A_340 = arith.index_cast %multiple_of3A : i32 to index
      %get3A_341 = arith.constant 0 : index
      %get3A_342 = vector.load %arg2[%get3A_339, %get3A_340, %get3A_341] : memref<32x512x64xi32, #tpu.memory_space<vmem>>, vector<1x8x64xi32>
      %get3A_343 = vector.shape_cast %get3A_342 : vector<1x8x64xi32> to vector<8x64xi32>
      %shift_left3A_344 = arith.constant 16 : i32
      %shift_left3A_345 = vector.broadcast %shift_left3A_344 : i32 to vector<8x64xi32>
      %shift_left3A_346 = arith.shli %get3A_343, %shift_left3A_345 : vector<8x64xi32>
      %bitcast_convert_type3A_347 = tpu.bitcast %shift_left3A_346 : vector<8x64xi32> -> vector<8x64xf32>
      %and3A_348 = arith.constant -65536 : i32
      %and3A_349 = vector.broadcast %and3A_348 : i32 to vector<8x64xi32>
      %and3A_350 = arith.andi %get3A_343, %and3A_349 : vector<8x64xi32>
      %bitcast_convert_type3A_351 = tpu.bitcast %and3A_350 : vector<8x64xi32> -> vector<8x64xf32>
      %concatenate3A_352 = tpu.concatenate %bitcast_convert_type3A_347, %bitcast_convert_type3A_351 in 1 : vector<8x64xf32>, vector<8x64xf32> -> vector<8x128xf32>
      %get3A_353 = arith.constant 22 : index
      %get3A_354 = arith.index_cast %multiple_of3A : i32 to index
      %get3A_355 = arith.constant 0 : index
      %get3A_356 = vector.load %arg2[%get3A_353, %get3A_354, %get3A_355] : memref<32x512x64xi32, #tpu.memory_space<vmem>>, vector<1x8x64xi32>
      %get3A_357 = vector.shape_cast %get3A_356 : vector<1x8x64xi32> to vector<8x64xi32>
      %shift_left3A_358 = arith.constant 16 : i32
      %shift_left3A_359 = vector.broadcast %shift_left3A_358 : i32 to vector<8x64xi32>
      %shift_left3A_360 = arith.shli %get3A_357, %shift_left3A_359 : vector<8x64xi32>
      %bitcast_convert_type3A_361 = tpu.bitcast %shift_left3A_360 : vector<8x64xi32> -> vector<8x64xf32>
      %and3A_362 = arith.constant -65536 : i32
      %and3A_363 = vector.broadcast %and3A_362 : i32 to vector<8x64xi32>
      %and3A_364 = arith.andi %get3A_357, %and3A_363 : vector<8x64xi32>
      %bitcast_convert_type3A_365 = tpu.bitcast %and3A_364 : vector<8x64xi32> -> vector<8x64xf32>
      %concatenate3A_366 = tpu.concatenate %bitcast_convert_type3A_361, %bitcast_convert_type3A_365 in 1 : vector<8x64xf32>, vector<8x64xf32> -> vector<8x128xf32>
      %get3A_367 = arith.constant 23 : index
      %get3A_368 = arith.index_cast %multiple_of3A : i32 to index
      %get3A_369 = arith.constant 0 : index
      %get3A_370 = vector.load %arg2[%get3A_367, %get3A_368, %get3A_369] : memref<32x512x64xi32, #tpu.memory_space<vmem>>, vector<1x8x64xi32>
      %get3A_371 = vector.shape_cast %get3A_370 : vector<1x8x64xi32> to vector<8x64xi32>
      %shift_left3A_372 = arith.constant 16 : i32
      %shift_left3A_373 = vector.broadcast %shift_left3A_372 : i32 to vector<8x64xi32>
      %shift_left3A_374 = arith.shli %get3A_371, %shift_left3A_373 : vector<8x64xi32>
      %bitcast_convert_type3A_375 = tpu.bitcast %shift_left3A_374 : vector<8x64xi32> -> vector<8x64xf32>
      %and3A_376 = arith.constant -65536 : i32
      %and3A_377 = vector.broadcast %and3A_376 : i32 to vector<8x64xi32>
      %and3A_378 = arith.andi %get3A_371, %and3A_377 : vector<8x64xi32>
      %bitcast_convert_type3A_379 = tpu.bitcast %and3A_378 : vector<8x64xi32> -> vector<8x64xf32>
      %concatenate3A_380 = tpu.concatenate %bitcast_convert_type3A_375, %bitcast_convert_type3A_379 in 1 : vector<8x64xf32>, vector<8x64xf32> -> vector<8x128xf32>
      %get3A_381 = arith.constant 24 : index
      %get3A_382 = arith.index_cast %multiple_of3A : i32 to index
      %get3A_383 = arith.constant 0 : index
      %get3A_384 = vector.load %arg2[%get3A_381, %get3A_382, %get3A_383] : memref<32x512x64xi32, #tpu.memory_space<vmem>>, vector<1x8x64xi32>
      %get3A_385 = vector.shape_cast %get3A_384 : vector<1x8x64xi32> to vector<8x64xi32>
      %shift_left3A_386 = arith.constant 16 : i32
      %shift_left3A_387 = vector.broadcast %shift_left3A_386 : i32 to vector<8x64xi32>
      %shift_left3A_388 = arith.shli %get3A_385, %shift_left3A_387 : vector<8x64xi32>
      %bitcast_convert_type3A_389 = tpu.bitcast %shift_left3A_388 : vector<8x64xi32> -> vector<8x64xf32>
      %and3A_390 = arith.constant -65536 : i32
      %and3A_391 = vector.broadcast %and3A_390 : i32 to vector<8x64xi32>
      %and3A_392 = arith.andi %get3A_385, %and3A_391 : vector<8x64xi32>
      %bitcast_convert_type3A_393 = tpu.bitcast %and3A_392 : vector<8x64xi32> -> vector<8x64xf32>
      %concatenate3A_394 = tpu.concatenate %bitcast_convert_type3A_389, %bitcast_convert_type3A_393 in 1 : vector<8x64xf32>, vector<8x64xf32> -> vector<8x128xf32>
      %get3A_395 = arith.constant 25 : index
      %get3A_396 = arith.index_cast %multiple_of3A : i32 to index
      %get3A_397 = arith.constant 0 : index
      %get3A_398 = vector.load %arg2[%get3A_395, %get3A_396, %get3A_397] : memref<32x512x64xi32, #tpu.memory_space<vmem>>, vector<1x8x64xi32>
      %get3A_399 = vector.shape_cast %get3A_398 : vector<1x8x64xi32> to vector<8x64xi32>
      %shift_left3A_400 = arith.constant 16 : i32
      %shift_left3A_401 = vector.broadcast %shift_left3A_400 : i32 to vector<8x64xi32>
      %shift_left3A_402 = arith.shli %get3A_399, %shift_left3A_401 : vector<8x64xi32>
      %bitcast_convert_type3A_403 = tpu.bitcast %shift_left3A_402 : vector<8x64xi32> -> vector<8x64xf32>
      %and3A_404 = arith.constant -65536 : i32
      %and3A_405 = vector.broadcast %and3A_404 : i32 to vector<8x64xi32>
      %and3A_406 = arith.andi %get3A_399, %and3A_405 : vector<8x64xi32>
      %bitcast_convert_type3A_407 = tpu.bitcast %and3A_406 : vector<8x64xi32> -> vector<8x64xf32>
      %concatenate3A_408 = tpu.concatenate %bitcast_convert_type3A_403, %bitcast_convert_type3A_407 in 1 : vector<8x64xf32>, vector<8x64xf32> -> vector<8x128xf32>
      %get3A_409 = arith.constant 26 : index
      %get3A_410 = arith.index_cast %multiple_of3A : i32 to index
      %get3A_411 = arith.constant 0 : index
      %get3A_412 = vector.load %arg2[%get3A_409, %get3A_410, %get3A_411] : memref<32x512x64xi32, #tpu.memory_space<vmem>>, vector<1x8x64xi32>
      %get3A_413 = vector.shape_cast %get3A_412 : vector<1x8x64xi32> to vector<8x64xi32>
      %shift_left3A_414 = arith.constant 16 : i32
      %shift_left3A_415 = vector.broadcast %shift_left3A_414 : i32 to vector<8x64xi32>
      %shift_left3A_416 = arith.shli %get3A_413, %shift_left3A_415 : vector<8x64xi32>
      %bitcast_convert_type3A_417 = tpu.bitcast %shift_left3A_416 : vector<8x64xi32> -> vector<8x64xf32>
      %and3A_418 = arith.constant -65536 : i32
      %and3A_419 = vector.broadcast %and3A_418 : i32 to vector<8x64xi32>
      %and3A_420 = arith.andi %get3A_413, %and3A_419 : vector<8x64xi32>
      %bitcast_convert_type3A_421 = tpu.bitcast %and3A_420 : vector<8x64xi32> -> vector<8x64xf32>
      %concatenate3A_422 = tpu.concatenate %bitcast_convert_type3A_417, %bitcast_convert_type3A_421 in 1 : vector<8x64xf32>, vector<8x64xf32> -> vector<8x128xf32>
      %get3A_423 = arith.constant 27 : index
      %get3A_424 = arith.index_cast %multiple_of3A : i32 to index
      %get3A_425 = arith.constant 0 : index
      %get3A_426 = vector.load %arg2[%get3A_423, %get3A_424, %get3A_425] : memref<32x512x64xi32, #tpu.memory_space<vmem>>, vector<1x8x64xi32>
      %get3A_427 = vector.shape_cast %get3A_426 : vector<1x8x64xi32> to vector<8x64xi32>
      %shift_left3A_428 = arith.constant 16 : i32
      %shift_left3A_429 = vector.broadcast %shift_left3A_428 : i32 to vector<8x64xi32>
      %shift_left3A_430 = arith.shli %get3A_427, %shift_left3A_429 : vector<8x64xi32>
      %bitcast_convert_type3A_431 = tpu.bitcast %shift_left3A_430 : vector<8x64xi32> -> vector<8x64xf32>
      %and3A_432 = arith.constant -65536 : i32
      %and3A_433 = vector.broadcast %and3A_432 : i32 to vector<8x64xi32>
      %and3A_434 = arith.andi %get3A_427, %and3A_433 : vector<8x64xi32>
      %bitcast_convert_type3A_435 = tpu.bitcast %and3A_434 : vector<8x64xi32> -> vector<8x64xf32>
      %concatenate3A_436 = tpu.concatenate %bitcast_convert_type3A_431, %bitcast_convert_type3A_435 in 1 : vector<8x64xf32>, vector<8x64xf32> -> vector<8x128xf32>
      %get3A_437 = arith.constant 28 : index
      %get3A_438 = arith.index_cast %multiple_of3A : i32 to index
      %get3A_439 = arith.constant 0 : index
      %get3A_440 = vector.load %arg2[%get3A_437, %get3A_438, %get3A_439] : memref<32x512x64xi32, #tpu.memory_space<vmem>>, vector<1x8x64xi32>
      %get3A_441 = vector.shape_cast %get3A_440 : vector<1x8x64xi32> to vector<8x64xi32>
      %shift_left3A_442 = arith.constant 16 : i32
      %shift_left3A_443 = vector.broadcast %shift_left3A_442 : i32 to vector<8x64xi32>
      %shift_left3A_444 = arith.shli %get3A_441, %shift_left3A_443 : vector<8x64xi32>
      %bitcast_convert_type3A_445 = tpu.bitcast %shift_left3A_444 : vector<8x64xi32> -> vector<8x64xf32>
      %and3A_446 = arith.constant -65536 : i32
      %and3A_447 = vector.broadcast %and3A_446 : i32 to vector<8x64xi32>
      %and3A_448 = arith.andi %get3A_441, %and3A_447 : vector<8x64xi32>
      %bitcast_convert_type3A_449 = tpu.bitcast %and3A_448 : vector<8x64xi32> -> vector<8x64xf32>
      %concatenate3A_450 = tpu.concatenate %bitcast_convert_type3A_445, %bitcast_convert_type3A_449 in 1 : vector<8x64xf32>, vector<8x64xf32> -> vector<8x128xf32>
      %get3A_451 = arith.constant 29 : index
      %get3A_452 = arith.index_cast %multiple_of3A : i32 to index
      %get3A_453 = arith.constant 0 : index
      %get3A_454 = vector.load %arg2[%get3A_451, %get3A_452, %get3A_453] : memref<32x512x64xi32, #tpu.memory_space<vmem>>, vector<1x8x64xi32>
      %get3A_455 = vector.shape_cast %get3A_454 : vector<1x8x64xi32> to vector<8x64xi32>
      %shift_left3A_456 = arith.constant 16 : i32
      %shift_left3A_457 = vector.broadcast %shift_left3A_456 : i32 to vector<8x64xi32>
      %shift_left3A_458 = arith.shli %get3A_455, %shift_left3A_457 : vector<8x64xi32>
      %bitcast_convert_type3A_459 = tpu.bitcast %shift_left3A_458 : vector<8x64xi32> -> vector<8x64xf32>
      %and3A_460 = arith.constant -65536 : i32
      %and3A_461 = vector.broadcast %and3A_460 : i32 to vector<8x64xi32>
      %and3A_462 = arith.andi %get3A_455, %and3A_461 : vector<8x64xi32>
      %bitcast_convert_type3A_463 = tpu.bitcast %and3A_462 : vector<8x64xi32> -> vector<8x64xf32>
      %concatenate3A_464 = tpu.concatenate %bitcast_convert_type3A_459, %bitcast_convert_type3A_463 in 1 : vector<8x64xf32>, vector<8x64xf32> -> vector<8x128xf32>
      %get3A_465 = arith.constant 30 : index
      %get3A_466 = arith.index_cast %multiple_of3A : i32 to index
      %get3A_467 = arith.constant 0 : index
      %get3A_468 = vector.load %arg2[%get3A_465, %get3A_466, %get3A_467] : memref<32x512x64xi32, #tpu.memory_space<vmem>>, vector<1x8x64xi32>
      %get3A_469 = vector.shape_cast %get3A_468 : vector<1x8x64xi32> to vector<8x64xi32>
      %shift_left3A_470 = arith.constant 16 : i32
      %shift_left3A_471 = vector.broadcast %shift_left3A_470 : i32 to vector<8x64xi32>
      %shift_left3A_472 = arith.shli %get3A_469, %shift_left3A_471 : vector<8x64xi32>
      %bitcast_convert_type3A_473 = tpu.bitcast %shift_left3A_472 : vector<8x64xi32> -> vector<8x64xf32>
      %and3A_474 = arith.constant -65536 : i32
      %and3A_475 = vector.broadcast %and3A_474 : i32 to vector<8x64xi32>
      %and3A_476 = arith.andi %get3A_469, %and3A_475 : vector<8x64xi32>
      %bitcast_convert_type3A_477 = tpu.bitcast %and3A_476 : vector<8x64xi32> -> vector<8x64xf32>
      %concatenate3A_478 = tpu.concatenate %bitcast_convert_type3A_473, %bitcast_convert_type3A_477 in 1 : vector<8x64xf32>, vector<8x64xf32> -> vector<8x128xf32>
      %get3A_479 = arith.constant 31 : index
      %get3A_480 = arith.index_cast %multiple_of3A : i32 to index
      %get3A_481 = arith.constant 0 : index
      %get3A_482 = vector.load %arg2[%get3A_479, %get3A_480, %get3A_481] : memref<32x512x64xi32, #tpu.memory_space<vmem>>, vector<1x8x64xi32>
      %get3A_483 = vector.shape_cast %get3A_482 : vector<1x8x64xi32> to vector<8x64xi32>
      %shift_left3A_484 = arith.constant 16 : i32
      %shift_left3A_485 = vector.broadcast %shift_left3A_484 : i32 to vector<8x64xi32>
      %shift_left3A_486 = arith.shli %get3A_483, %shift_left3A_485 : vector<8x64xi32>
      %bitcast_convert_type3A_487 = tpu.bitcast %shift_left3A_486 : vector<8x64xi32> -> vector<8x64xf32>
      %and3A_488 = arith.constant -65536 : i32
      %and3A_489 = vector.broadcast %and3A_488 : i32 to vector<8x64xi32>
      %and3A_490 = arith.andi %get3A_483, %and3A_489 : vector<8x64xi32>
      %bitcast_convert_type3A_491 = tpu.bitcast %and3A_490 : vector<8x64xi32> -> vector<8x64xf32>
      %concatenate3A_492 = tpu.concatenate %bitcast_convert_type3A_487, %bitcast_convert_type3A_491 in 1 : vector<8x64xf32>, vector<8x64xf32> -> vector<8x128xf32>
      %min3A = arith.minimumf %concatenate3A, %concatenate3A_72 : vector<8x128xf32>
      %max3A = arith.maximumf %concatenate3A, %concatenate3A_72 : vector<8x128xf32>
      %min3A_493 = arith.minimumf %concatenate3A_86, %concatenate3A_100 : vector<8x128xf32>
      %max3A_494 = arith.maximumf %concatenate3A_86, %concatenate3A_100 : vector<8x128xf32>
      %min3A_495 = arith.minimumf %concatenate3A_114, %concatenate3A_128 : vector<8x128xf32>
      %max3A_496 = arith.maximumf %concatenate3A_114, %concatenate3A_128 : vector<8x128xf32>
      %min3A_497 = arith.minimumf %concatenate3A_142, %concatenate3A_156 : vector<8x128xf32>
      %max3A_498 = arith.maximumf %concatenate3A_142, %concatenate3A_156 : vector<8x128xf32>
      %min3A_499 = arith.minimumf %concatenate3A_170, %concatenate3A_184 : vector<8x128xf32>
      %max3A_500 = arith.maximumf %concatenate3A_170, %concatenate3A_184 : vector<8x128xf32>
      %min3A_501 = arith.minimumf %concatenate3A_198, %concatenate3A_212 : vector<8x128xf32>
      %max3A_502 = arith.maximumf %concatenate3A_198, %concatenate3A_212 : vector<8x128xf32>
      %min3A_503 = arith.minimumf %concatenate3A_226, %concatenate3A_240 : vector<8x128xf32>
      %max3A_504 = arith.maximumf %concatenate3A_226, %concatenate3A_240 : vector<8x128xf32>
      %min3A_505 = arith.minimumf %concatenate3A_254, %concatenate3A_268 : vector<8x128xf32>
      %max3A_506 = arith.maximumf %concatenate3A_254, %concatenate3A_268 : vector<8x128xf32>
      %min3A_507 = arith.minimumf %concatenate3A_282, %concatenate3A_296 : vector<8x128xf32>
      %max3A_508 = arith.maximumf %concatenate3A_282, %concatenate3A_296 : vector<8x128xf32>
      %min3A_509 = arith.minimumf %concatenate3A_310, %concatenate3A_324 : vector<8x128xf32>
      %max3A_510 = arith.maximumf %concatenate3A_310, %concatenate3A_324 : vector<8x128xf32>
      %min3A_511 = arith.minimumf %concatenate3A_338, %concatenate3A_352 : vector<8x128xf32>
      %max3A_512 = arith.maximumf %concatenate3A_338, %concatenate3A_352 : vector<8x128xf32>
      %min3A_513 = arith.minimumf %concatenate3A_366, %concatenate3A_380 : vector<8x128xf32>
      %max3A_514 = arith.maximumf %concatenate3A_366, %concatenate3A_380 : vector<8x128xf32>
      %min3A_515 = arith.minimumf %concatenate3A_394, %concatenate3A_408 : vector<8x128xf32>
      %max3A_516 = arith.maximumf %concatenate3A_394, %concatenate3A_408 : vector<8x128xf32>
      %min3A_517 = arith.minimumf %concatenate3A_422, %concatenate3A_436 : vector<8x128xf32>
      %max3A_518 = arith.maximumf %concatenate3A_422, %concatenate3A_436 : vector<8x128xf32>
      %min3A_519 = arith.minimumf %concatenate3A_450, %concatenate3A_464 : vector<8x128xf32>
      %max3A_520 = arith.maximumf %concatenate3A_450, %concatenate3A_464 : vector<8x128xf32>
      %min3A_521 = arith.minimumf %concatenate3A_478, %concatenate3A_492 : vector<8x128xf32>
      %max3A_522 = arith.maximumf %concatenate3A_478, %concatenate3A_492 : vector<8x128xf32>
      %min3A_523 = arith.minimumf %min3A, %min3A_493 : vector<8x128xf32>
      %max3A_524 = arith.maximumf %min3A, %min3A_493 : vector<8x128xf32>
      %min3A_525 = arith.minimumf %max3A, %max3A_494 : vector<8x128xf32>
      %max3A_526 = arith.maximumf %max3A, %max3A_494 : vector<8x128xf32>
      %min3A_527 = arith.minimumf %min3A_495, %min3A_497 : vector<8x128xf32>
      %max3A_528 = arith.maximumf %min3A_495, %min3A_497 : vector<8x128xf32>
      %min3A_529 = arith.minimumf %max3A_496, %max3A_498 : vector<8x128xf32>
      %max3A_530 = arith.maximumf %max3A_496, %max3A_498 : vector<8x128xf32>
      %min3A_531 = arith.minimumf %min3A_499, %min3A_501 : vector<8x128xf32>
      %max3A_532 = arith.maximumf %min3A_499, %min3A_501 : vector<8x128xf32>
      %min3A_533 = arith.minimumf %max3A_500, %max3A_502 : vector<8x128xf32>
      %max3A_534 = arith.maximumf %max3A_500, %max3A_502 : vector<8x128xf32>
      %min3A_535 = arith.minimumf %min3A_503, %min3A_505 : vector<8x128xf32>
      %max3A_536 = arith.maximumf %min3A_503, %min3A_505 : vector<8x128xf32>
      %min3A_537 = arith.minimumf %max3A_504, %max3A_506 : vector<8x128xf32>
      %max3A_538 = arith.maximumf %max3A_504, %max3A_506 : vector<8x128xf32>
      %min3A_539 = arith.minimumf %min3A_507, %min3A_509 : vector<8x128xf32>
      %max3A_540 = arith.maximumf %min3A_507, %min3A_509 : vector<8x128xf32>
      %min3A_541 = arith.minimumf %max3A_508, %max3A_510 : vector<8x128xf32>
      %max3A_542 = arith.maximumf %max3A_508, %max3A_510 : vector<8x128xf32>
      %min3A_543 = arith.minimumf %min3A_511, %min3A_513 : vector<8x128xf32>
      %max3A_544 = arith.maximumf %min3A_511, %min3A_513 : vector<8x128xf32>
      %min3A_545 = arith.minimumf %max3A_512, %max3A_514 : vector<8x128xf32>
      %max3A_546 = arith.maximumf %max3A_512, %max3A_514 : vector<8x128xf32>
      %min3A_547 = arith.minimumf %min3A_515, %min3A_517 : vector<8x128xf32>
      %max3A_548 = arith.maximumf %min3A_515, %min3A_517 : vector<8x128xf32>
      %min3A_549 = arith.minimumf %max3A_516, %max3A_518 : vector<8x128xf32>
      %max3A_550 = arith.maximumf %max3A_516, %max3A_518 : vector<8x128xf32>
      %min3A_551 = arith.minimumf %min3A_519, %min3A_521 : vector<8x128xf32>
      %max3A_552 = arith.maximumf %min3A_519, %min3A_521 : vector<8x128xf32>
      %min3A_553 = arith.minimumf %max3A_520, %max3A_522 : vector<8x128xf32>
      %max3A_554 = arith.maximumf %max3A_520, %max3A_522 : vector<8x128xf32>
      %min3A_555 = arith.minimumf %min3A_525, %max3A_524 : vector<8x128xf32>
      %max3A_556 = arith.maximumf %min3A_525, %max3A_524 : vector<8x128xf32>
      %min3A_557 = arith.minimumf %min3A_529, %max3A_528 : vector<8x128xf32>
      %max3A_558 = arith.maximumf %min3A_529, %max3A_528 : vector<8x128xf32>
      %min3A_559 = arith.minimumf %min3A_533, %max3A_532 : vector<8x128xf32>
      %max3A_560 = arith.maximumf %min3A_533, %max3A_532 : vector<8x128xf32>
      %min3A_561 = arith.minimumf %min3A_537, %max3A_536 : vector<8x128xf32>
      %max3A_562 = arith.maximumf %min3A_537, %max3A_536 : vector<8x128xf32>
      %min3A_563 = arith.minimumf %min3A_541, %max3A_540 : vector<8x128xf32>
      %max3A_564 = arith.maximumf %min3A_541, %max3A_540 : vector<8x128xf32>
      %min3A_565 = arith.minimumf %min3A_545, %max3A_544 : vector<8x128xf32>
      %max3A_566 = arith.maximumf %min3A_545, %max3A_544 : vector<8x128xf32>
      %min3A_567 = arith.minimumf %min3A_549, %max3A_548 : vector<8x128xf32>
      %max3A_568 = arith.maximumf %min3A_549, %max3A_548 : vector<8x128xf32>
      %min3A_569 = arith.minimumf %min3A_553, %max3A_552 : vector<8x128xf32>
      %max3A_570 = arith.maximumf %min3A_553, %max3A_552 : vector<8x128xf32>
      %min3A_571 = arith.minimumf %min3A_523, %min3A_527 : vector<8x128xf32>
      %max3A_572 = arith.maximumf %min3A_523, %min3A_527 : vector<8x128xf32>
      %min3A_573 = arith.minimumf %min3A_555, %min3A_557 : vector<8x128xf32>
      %max3A_574 = arith.maximumf %min3A_555, %min3A_557 : vector<8x128xf32>
      %min3A_575 = arith.minimumf %max3A_556, %max3A_558 : vector<8x128xf32>
      %max3A_576 = arith.maximumf %max3A_556, %max3A_558 : vector<8x128xf32>
      %min3A_577 = arith.minimumf %max3A_526, %max3A_530 : vector<8x128xf32>
      %max3A_578 = arith.maximumf %max3A_526, %max3A_530 : vector<8x128xf32>
      %min3A_579 = arith.minimumf %min3A_531, %min3A_535 : vector<8x128xf32>
      %max3A_580 = arith.maximumf %min3A_531, %min3A_535 : vector<8x128xf32>
      %min3A_581 = arith.minimumf %min3A_559, %min3A_561 : vector<8x128xf32>
      %max3A_582 = arith.maximumf %min3A_559, %min3A_561 : vector<8x128xf32>
      %min3A_583 = arith.minimumf %max3A_560, %max3A_562 : vector<8x128xf32>
      %max3A_584 = arith.maximumf %max3A_560, %max3A_562 : vector<8x128xf32>
      %min3A_585 = arith.minimumf %max3A_534, %max3A_538 : vector<8x128xf32>
      %max3A_586 = arith.maximumf %max3A_534, %max3A_538 : vector<8x128xf32>
      %min3A_587 = arith.minimumf %min3A_539, %min3A_543 : vector<8x128xf32>
      %max3A_588 = arith.maximumf %min3A_539, %min3A_543 : vector<8x128xf32>
      %min3A_589 = arith.minimumf %min3A_563, %min3A_565 : vector<8x128xf32>
      %max3A_590 = arith.maximumf %min3A_563, %min3A_565 : vector<8x128xf32>
      %min3A_591 = arith.minimumf %max3A_564, %max3A_566 : vector<8x128xf32>
      %max3A_592 = arith.maximumf %max3A_564, %max3A_566 : vector<8x128xf32>
      %min3A_593 = arith.minimumf %max3A_542, %max3A_546 : vector<8x128xf32>
      %max3A_594 = arith.maximumf %max3A_542, %max3A_546 : vector<8x128xf32>
      %min3A_595 = arith.minimumf %min3A_547, %min3A_551 : vector<8x128xf32>
      %max3A_596 = arith.maximumf %min3A_547, %min3A_551 : vector<8x128xf32>
      %min3A_597 = arith.minimumf %min3A_567, %min3A_569 : vector<8x128xf32>
      %max3A_598 = arith.maximumf %min3A_567, %min3A_569 : vector<8x128xf32>
      %min3A_599 = arith.minimumf %max3A_568, %max3A_570 : vector<8x128xf32>
      %max3A_600 = arith.maximumf %max3A_568, %max3A_570 : vector<8x128xf32>
      %min3A_601 = arith.minimumf %max3A_550, %max3A_554 : vector<8x128xf32>
      %max3A_602 = arith.maximumf %max3A_550, %max3A_554 : vector<8x128xf32>
      %min3A_603 = arith.minimumf %min3A_575, %max3A_572 : vector<8x128xf32>
      %max3A_604 = arith.maximumf %min3A_575, %max3A_572 : vector<8x128xf32>
      %min3A_605 = arith.minimumf %min3A_577, %max3A_574 : vector<8x128xf32>
      %max3A_606 = arith.maximumf %min3A_577, %max3A_574 : vector<8x128xf32>
      %min3A_607 = arith.minimumf %min3A_583, %max3A_580 : vector<8x128xf32>
      %max3A_608 = arith.maximumf %min3A_583, %max3A_580 : vector<8x128xf32>
      %min3A_609 = arith.minimumf %min3A_585, %max3A_582 : vector<8x128xf32>
      %max3A_610 = arith.maximumf %min3A_585, %max3A_582 : vector<8x128xf32>
      %min3A_611 = arith.minimumf %min3A_591, %max3A_588 : vector<8x128xf32>
      %max3A_612 = arith.maximumf %min3A_591, %max3A_588 : vector<8x128xf32>
      %min3A_613 = arith.minimumf %min3A_593, %max3A_590 : vector<8x128xf32>
      %max3A_614 = arith.maximumf %min3A_593, %max3A_590 : vector<8x128xf32>
      %min3A_615 = arith.minimumf %min3A_599, %max3A_596 : vector<8x128xf32>
      %max3A_616 = arith.maximumf %min3A_599, %max3A_596 : vector<8x128xf32>
      %min3A_617 = arith.minimumf %min3A_601, %max3A_598 : vector<8x128xf32>
      %max3A_618 = arith.maximumf %min3A_601, %max3A_598 : vector<8x128xf32>
      %min3A_619 = arith.minimumf %min3A_573, %min3A_603 : vector<8x128xf32>
      %max3A_620 = arith.maximumf %min3A_573, %min3A_603 : vector<8x128xf32>
      %min3A_621 = arith.minimumf %min3A_605, %max3A_604 : vector<8x128xf32>
      %max3A_622 = arith.maximumf %min3A_605, %max3A_604 : vector<8x128xf32>
      %min3A_623 = arith.minimumf %max3A_606, %max3A_576 : vector<8x128xf32>
      %max3A_624 = arith.maximumf %max3A_606, %max3A_576 : vector<8x128xf32>
      %min3A_625 = arith.minimumf %min3A_581, %min3A_607 : vector<8x128xf32>
      %max3A_626 = arith.maximumf %min3A_581, %min3A_607 : vector<8x128xf32>
      %min3A_627 = arith.minimumf %min3A_609, %max3A_608 : vector<8x128xf32>
      %max3A_628 = arith.maximumf %min3A_609, %max3A_608 : vector<8x128xf32>
      %min3A_629 = arith.minimumf %max3A_610, %max3A_584 : vector<8x128xf32>
      %max3A_630 = arith.maximumf %max3A_610, %max3A_584 : vector<8x128xf32>
      %min3A_631 = arith.minimumf %min3A_589, %min3A_611 : vector<8x128xf32>
      %max3A_632 = arith.maximumf %min3A_589, %min3A_611 : vector<8x128xf32>
      %min3A_633 = arith.minimumf %min3A_613, %max3A_612 : vector<8x128xf32>
      %max3A_634 = arith.maximumf %min3A_613, %max3A_612 : vector<8x128xf32>
      %min3A_635 = arith.minimumf %max3A_614, %max3A_592 : vector<8x128xf32>
      %max3A_636 = arith.maximumf %max3A_614, %max3A_592 : vector<8x128xf32>
      %min3A_637 = arith.minimumf %min3A_597, %min3A_615 : vector<8x128xf32>
      %max3A_638 = arith.maximumf %min3A_597, %min3A_615 : vector<8x128xf32>
      %min3A_639 = arith.minimumf %min3A_617, %max3A_616 : vector<8x128xf32>
      %max3A_640 = arith.maximumf %min3A_617, %max3A_616 : vector<8x128xf32>
      %min3A_641 = arith.minimumf %max3A_618, %max3A_600 : vector<8x128xf32>
      %max3A_642 = arith.maximumf %max3A_618, %max3A_600 : vector<8x128xf32>
      %min3A_643 = arith.minimumf %min3A_571, %min3A_579 : vector<8x128xf32>
      %max3A_644 = arith.maximumf %min3A_571, %min3A_579 : vector<8x128xf32>
      %min3A_645 = arith.minimumf %min3A_619, %min3A_625 : vector<8x128xf32>
      %max3A_646 = arith.maximumf %min3A_619, %min3A_625 : vector<8x128xf32>
      %min3A_647 = arith.minimumf %max3A_620, %max3A_626 : vector<8x128xf32>
      %max3A_648 = arith.maximumf %max3A_620, %max3A_626 : vector<8x128xf32>
      %min3A_649 = arith.minimumf %min3A_621, %min3A_627 : vector<8x128xf32>
      %max3A_650 = arith.maximumf %min3A_621, %min3A_627 : vector<8x128xf32>
      %min3A_651 = arith.minimumf %max3A_622, %max3A_628 : vector<8x128xf32>
      %max3A_652 = arith.maximumf %max3A_622, %max3A_628 : vector<8x128xf32>
      %min3A_653 = arith.minimumf %min3A_623, %min3A_629 : vector<8x128xf32>
      %max3A_654 = arith.maximumf %min3A_623, %min3A_629 : vector<8x128xf32>
      %min3A_655 = arith.minimumf %max3A_624, %max3A_630 : vector<8x128xf32>
      %max3A_656 = arith.maximumf %max3A_624, %max3A_630 : vector<8x128xf32>
      %min3A_657 = arith.minimumf %max3A_578, %max3A_586 : vector<8x128xf32>
      %max3A_658 = arith.maximumf %max3A_578, %max3A_586 : vector<8x128xf32>
      %min3A_659 = arith.minimumf %min3A_587, %min3A_595 : vector<8x128xf32>
      %max3A_660 = arith.maximumf %min3A_587, %min3A_595 : vector<8x128xf32>
      %min3A_661 = arith.minimumf %min3A_631, %min3A_637 : vector<8x128xf32>
      %max3A_662 = arith.maximumf %min3A_631, %min3A_637 : vector<8x128xf32>
      %min3A_663 = arith.minimumf %max3A_632, %max3A_638 : vector<8x128xf32>
      %max3A_664 = arith.maximumf %max3A_632, %max3A_638 : vector<8x128xf32>
      %min3A_665 = arith.minimumf %min3A_633, %min3A_639 : vector<8x128xf32>
      %max3A_666 = arith.maximumf %min3A_633, %min3A_639 : vector<8x128xf32>
      %min3A_667 = arith.minimumf %max3A_634, %max3A_640 : vector<8x128xf32>
      %max3A_668 = arith.maximumf %max3A_634, %max3A_640 : vector<8x128xf32>
      %min3A_669 = arith.minimumf %min3A_635, %min3A_641 : vector<8x128xf32>
      %max3A_670 = arith.maximumf %min3A_635, %min3A_641 : vector<8x128xf32>
      %min3A_671 = arith.minimumf %max3A_636, %max3A_642 : vector<8x128xf32>
      %max3A_672 = arith.maximumf %max3A_636, %max3A_642 : vector<8x128xf32>
      %min3A_673 = arith.minimumf %max3A_594, %max3A_602 : vector<8x128xf32>
      %max3A_674 = arith.maximumf %max3A_594, %max3A_602 : vector<8x128xf32>
      %min3A_675 = arith.minimumf %min3A_651, %max3A_644 : vector<8x128xf32>
      %max3A_676 = arith.maximumf %min3A_651, %max3A_644 : vector<8x128xf32>
      %min3A_677 = arith.minimumf %min3A_653, %max3A_646 : vector<8x128xf32>
      %max3A_678 = arith.maximumf %min3A_653, %max3A_646 : vector<8x128xf32>
      %min3A_679 = arith.minimumf %min3A_655, %max3A_648 : vector<8x128xf32>
      %max3A_680 = arith.maximumf %min3A_655, %max3A_648 : vector<8x128xf32>
      %min3A_681 = arith.minimumf %min3A_657, %max3A_650 : vector<8x128xf32>
      %max3A_682 = arith.maximumf %min3A_657, %max3A_650 : vector<8x128xf32>
      %min3A_683 = arith.minimumf %min3A_667, %max3A_660 : vector<8x128xf32>
      %max3A_684 = arith.maximumf %min3A_667, %max3A_660 : vector<8x128xf32>
      %min3A_685 = arith.minimumf %min3A_669, %max3A_662 : vector<8x128xf32>
      %max3A_686 = arith.maximumf %min3A_669, %max3A_662 : vector<8x128xf32>
      %min3A_687 = arith.minimumf %min3A_671, %max3A_664 : vector<8x128xf32>
      %max3A_688 = arith.maximumf %min3A_671, %max3A_664 : vector<8x128xf32>
      %min3A_689 = arith.minimumf %min3A_673, %max3A_666 : vector<8x128xf32>
      %max3A_690 = arith.maximumf %min3A_673, %max3A_666 : vector<8x128xf32>
      %min3A_691 = arith.minimumf %min3A_647, %min3A_675 : vector<8x128xf32>
      %max3A_692 = arith.maximumf %min3A_647, %min3A_675 : vector<8x128xf32>
      %min3A_693 = arith.minimumf %min3A_649, %min3A_677 : vector<8x128xf32>
      %max3A_694 = arith.maximumf %min3A_649, %min3A_677 : vector<8x128xf32>
      %min3A_695 = arith.minimumf %min3A_679, %max3A_676 : vector<8x128xf32>
      %max3A_696 = arith.maximumf %min3A_679, %max3A_676 : vector<8x128xf32>
      %min3A_697 = arith.minimumf %min3A_681, %max3A_678 : vector<8x128xf32>
      %max3A_698 = arith.maximumf %min3A_681, %max3A_678 : vector<8x128xf32>
      %min3A_699 = arith.minimumf %max3A_680, %max3A_652 : vector<8x128xf32>
      %max3A_700 = arith.maximumf %max3A_680, %max3A_652 : vector<8x128xf32>
      %min3A_701 = arith.minimumf %max3A_682, %max3A_654 : vector<8x128xf32>
      %max3A_702 = arith.maximumf %max3A_682, %max3A_654 : vector<8x128xf32>
      %min3A_703 = arith.minimumf %min3A_663, %min3A_683 : vector<8x128xf32>
      %max3A_704 = arith.maximumf %min3A_663, %min3A_683 : vector<8x128xf32>
      %min3A_705 = arith.minimumf %min3A_665, %min3A_685 : vector<8x128xf32>
      %max3A_706 = arith.maximumf %min3A_665, %min3A_685 : vector<8x128xf32>
      %min3A_707 = arith.minimumf %min3A_687, %max3A_684 : vector<8x128xf32>
      %max3A_708 = arith.maximumf %min3A_687, %max3A_684 : vector<8x128xf32>
      %min3A_709 = arith.minimumf %min3A_689, %max3A_686 : vector<8x128xf32>
      %max3A_710 = arith.maximumf %min3A_689, %max3A_686 : vector<8x128xf32>
      %min3A_711 = arith.minimumf %max3A_688, %max3A_668 : vector<8x128xf32>
      %max3A_712 = arith.maximumf %max3A_688, %max3A_668 : vector<8x128xf32>
      %min3A_713 = arith.minimumf %max3A_690, %max3A_670 : vector<8x128xf32>
      %max3A_714 = arith.maximumf %max3A_690, %max3A_670 : vector<8x128xf32>
      %min3A_715 = arith.minimumf %min3A_645, %min3A_691 : vector<8x128xf32>
      %max3A_716 = arith.maximumf %min3A_645, %min3A_691 : vector<8x128xf32>
      %min3A_717 = arith.minimumf %min3A_693, %max3A_692 : vector<8x128xf32>
      %max3A_718 = arith.maximumf %min3A_693, %max3A_692 : vector<8x128xf32>
      %min3A_719 = arith.minimumf %max3A_694, %min3A_695 : vector<8x128xf32>
      %max3A_720 = arith.maximumf %max3A_694, %min3A_695 : vector<8x128xf32>
      %min3A_721 = arith.minimumf %min3A_697, %max3A_696 : vector<8x128xf32>
      %max3A_722 = arith.maximumf %min3A_697, %max3A_696 : vector<8x128xf32>
      %min3A_723 = arith.minimumf %max3A_698, %min3A_699 : vector<8x128xf32>
      %max3A_724 = arith.maximumf %max3A_698, %min3A_699 : vector<8x128xf32>
      %min3A_725 = arith.minimumf %min3A_701, %max3A_700 : vector<8x128xf32>
      %max3A_726 = arith.maximumf %min3A_701, %max3A_700 : vector<8x128xf32>
      %min3A_727 = arith.minimumf %max3A_702, %max3A_656 : vector<8x128xf32>
      %max3A_728 = arith.maximumf %max3A_702, %max3A_656 : vector<8x128xf32>
      %min3A_729 = arith.minimumf %min3A_661, %min3A_703 : vector<8x128xf32>
      %max3A_730 = arith.maximumf %min3A_661, %min3A_703 : vector<8x128xf32>
      %min3A_731 = arith.minimumf %min3A_705, %max3A_704 : vector<8x128xf32>
      %max3A_732 = arith.maximumf %min3A_705, %max3A_704 : vector<8x128xf32>
      %min3A_733 = arith.minimumf %max3A_706, %min3A_707 : vector<8x128xf32>
      %max3A_734 = arith.maximumf %max3A_706, %min3A_707 : vector<8x128xf32>
      %min3A_735 = arith.minimumf %min3A_709, %max3A_708 : vector<8x128xf32>
      %max3A_736 = arith.maximumf %min3A_709, %max3A_708 : vector<8x128xf32>
      %min3A_737 = arith.minimumf %max3A_710, %min3A_711 : vector<8x128xf32>
      %max3A_738 = arith.maximumf %max3A_710, %min3A_711 : vector<8x128xf32>
      %min3A_739 = arith.minimumf %min3A_713, %max3A_712 : vector<8x128xf32>
      %max3A_740 = arith.maximumf %min3A_713, %max3A_712 : vector<8x128xf32>
      %min3A_741 = arith.minimumf %max3A_714, %max3A_672 : vector<8x128xf32>
      %max3A_742 = arith.maximumf %max3A_714, %max3A_672 : vector<8x128xf32>
      %max3A_743 = arith.maximumf %min3A_643, %min3A_659 : vector<8x128xf32>
      %max3A_744 = arith.maximumf %min3A_715, %min3A_729 : vector<8x128xf32>
      %max3A_745 = arith.maximumf %max3A_716, %max3A_730 : vector<8x128xf32>
      %max3A_746 = arith.maximumf %min3A_717, %min3A_731 : vector<8x128xf32>
      %max3A_747 = arith.maximumf %max3A_718, %max3A_732 : vector<8x128xf32>
      %max3A_748 = arith.maximumf %min3A_719, %min3A_733 : vector<8x128xf32>
      %max3A_749 = arith.maximumf %max3A_720, %max3A_734 : vector<8x128xf32>
      %max3A_750 = arith.maximumf %min3A_721, %min3A_735 : vector<8x128xf32>
      %min3A_751 = arith.minimumf %max3A_722, %max3A_736 : vector<8x128xf32>
      %min3A_752 = arith.minimumf %min3A_723, %min3A_737 : vector<8x128xf32>
      %min3A_753 = arith.minimumf %max3A_724, %max3A_738 : vector<8x128xf32>
      %min3A_754 = arith.minimumf %min3A_725, %min3A_739 : vector<8x128xf32>
      %min3A_755 = arith.minimumf %max3A_726, %max3A_740 : vector<8x128xf32>
      %min3A_756 = arith.minimumf %min3A_727, %min3A_741 : vector<8x128xf32>
      %min3A_757 = arith.minimumf %max3A_728, %max3A_742 : vector<8x128xf32>
      %min3A_758 = arith.minimumf %max3A_658, %max3A_674 : vector<8x128xf32>
      %max3A_759 = arith.maximumf %min3A_751, %max3A_743 : vector<8x128xf32>
      %max3A_760 = arith.maximumf %min3A_752, %max3A_744 : vector<8x128xf32>
      %max3A_761 = arith.maximumf %min3A_753, %max3A_745 : vector<8x128xf32>
      %max3A_762 = arith.maximumf %min3A_754, %max3A_746 : vector<8x128xf32>
      %min3A_763 = arith.minimumf %min3A_755, %max3A_747 : vector<8x128xf32>
      %min3A_764 = arith.minimumf %min3A_756, %max3A_748 : vector<8x128xf32>
      %min3A_765 = arith.minimumf %min3A_757, %max3A_749 : vector<8x128xf32>
      %min3A_766 = arith.minimumf %min3A_758, %max3A_750 : vector<8x128xf32>
      %max3A_767 = arith.maximumf %min3A_763, %max3A_759 : vector<8x128xf32>
      %max3A_768 = arith.maximumf %min3A_764, %max3A_760 : vector<8x128xf32>
      %min3A_769 = arith.minimumf %min3A_765, %max3A_761 : vector<8x128xf32>
      %min3A_770 = arith.minimumf %min3A_766, %max3A_762 : vector<8x128xf32>
      %max3A_771 = arith.maximumf %min3A_769, %max3A_767 : vector<8x128xf32>
      %min3A_772 = arith.minimumf %min3A_770, %max3A_768 : vector<8x128xf32>
      %min3A_773 = arith.minimumf %min3A_772, %max3A_771 : vector<8x128xf32>
      %max3A_774 = arith.maximumf %min3A_772, %max3A_771 : vector<8x128xf32>
      %get3A_775 = arith.index_cast %multiple_of3A : i32 to index
      %get3A_776 = arith.constant 0 : index
      %get3A_777 = vector.load %arg6[%get3A_775, %get3A_776] : memref<512x128xf32, #tpu.memory_space<vmem>>, vector<8x128xf32>
      %max3A_778 = arith.maximumf %get3A_777, %min3A_773 : vector<8x128xf32>
      %min3A_779 = arith.minimumf %max3A_778, %max3A_774 : vector<8x128xf32>
      %iota3A_780 = tpu.iota {dimensions = array<i32: 0>} : vector<8x128xi32>
      %add3A_781 = vector.broadcast %multiple_of3A : i32 to vector<8x128xi32>
      %add3A_782 = arith.addi %add3A_781, %iota3A_780 : vector<8x128xi32>
      %lt3A = vector.broadcast %sub3A_1 : i32 to vector<8x128xi32>
      %lt3A_783 = arith.cmpi slt, %add3A_782, %lt3A : vector<8x128xi32>
      %jit3A = arith.constant 0.000000e+00 : f32
      %broadcast_in_dim3A = vector.broadcast %jit3A : f32 to vector<8x128xf32>
      %select_n3A = arith.select %lt3A_783, %min3A_779, %broadcast_in_dim3A : vector<8x128xi1>, vector<8x128xf32>
      %swap3A_784 = arith.index_cast %multiple_of3A : i32 to index
      %swap3A_785 = arith.constant 0 : index
      %swap3A_786 = vector.load %arg5[%swap3A_784, %swap3A_785] : memref<512x128xf32, #tpu.memory_space<vmem>>, vector<8x128xf32>
      tpu.vector_store %arg5[%swap3A_784, %swap3A_785], %select_n3A {strides = array<i32>} : memref<512x128xf32, #tpu.memory_space<vmem>>, vector<8x128xf32>,
    }
    %scan3A_14 = arith.constant 64 : i32
    %get3A_15 = arith.constant 0 : index
    %get3A_16 = arith.constant 0 : index
    %get3A_17 = memref.load %arg1[%get3A_15, %get3A_16] : memref<1x2xf32, #tpu.memory_space<smem>>
    %get3A_18 = arith.constant 0 : index
    %get3A_19 = arith.constant 1 : index
    %get3A_20 = memref.load %arg1[%get3A_18, %get3A_19] : memref<1x2xf32, #tpu.memory_space<smem>>
    %get3A_21 = arith.constant 0 : index
    %get3A_22 = arith.constant 0 : index
    %get3A_23 = vector.load %arg5[%get3A_21, %get3A_22] : memref<512x128xf32, #tpu.memory_space<vmem>>, vector<512x128xf32>
    %iota3A_24 = tpu.iota {dimensions = array<i32: 0>} : vector<512x512xi32>
    %iota3A_25 = tpu.iota {dimensions = array<i32: 1>} : vector<512x512xi32>
    %eq3A_26 = arith.cmpi eq, %iota3A_24, %iota3A_25 : vector<512x512xi32>
    %convert_element_type3A_27 = arith.extui %eq3A_26 : vector<512x512xi1> to vector<512x512xi32>
    %convert_element_type3A_28 = arith.sitofp %convert_element_type3A_27 : vector<512x512xi32> to vector<512x512xf32>
    %dot_general3A_29 = arith.constant dense<0.000000e+00> : vector<128x512xf32>
    %dot_general3A_30 = tpu.matmul %get3A_23, %convert_element_type3A_28, %dot_general3A_29 {dimension_numbers = #tpu.dot_dimension_numbers<[0], [0], [1], [1], [0, 1, 1, 1], [], []>, transpose_lhs_hint = false} : vector<512x128xf32>, vector<512x512xf32>, vector<128x512xf32> -> vector<128x512xf32>
    %get3A_31 = arith.constant 0 : index
    %get3A_32 = arith.constant 0 : index
    %get3A_33 = arith.constant 0 : index
    %get3A_34 = vector.load %arg3[%get3A_31, %get3A_32, %get3A_33] : memref<1x128x512xf32, #tpu.memory_space<vmem>>, vector<1x128x512xf32>
    %get3A_35 = vector.shape_cast %get3A_34 : vector<1x128x512xf32> to vector<128x512xf32>
    %mul3A_36 = vector.broadcast %get3A_17 : f32 to vector<128x512xf32>
    %mul3A_37 = arith.mulf %mul3A_36, %get3A_35 : vector<128x512xf32>
    %mul3A_38 = vector.broadcast %get3A_20 : f32 to vector<128x512xf32>
    %mul3A_39 = arith.mulf %mul3A_38, %dot_general3A_30 : vector<128x512xf32>
    %add3A = arith.addf %mul3A_37, %mul3A_39 : vector<128x512xf32>
    %swap3A_40 = arith.constant 0 : index
    %swap3A_41 = arith.constant 0 : index
    %swap3A_42 = arith.constant 0 : index
    %swap3A_43 = vector.load %arg4[%swap3A_40, %swap3A_41, %swap3A_42] : memref<1x128x512xf32, #tpu.memory_space<vmem>>, vector<1x128x512xf32>
    %swap3A_44 = vector.shape_cast %swap3A_43 : vector<1x128x512xf32> to vector<128x512xf32>
    %swap3A_45 = vector.shape_cast %add3A : vector<128x512xf32> to vector<1x128x512xf32>
    tpu.vector_store %arg4[%swap3A_40, %swap3A_41, %swap3A_42], %swap3A_45 {strides = array<i32>} : memref<1x128x512xf32, #tpu.memory_space<vmem>>, vector<1x128x512xf32>,
    return
  }
  func.func @transform_0(%arg0: i32) -> (i32, i32) {
    %c0_i32 = arith.constant 0 : i32
    %c0_i32_0 = arith.constant 0 : i32
    %c0_i32_1 = arith.constant 0 : i32
    return %c0_i32, %c0_i32_0 : i32, i32
  }
  func.func @transform_1(%arg0: i32) -> (i32, i32, i32) {
    %c0_i32 = arith.constant 0 : i32
    %c0_i32_0 = arith.constant 0 : i32
    %c0_i32_1 = arith.constant 0 : i32
    return %c0_i32, %arg0, %c0_i32_0 : i32, i32, i32
  }
  func.func @transform_2(%arg0: i32) -> (i32, i32, i32) {
    %c0_i32 = arith.constant 0 : i32
    %c0_i32_0 = arith.constant 0 : i32
    %c0_i32_1 = arith.constant 0 : i32
    return %c0_i32, %c0_i32_0, %arg0 : i32, i32, i32
  }
  func.func @transform_3(%arg0: i32) -> (i32, i32, i32) {
    %c0_i32 = arith.constant 0 : i32
    %c0_i32_0 = arith.constant 0 : i32
    %c0_i32_1 = arith.constant 0 : i32
    return %c0_i32, %c0_i32_0, %arg0 : i32, i32, i32
  }
}

</mosaic_0001>

<sc_bundles>
// kernel: kernel.6.cloned.1.call-start
scs
__scs_entry_jumppad:
0x0: {  	(pc) =	sbr.rel $0x88, $3  }
0x1: {  	(tag) =	ssettag $0x0;
	lr =	simm.s32 $0x1  }
0x2: {  	[smem:$0x3F9E] =	sst lr;
	_ =	strace $0xD0000000  }
0x3: {  	_ = 	snop  }
0x4: {  	_ = 	snop  }
0x5: {  	_ = 	snop  }
0x6: {  	_ = 	snop  }
0x7: {  	_ = 	snop  }
__scs_overlays_trampoline_lowered:
0x8: {  	[smem:$0x3FAD] =	sst s0  }
0x9: {  	[smem:$0x3FAE] =	sst s1  }
0xa: {  	[smem:$0x3FAF] =	sst s2  }
0xb: {  	[smem:$0x3FB0] =	sst s3  }
0xc: {  	[smem:$0x3FB1] =	sst s4  }
0xd: {  	[smem:$0x3FB2] =	sst s5  }
0xe: {  	[smem:$0x3FB3] =	sst s6  }
0xf: {  	[smem:$0x3FB4] =	sst s7  }
0x10: {  	[smem:$0x3FB5] =	sst s8  }
0x11: {  	[smem:$0x3FB6] =	sst s9;
	s0 =	simm.s32 @!p0 $0x0  }
0x12: {  	s1 =	sld [smem:$0x3F9C];
	s0 =	simm.s32 @p0 $0x1  }
0x13: {  	[smem:$0x3FB7] =	sst s0;
	s0 =	simm.s32 @!p1 $0x0  }
0x14: {  	s2 =	sld [smem:$0x3F9B];
	s0 =	simm.s32 @p1 $0x1  }
0x15: {  	[smem:$0x3FB8] =	sst s0;
	s0 =	simm.s32 @!p2 $0x0  }
0x16: {  	s3 =	sld [smem:$0x3FDB];
	s0 =	simm.s32 @p2 $0x1  }
0x17: {  	s4 =	simm.s32 $0x1BF5;
	[smem:$0x3FBA] =	sst s0  }
0x18: {  	s0 =	sld [smem:$0x3F9D];
	_ =	swait.ge [sflag:s4], $0x0  }
0x19: {  	s7 =	sld [smem:$0x3F9E]  }
0x1a: {  	s8 =	sadd.s32 $0xFFFFE003, lr  }
0x1b: {  	s9 =	sadd.s32 $0xFFFFFEF7, lr;
	s5 =	simm.s32 $0xFFFFFFFF;
	p2 =	slt.u32 s8, $0xFFFFF086  }
0x1c: {  	p1 =	slt.u32 s9, $0xF7A;
	s5 =	simm.s32 @!p2 $0x0  }
0x1d: {  	s5 =	simm.s32 @p1 $0x1;
	p0 =	seq.s32 s7, s2  }
0x1e: {  	s7 =	smul.u32 @!p0 $0xF7A, s2;
	p2 =	seq.s32 @!p0 s5, $0x0  }
0x1f: {  	s9 =	smul.u32 $0xF7A, s1;
	s8 =	simm.s32 @!p0 $0x1BF5;
	p2 =	por !p2, p0  }
0x20: {  	[sflag:s8] =	ssyncset.s32 @!p0 $0xFFFFF086;
	s6 =	sadd.s32 @!p0 s3, s7;
	s7 =	simm.s32 @!p0 $0x108  }
0x21: {  	s3 =	sadd.s32 s3, s9;
	s6 =	sadd.s32 @!p0 $0x88, s6;
	s7 =	simm.s32 @p2 $0x1082  }
0x22: {  	[simem:s7], [sflag:s8] =	dma.local @!p0 [hbm:s6], $0xF7A  }
0x23: {  	s9 =	sor.u32 $0xD0000000, s2;
	s6 =	simm.s32 $0x108;
	_ =	swait.ge @!p0 [sflag:s8], $0x0  }
0x24: {  	s3 =	sadd.s32 $0x88, s3;
	s6 =	simm.s32 @!p1 $0x1082;
	[sflag:s4] =	ssyncset.s32 $0xFFFFF086  }
0x25: {  	[simem:s6], [sflag:s4] =	dma.local [hbm:s3], $0xF7A  }
0x26: {  	[smem:$0x3F9E] =	sst s1;
	(tag) =	ssettag s2;
	_ =	strace s9  }
0x27: {  	s1 =	sld [smem:$0x3FAE]  }
0x28: {  	s2 =	sld [smem:$0x3FAF]  }
0x29: {  	s4 =	sld [smem:$0x3FB1]  }
0x2a: {  	p0 =	seq.s32 s5, $0x0;
	s5 =	sld [smem:$0x3FB2]  }
0x2b: {  	s6 =	sld [smem:$0x3FB3]  }
0x2c: {  	s7 =	sld [smem:$0x3FB4]  }
0x2d: {  	s3 =	simm.s32 $0x108;
	s8 =	sld [smem:$0x3FB5]  }
0x2e: {  	s3 =	simm.s32 @!p0 $0x1082;
	s9 =	sld [smem:$0x3FB6]  }
0x2f: {  	lr =	sadd.s32 s0, s3;
	s0 =	sld [smem:$0x3FAD]  }
0x30: {  	s3 =	sld [smem:$0x3FB0]  }
0x31: {  	[smem:$0x3FB9] =	sst s10  }
0x32: {  	s10 =	sld [smem:$0x3FB7];
	_ =	sdelay $0x3  }
0x33: {  	p0 =	seq.s32 s10, $0x1;
	s10 =	sld [smem:$0x3FB9];
	_ =	sdelay $0x3  }
0x34: {  	[smem:$0x3FB9] =	sst s10  }
0x35: {  	s10 =	sld [smem:$0x3FB8];
	_ =	sdelay $0x3  }
0x36: {  	p1 =	seq.s32 s10, $0x1;
	s10 =	sld [smem:$0x3FB9];
	_ =	sdelay $0x3  }
0x37: {  	[smem:$0x3FB9] =	sst s10  }
0x38: {  	s10 =	sld [smem:$0x3FBA]  }
0x39: {  	_ = 	snop;
	(pc) =	sbr.ind lr, $3  }
0x3a: {  	_ = 	snop  }
0x3b: {  	_ = 	snop  }
0x3c: {  	p2 =	seq.s32 s10, $0x1;
	s10 =	sld [smem:$0x3FB9]  }
0x3d: {  	_ =	shalt  }
0x3e: {  	_ =	shalt  }
0x3f: {  	_ =	shalt  }
0x40: {  	_ =	shalt  }
0x41: {  	_ =	shalt  }
0x42: {  	_ =	shalt  }
0x43: {  	_ =	shalt  }
0x44: {  	_ =	shalt  }
0x45: {  	_ =	shalt  }
0x46: {  	_ =	shalt  }
0x47: {  	_ =	shalt  }
0x48: {  	_ =	shalt  }
0x49: {  	_ =	shalt  }
0x4a: {  	_ =	shalt  }
0x4b: {  	_ =	shalt  }
0x4c: {  	_ =	shalt  }
0x4d: {  	_ =	shalt  }
0x4e: {  	_ =	shalt  }
0x4f: {  	_ =	shalt  }
0x50: {  	_ =	shalt  }
0x51: {  	_ =	shalt  }
0x52: {  	_ =	shalt  }
0x53: {  	_ =	shalt  }
0x54: {  	_ =	shalt  }
0x55: {  	_ =	shalt  }
0x56: {  	_ =	shalt  }
0x57: {  	_ =	shalt  }
0x58: {  	_ =	shalt  }
0x59: {  	_ =	shalt  }
0x5a: {  	_ =	shalt  }
0x5b: {  	_ =	shalt  }
0x5c: {  	_ =	shalt  }
0x5d: {  	_ =	shalt  }
0x5e: {  	_ =	shalt  }
0x5f: {  	_ =	shalt  }
0x60: {  	_ =	shalt  }
0x61: {  	_ =	shalt  }
0x62: {  	_ =	shalt  }
0x63: {  	_ =	shalt  }
0x64: {  	_ =	shalt  }
0x65: {  	_ =	shalt  }
0x66: {  	_ =	shalt  }
0x67: {  	_ =	shalt  }
0x68: {  	_ =	shalt  }
0x69: {  	_ =	shalt  }
0x6a: {  	_ =	shalt  }
0x6b: {  	_ =	shalt  }
0x6c: {  	_ =	shalt  }
0x6d: {  	_ =	shalt  }
0x6e: {  	_ =	shalt  }
0x6f: {  	_ =	shalt  }
0x70: {  	_ =	shalt  }
0x71: {  	_ =	shalt  }
0x72: {  	_ =	shalt  }
0x73: {  	_ =	shalt  }
0x74: {  	_ =	shalt  }
0x75: {  	_ =	shalt  }
0x76: {  	_ =	shalt  }
0x77: {  	_ =	shalt  }
0x78: {  	_ =	shalt  }
0x79: {  	_ =	shalt  }
0x7a: {  	_ =	shalt  }
0x7b: {  	_ =	shalt  }
0x7c: {  	_ =	shalt  }
0x7d: {  	_ =	shalt  }
0x7e: {  	_ =	shalt  }
0x7f: {  	_ =	shalt  }
0x80: {  	_ =	shalt  }
0x81: {  	_ =	shalt  }
0x82: {  	_ =	shalt  }
0x83: {  	_ =	shalt  }
0x84: {  	_ =	shalt  }
0x85: {  	_ =	shalt  }
0x86: {  	_ =	shalt  }
0x87: {  	_ =	shalt  }
.Lfunc_end0:
.L_simem_size_0:
called_computation_lowered:
.L_overlay_start_0:
0x88: {  	s2 =	sld [smem:$0x3FD9]  }
0x89: {  	s3 =	sld [smem:$0x3FFE];
	_ =	sdelay $0x1  }
0x8a: {  	s1 =	srdreg.scid  }
0x8b: {  	s0 =	sand.u32 $0x1, s1  }
0x8c: {  	s17 =	sshll.u32 s0, $0xA;
	s2 =	sadd.s32 s3, s2  }
0x8d: {  	s2 =	sadd.s32 s2, s17  }
0x8e: {  	[smem:$0x3FC5] =	sst s2  }
0x8f: {  	_ = 	snop  }
0x90: {  	(tm) =	ssettm $0x1  }
0x91: {  	s18 =	sld [smem:$0x3FFB];
	_ =	sdelay $0x3  }
0x92: {  	_ =	strace s18  }
0x93: {  	s2 =	sld [smem:$0x3FFC];
	_ =	sdelay $0x3  }
0x94: {  	_ =	strace s2  }
0x95: {  	s2 =	sld [smem:$0x3FFD];
	_ =	sdelay $0x3  }
0x96: {  	_ =	strace s2  }
0x97: {  	_ =	strace $0x8FFFFFFF  }
0x98: {  	s19 =	sld [smem:$0x3FDB];
	_ =	sdelay $0x1  }
0x99: {  	s20 =	simm.s32 $_scs_section_size  }
0x9a: {  	s4 =	simm.s32 $_size__tile_overlayer_lowered;
	s5 =	simm.s32 $_tile_overlayer_lowered  }
0x9b: {  	s6 =	simm.s32 $0x1BFF;
	s21 =	sshll.u32 s5, $0x1;
	s3 =	sadd.s32 s20, s19  }
0x9c: {  	s22 =	simm.s32 $0x0;
	s4 =	sshll.u32 s4, $0x1;
	s5 =	sadd.s32 s21, s3  }
0x9d: {  	[timem:s22], [sflag:s6] =	dma.local [hbm:s5], s4  }
0x9e: {  	_ =	swait.ge [sflag:s6], s4  }
0x9f: {  	s4 =	ssub.s32 $0x0, s4;
	[sflag:s6] =	ssyncset.done $0x0  }
0xa0: {  	[sflag:s6] =	ssyncadd.s32 s4;
	_ =	sdelay $0x1  }
0xa1: {  	s23 =	simm.s32 $0x1B8B  }
0xa2: {  	_ =	swait.ge [sflag:s23], $0x1  }
0xa3: {  	[sflag:s23] =	ssyncset.done $0x0  }
0xa4: {  	[sflag:s23] =	ssyncadd.s32 $0xFFFFFFFF  }
0xa5: {  	s4 =	sld [smem:$0x0]  }
0xa6: {  	s5 =	sand.u32 $0xFFFFFFFE, s1  }
0xa7: {  	p0 =	sne.s32 s1, s5  }
0xa8: {  	s5 =	sshll.u32 @p0 s5, $0xE  }
0xa9: {  	s5 =	sadd.s32 @p0 $0x11B8D, s5;
	s6 =	sshll.u32 @p0 s4, $0x11  }
0xaa: {  	s5 =	sor.u32 @p0 s6, s5  }
0xab: {  	[sflag:s5] =	ssyncadd.remote.s32 @p0 $0x1;
	_ =	sdelay $0x1  }
0xac: {  	s5 =	simm.s32 @p0 $0x1B8D  }
0xad: {  	_ =	swait.eq @p0 [sflag:s5], $0x1  }
0xae: {  	[sflag:s5] =	ssyncadd.s32 @p0 $0xFFFFFFFF  }
0xaf: {  	s6 =	sshll.u32 @!p0 s1, $0xE  }
0xb0: {  	s6 =	sor.u32 @!p0 $0x4000, s6;
	s5 =	simm.s32 @!p0 $0x1B8D  }
0xb1: {  	s4 =	sshll.u32 @!p0 s4, $0x11;
	s6 =	sadd.s32 @!p0 $0x11B8D, s6;
	_ =	swait.eq @!p0 [sflag:s5], $0x1  }
0xb2: {  	s4 =	sor.u32 @!p0 s4, s6;
	[sflag:s5] =	ssyncadd.s32 @!p0 $0xFFFFFFFF  }
0xb3: {  	s25 =	simm.s32 $0x1B8E;
	s24 =	sld [smem:$0x3FFE];
	[sflag:s4] =	ssyncadd.remote.s32 @!p0 $0x1  }
0xb4: {  	s26 =	simm.s32 $execute0_lowered;
	[smem:$0x3FD2] =	sst s25  }
0xb5: {  	s5 =	sshll.u32 s26, $0x1;
	_ =	strace $0x80000049;
	[dreg:$0x1] =	wrdreg $0xFFFFFFFF  }
0xb6: {  	s28 =	simm.s32 $_size_execute0_lowered;
	s3 =	sadd.s32 s3, s5;
	[dreg:$0x0] =	wrdreg $0x0  }
0xb7: {  	s5 =	sshll.u32 s28, $0x1;
	[dreg:$0x2] =	wrdreg s3  }
0xb8: {  	[dreg:$0x3] =	wrdreg s5  }
0xb9: {  	[dreg:$0x4] =	wrdreg $0xC0  }
0xba: {  	_ =	task [dreg:s22], $0x5FFFF  }
0xbb: {  	[dreg:$0x1] =	wrdreg $0xFFFFFFFF  }
0xbc: {  	[dreg:$0x0] =	wrdreg $0x60  }
0xbd: {  	[dreg:$0x2] =	wrdreg s24  }
0xbe: {  	[dreg:$0x3] =	wrdreg $0x81000  }
0xbf: {  	[dreg:$0x4] =	wrdreg $0x9  }
0xc0: {  	_ =	task.clear_ibuf [dreg:s22], $0x5FFFF;
	_ =	strace $0x90000049  }
0xc1: {  	s29 =	simm.s32 $0x9;
	_ =	strace $0x8000004B  }
0xc2: {  	_ =	swait.ge [sflag:s29], $0x1  }
0xc3: {  	[sflag:s29] =	ssyncadd.s32 $0xFFFFFFFF  }
0xc4: {  	_ =	strace $0x9000004B  }
0xc5: {  	_ =	sfence  }
0xc6: {  	s30 =	sld [smem:$0x0];
	_ =	sdelay $0x2  }
0xc7: {  	s31 =	sshll.u32 s1, $0xD;
	s1 =	sshrl.u32 s1, $0x2  }
0xc8: {  	s4 =	sand.u32 $0x4000, s31;
	s1 =	sadd.s32 s1, s30  }
0xc9: {  	s0 =	sor.u32 s4, s0;
	s1 =	sshll.u32 s1, $0x11  }
0xca: {  	s0 =	sor.u32 s1, s0  }
0xcb: {  	s0 =	sadd.s32 $0x8F2B, s0  }
0xcc: {  	[sflag:s0] =	ssyncadd.remote.s32 $0x1  }
0xcd: {  	_ =	sfence.sel $0xFFFF  }
0xce: {  	[dreg:$0x0] =	wrdreg $0xFFFFFFFF;
	(pc) =	sbr.abs _section_cstart, $3  }
0xcf: {  	[dreg:$0x1] =	wrdreg $0xFFFFFFFF  }
0xd0: {  	_ =	task.clear_ibuf [dreg:s22], $0x2FFFF;
	_ =	strace $0x9FFFFFFF  }
0xd1: {  	(tm) =	ssettm $0x7FFFFFFF  }
tec
execute0_lowered:
.L_overlay_start_1:
0x0: {  	(tag) =	ssettag $0x1  }
0x1: {  	s4 =	rddreg [dreg:$0x0]  }
0x2: {  	s2 =	rddreg [dreg:$0x1]  }
0x3: {  	s3 =	simm.s32 $0x0;
	s1 =	stileid.u32;
	s6 =	srdreg.scid  }
0x4: {  	s19 =	simm.s32 $0x1;
	s20 =	simm.s32 $0x100;
	s21 =	simm.s32 $0x2  }
0x5: {  	s22 =	simm.s32 $0x4100;
	s23 =	simm.s32 $0x3;
	s24 =	simm.s32 $0x5  }
0x6: {  	s25 =	simm.s32 $0x4;
	s28 =	simm.s32 $0x0;
	s5 =	smul.u32 $0x2800, s1  }
0x7: {  	[smem:$0x7FF] =	sst s3;
	s12 =	sadd.s32 $0x2A9800, s4;
	s7 =	smul.u32 $0x50000, s1  }
0x8: {  	s13 =	sand.u32 $0x1, s6;
	s26 =	sshll.u32 s1, $0x1;
	s11 =	smul.u32 $0x50, s1  }
0x9: {  	s14 =	sadd.s32 $0x2AE800, s4;
	s30 =	sshll.u32 s1, $0x6;
	s17 =	smul.u32 $0x28000, s1  }
0xa: {  	_ =	strace $0x8000004A;
	s29 =	ssub.s32 $0x2, s13;
	s15 =	smul.u32 $0x28, s13  }
0xb: {  	s6 =	sor.u32 s13, s26;
	s13 =	smul.u32 $0x14000, s13;
	s26 =	simm.s32 $0x6  }
0xc: {  	s5 =	sadd.s32 s5, s4;
	s8 =	sshrl.u32 s29, $0x1;
	s9 =	smul.u32 $0x280, s6  }
0xd: {  	s7 =	sshrl.u32 s7, $0x2;
	s6 =	smul.u32 $0x14000, s6;
	s17 =	sadd.s32 s17, s14  }
0xe: {  	s10 =	ssub.s32 s29, s8;
	s16 =	sadd.s32 s7, s2;
	s4 =	sadd.s32 $0x1800, s5  }
0xf: {  	s7 =	sor.u32 $0x1C07, s30;
	s15 =	sadd.s32 s15, s11;
	s31 =	sadd.s32 s13, s17  }
0x10: {  	s17 =	simm.s32 $0x7;
	s5 =	sadd.s32 s12, s9;
	s6 =	sadd.s32 s14, s6  }
.Ltmp0:
0x11: {  	s10 =	smax.u32 s10, $0x1;
	s18 =	sshll.u32 s15, $0x4;
	(pc) =	sbr.rel .LBB2_1-.Ltmp0, $4  }
0x12: {  	s15 =	sshll.u32 s15, $0xB;
	s16 =	sshrl.u32 s16, $0x3;
	s8 =	sadd.s32 $0x10, s5  }
0x13: {  	s9 =	sadd.s32 $0x13800, s6;
	s11 =	sadd.s32 $0x20, s5;
	s18 =	sadd.s32 s18, s12  }
0x14: {  	s14 =	sadd.s32 s15, s14;
	s15 =	sadd.s32 $0x1000, s31;
	s12 =	sadd.s32 $0x40, s18  }
0x15: {  	s13 =	sadd.s32 $0x30, s18;
	s14 =	sadd.s32 $0x800, s14;
	s18 =	simm.s32 $0x80  }
.LBB2_4:
0x16: {  	_ =	swait.ge [sflag:s25], $0x2000  }
0x17: {  	[sflag:s25] =	ssyncset.done $0x0  }
0x18: {  	s28 =	sadd.s32 $0x1, s28;
	[sflag:s25] =	ssyncadd.s32 $0xFFFFE000  }
0x19: {  	[hbm4b:s9+s3] =	stream.linear.scatter [tilespmem:s22], [sflag:$0x6], $0x4000, $0x38;
	[tilespmem:$0x12100] =	vst v63  }
0x1a: {  	p0 =	sne.s32 s28, s10;
	_ =	swait.ge [sflag:s24], $0x4000  }
.Ltmp1:
0x1b: {  	[sflag:s24] =	ssyncset.done $0x0;
	(pc) =	sbr.rel @!p0 .LBB2_5-.Ltmp1, $4  }
0x1c: {  	[sflag:s24] =	ssyncadd.s32 $0xFFFFC000  }
0x1d: {  	_ =	swait.ge [sflag:s26], $0x4000  }
0x1e: {  	[sflag:s26] =	ssyncset.done $0x0  }
0x1f: {  	[sflag:s26] =	ssyncadd.s32 $0xFFFFC000  }
.LBB2_1:
0x20: {  	[spmem:s16], [sflag:s7] =	dma.local [hbm:s4], $0x2800  }
0x21: {  	_ =	swait.ge [sflag:s17], $0x2800  }
0x22: {  	[sflag:s17] =	ssyncset.done $0x0  }
0x23: {  	[sflag:s17] =	ssyncadd.s32 $0xFFFFD800  }
0x24: {  	[bflag:$0x0] =	sbarrier.arrive $0xFFFF  }
0x25: {  	[tilespmem:s3], [sflag:$0x1] =	stream.linear.gather [hbm4b:s5+s3], $0x80, $0x38;
	[tilespmem:$0x12100] =	vst v63  }
0x26: {  	_ = 	snop  }
0x27: {  	[tilespmem:s18], [sflag:$0x2] =	stream.linear.gather [hbm4b:s8+s3], $0x80, $0x38;
	[tilespmem:$0x12100] =	vst v63  }
0x28: {  	_ =	swait.ge [sflag:s19], $0x80  }
0x29: {  	[sflag:s19] =	ssyncset.done $0x0  }
0x2a: {  	[sflag:s19] =	ssyncadd.s32 $0xFFFFFF80  }
0x2b: {  	[tilespmem:s20], [sflag:$0x3] =	stream.indirect.gather [spmem:s2], $0x40, s3, s18, $0xb8;
	[tilespmem:$0x12100] =	vst v63  }
0x2c: {  	_ =	swait.ge [sflag:s21], $0x80  }
0x2d: {  	[sflag:s21] =	ssyncset.done $0x0  }
0x2e: {  	[sflag:s21] =	ssyncadd.s32 $0xFFFFFF80  }
0x2f: {  	[tilespmem:s22], [sflag:$0x4] =	stream.indirect.gather [spmem:s2], $0x40, s18, s18, $0xb8;
	[tilespmem:$0x12100] =	vst v63  }
0x30: {  	_ =	swait.ge [sflag:s23], $0x2000  }
0x31: {  	[sflag:s23] =	ssyncset.done $0x0  }
0x32: {  	[sflag:s23] =	ssyncadd.s32 $0xFFFFE000  }
0x33: {  	[hbm4b:s6+s3] =	stream.linear.scatter [tilespmem:s20], [sflag:$0x5], $0x4000, $0x38;
	[tilespmem:$0x12100] =	vst v63  }
0x34: {  	s29 =	smov.u32 s15;
	s30 =	smov.u32 s14;
	s31 =	simm.s32 $0x0  }
0x35: {  	[tilespmem:s3], [sflag:$0x1] =	stream.linear.gather [hbm4b:s11+s3], $0x80, $0x38;
	[tilespmem:$0x12100] =	vst v63  }
.LBB2_2:
0x36: {  	_ =	swait.ge [sflag:s24], $0x4000  }
0x37: {  	[sflag:s24] =	ssyncset.done $0x0  }
0x38: {  	[sflag:s24] =	ssyncadd.s32 $0xFFFFC000  }
0x39: {  	_ =	swait.ge [sflag:s19], $0x80  }
0x3a: {  	[sflag:s19] =	ssyncset.done $0x0  }
0x3b: {  	[sflag:s19] =	ssyncadd.s32 $0xFFFFFF80  }
0x3c: {  	[tilespmem:s20], [sflag:$0x3] =	stream.indirect.gather [spmem:s2], $0x40, s3, s18, $0xb8;
	[tilespmem:$0x12100] =	vst v63  }
0x3d: {  	_ =	swait.ge [sflag:s25], $0x2000  }
0x3e: {  	[sflag:s25] =	ssyncset.done $0x0  }
0x3f: {  	[sflag:s25] =	ssyncadd.s32 $0xFFFFE000  }
0x40: {  	[hbm4b:s30+s3] =	stream.linear.scatter [tilespmem:s22], [sflag:$0x6], $0x4000, $0x38;
	[tilespmem:$0x12100] =	vst v63  }
0x41: {  	s0 =	sadd.s32 s31, s13  }
0x42: {  	[tilespmem:s18], [sflag:$0x2] =	stream.linear.gather [hbm4b:s0+s3], $0x80, $0x38;
	[tilespmem:$0x12100] =	vst v63  }
0x43: {  	_ =	swait.ge [sflag:s26], $0x4000  }
0x44: {  	[sflag:s26] =	ssyncset.done $0x0  }
0x45: {  	[sflag:s26] =	ssyncadd.s32 $0xFFFFC000  }
0x46: {  	_ =	swait.ge [sflag:s21], $0x80  }
0x47: {  	[sflag:s21] =	ssyncset.done $0x0  }
0x48: {  	p0 =	seq.s32 s31, $0x240;
	[sflag:s21] =	ssyncadd.s32 $0xFFFFFF80  }
0x49: {  	[tilespmem:s22], [sflag:$0x4] =	stream.indirect.gather [spmem:s2], $0x40, s18, s18, $0xb8;
	[tilespmem:$0x12100] =	vst v63  }
.Ltmp2:
0x4a: {  	_ = 	snop;
	(pc) =	sbr.rel @p0 .LBB2_4-.Ltmp2, $4  }
0x4b: {  	_ =	swait.ge [sflag:s23], $0x2000  }
0x4c: {  	[sflag:s23] =	ssyncset.done $0x0  }
0x4d: {  	[sflag:s23] =	ssyncadd.s32 $0xFFFFE000  }
0x4e: {  	[hbm4b:s29+s3] =	stream.linear.scatter [tilespmem:s20], [sflag:$0x5], $0x4000, $0x38;
	[tilespmem:$0x12100] =	vst v63  }
.Ltmp3:
0x4f: {  	(pc) =	sbr.rel .LBB2_2-.Ltmp3, $4  }
0x50: {  	_ = 	snop  }
0x51: {  	s0 =	sadd.s32 s31, s12  }
0x52: {  	s31 =	sadd.s32 $0x20, s31;
	s30 =	sadd.s32 $0x1000, s30;
	s29 =	sadd.s32 $0x1000, s29  }
0x53: {  	[tilespmem:s3], [sflag:$0x1] =	stream.linear.gather [hbm4b:s0+s3], $0x80, $0x38;
	[tilespmem:$0x12100] =	vst v63  }
.LBB2_5:
0x54: {  	_ =	sfence.sel $0x180000  }
0x55: {  	[bflag:$0x0] =	sbarrier.arrive $0xFFFF  }
0x56: {  	_ =	strace $0x9000004A  }
0x57: {  	[bflag:$0x2] =	sbarrier.arrive $0xFFFF  }
0x58: {  	p0 =	sne.s32 s1, $0x0;
	s0 =	rddreg [dreg:$0x2]  }
0x59: {  	s0 =	sadd.s32 @!p0 $0x100000, s0  }
0x5a: {  	[sflag:s0] =	ssyncadd.tile.s32 @!p0 $0x1;
	_ =	shalt  }
.Lfunc_end2:
_tile_overlayer_lowered:
.L_overlay_start_2:
0x5b: {  	(tag) =	ssettag $0x2  }
0x5c: {  	s0 =	rddreg [dreg:$0x0];
	s2 =	stileid.u32  }
0x5d: {  	s1 =	rddreg [dreg:$0x1];
	p0 =	sne.s32 s2, $0x0  }
0x5e: {  	s3 =	rddreg [dreg:$0x2];
	[bflag:$0x3] =	sbarrier.arrive $0xFFFF;
	s2 =	simm.s32 @!p0 $0x1C07  }
0x5f: {  	[timem:s3], [sflag:s2] =	dma.local @!p0 [hbm:s0], s1  }
0x60: {  	s0 =	simm.s32 @!p0 $0x7  }
0x61: {  	_ =	swait.ge @!p0 [sflag:s0], s1  }
0x62: {  	s1 =	ssub.s32 @!p0 $0x0, s1;
	[sflag:s0] =	ssyncset.done @!p0 $0x0  }
0x63: {  	[sflag:s0] =	ssyncadd.s32 @!p0 s1  }
0x64: {  	[bflag:$0x3] =	sbarrier.arrive $0xFFFF  }
0x65: {  	_ =	shalt  }

// kernel: kernel.9.cloned.1.call-start
scs
__scs_entry_jumppad:
0x0: {  	(pc) =	sbr.rel $0x88, $3  }
0x1: {  	(tag) =	ssettag $0x0;
	lr =	simm.s32 $0x1  }
0x2: {  	[smem:$0x3F9E] =	sst lr;
	_ =	strace $0xD0000000  }
0x3: {  	_ = 	snop  }
0x4: {  	_ = 	snop  }
0x5: {  	_ = 	snop  }
0x6: {  	_ = 	snop  }
0x7: {  	_ = 	snop  }
__scs_overlays_trampoline_lowered:
0x8: {  	[smem:$0x3FAD] =	sst s0  }
0x9: {  	[smem:$0x3FAE] =	sst s1  }
0xa: {  	[smem:$0x3FAF] =	sst s2  }
0xb: {  	[smem:$0x3FB0] =	sst s3  }
0xc: {  	[smem:$0x3FB1] =	sst s4  }
0xd: {  	[smem:$0x3FB2] =	sst s5  }
0xe: {  	[smem:$0x3FB3] =	sst s6  }
0xf: {  	[smem:$0x3FB4] =	sst s7  }
0x10: {  	[smem:$0x3FB5] =	sst s8  }
0x11: {  	[smem:$0x3FB6] =	sst s9;
	s0 =	simm.s32 @!p0 $0x0  }
0x12: {  	s1 =	sld [smem:$0x3F9C];
	s0 =	simm.s32 @p0 $0x1  }
0x13: {  	[smem:$0x3FB7] =	sst s0;
	s0 =	simm.s32 @!p1 $0x0  }
0x14: {  	s2 =	sld [smem:$0x3F9B];
	s0 =	simm.s32 @p1 $0x1  }
0x15: {  	[smem:$0x3FB8] =	sst s0;
	s0 =	simm.s32 @!p2 $0x0  }
0x16: {  	s3 =	sld [smem:$0x3FDB];
	s0 =	simm.s32 @p2 $0x1  }
0x17: {  	s4 =	simm.s32 $0x1BF5;
	[smem:$0x3FBA] =	sst s0  }
0x18: {  	s0 =	sld [smem:$0x3F9D];
	_ =	swait.ge [sflag:s4], $0x0  }
0x19: {  	s7 =	sld [smem:$0x3F9E]  }
0x1a: {  	s8 =	sadd.s32 $0xFFFFE003, lr  }
0x1b: {  	s9 =	sadd.s32 $0xFFFFFEF7, lr;
	s5 =	simm.s32 $0xFFFFFFFF;
	p2 =	slt.u32 s8, $0xFFFFF086  }
0x1c: {  	p1 =	slt.u32 s9, $0xF7A;
	s5 =	simm.s32 @!p2 $0x0  }
0x1d: {  	s5 =	simm.s32 @p1 $0x1;
	p0 =	seq.s32 s7, s2  }
0x1e: {  	s7 =	smul.u32 @!p0 $0xF7A, s2;
	p2 =	seq.s32 @!p0 s5, $0x0  }
0x1f: {  	s9 =	smul.u32 $0xF7A, s1;
	s8 =	simm.s32 @!p0 $0x1BF5;
	p2 =	por !p2, p0  }
0x20: {  	[sflag:s8] =	ssyncset.s32 @!p0 $0xFFFFF086;
	s6 =	sadd.s32 @!p0 s3, s7;
	s7 =	simm.s32 @!p0 $0x108  }
0x21: {  	s3 =	sadd.s32 s3, s9;
	s6 =	sadd.s32 @!p0 $0x88, s6;
	s7 =	simm.s32 @p2 $0x1082  }
0x22: {  	[simem:s7], [sflag:s8] =	dma.local @!p0 [hbm:s6], $0xF7A  }
0x23: {  	s9 =	sor.u32 $0xD0000000, s2;
	s6 =	simm.s32 $0x108;
	_ =	swait.ge @!p0 [sflag:s8], $0x0  }
0x24: {  	s3 =	sadd.s32 $0x88, s3;
	s6 =	simm.s32 @!p1 $0x1082;
	[sflag:s4] =	ssyncset.s32 $0xFFFFF086  }
0x25: {  	[simem:s6], [sflag:s4] =	dma.local [hbm:s3], $0xF7A  }
0x26: {  	[smem:$0x3F9E] =	sst s1;
	(tag) =	ssettag s2;
	_ =	strace s9  }
0x27: {  	s1 =	sld [smem:$0x3FAE]  }
0x28: {  	s2 =	sld [smem:$0x3FAF]  }
0x29: {  	s4 =	sld [smem:$0x3FB1]  }
0x2a: {  	p0 =	seq.s32 s5, $0x0;
	s5 =	sld [smem:$0x3FB2]  }
0x2b: {  	s6 =	sld [smem:$0x3FB3]  }
0x2c: {  	s7 =	sld [smem:$0x3FB4]  }
0x2d: {  	s3 =	simm.s32 $0x108;
	s8 =	sld [smem:$0x3FB5]  }
0x2e: {  	s3 =	simm.s32 @!p0 $0x1082;
	s9 =	sld [smem:$0x3FB6]  }
0x2f: {  	lr =	sadd.s32 s0, s3;
	s0 =	sld [smem:$0x3FAD]  }
0x30: {  	s3 =	sld [smem:$0x3FB0]  }
0x31: {  	[smem:$0x3FB9] =	sst s10  }
0x32: {  	s10 =	sld [smem:$0x3FB7];
	_ =	sdelay $0x3  }
0x33: {  	p0 =	seq.s32 s10, $0x1;
	s10 =	sld [smem:$0x3FB9];
	_ =	sdelay $0x3  }
0x34: {  	[smem:$0x3FB9] =	sst s10  }
0x35: {  	s10 =	sld [smem:$0x3FB8];
	_ =	sdelay $0x3  }
0x36: {  	p1 =	seq.s32 s10, $0x1;
	s10 =	sld [smem:$0x3FB9];
	_ =	sdelay $0x3  }
0x37: {  	[smem:$0x3FB9] =	sst s10  }
0x38: {  	s10 =	sld [smem:$0x3FBA]  }
0x39: {  	_ = 	snop;
	(pc) =	sbr.ind lr, $3  }
0x3a: {  	_ = 	snop  }
0x3b: {  	_ = 	snop  }
0x3c: {  	p2 =	seq.s32 s10, $0x1;
	s10 =	sld [smem:$0x3FB9]  }
0x3d: {  	_ =	shalt  }
0x3e: {  	_ =	shalt  }
0x3f: {  	_ =	shalt  }
0x40: {  	_ =	shalt  }
0x41: {  	_ =	shalt  }
0x42: {  	_ =	shalt  }
0x43: {  	_ =	shalt  }
0x44: {  	_ =	shalt  }
0x45: {  	_ =	shalt  }
0x46: {  	_ =	shalt  }
0x47: {  	_ =	shalt  }
0x48: {  	_ =	shalt  }
0x49: {  	_ =	shalt  }
0x4a: {  	_ =	shalt  }
0x4b: {  	_ =	shalt  }
0x4c: {  	_ =	shalt  }
0x4d: {  	_ =	shalt  }
0x4e: {  	_ =	shalt  }
0x4f: {  	_ =	shalt  }
0x50: {  	_ =	shalt  }
0x51: {  	_ =	shalt  }
0x52: {  	_ =	shalt  }
0x53: {  	_ =	shalt  }
0x54: {  	_ =	shalt  }
0x55: {  	_ =	shalt  }
0x56: {  	_ =	shalt  }
0x57: {  	_ =	shalt  }
0x58: {  	_ =	shalt  }
0x59: {  	_ =	shalt  }
0x5a: {  	_ =	shalt  }
0x5b: {  	_ =	shalt  }
0x5c: {  	_ =	shalt  }
0x5d: {  	_ =	shalt  }
0x5e: {  	_ =	shalt  }
0x5f: {  	_ =	shalt  }
0x60: {  	_ =	shalt  }
0x61: {  	_ =	shalt  }
0x62: {  	_ =	shalt  }
0x63: {  	_ =	shalt  }
0x64: {  	_ =	shalt  }
0x65: {  	_ =	shalt  }
0x66: {  	_ =	shalt  }
0x67: {  	_ =	shalt  }
0x68: {  	_ =	shalt  }
0x69: {  	_ =	shalt  }
0x6a: {  	_ =	shalt  }
0x6b: {  	_ =	shalt  }
0x6c: {  	_ =	shalt  }
0x6d: {  	_ =	shalt  }
0x6e: {  	_ =	shalt  }
0x6f: {  	_ =	shalt  }
0x70: {  	_ =	shalt  }
0x71: {  	_ =	shalt  }
0x72: {  	_ =	shalt  }
0x73: {  	_ =	shalt  }
0x74: {  	_ =	shalt  }
0x75: {  	_ =	shalt  }
0x76: {  	_ =	shalt  }
0x77: {  	_ =	shalt  }
0x78: {  	_ =	shalt  }
0x79: {  	_ =	shalt  }
0x7a: {  	_ =	shalt  }
0x7b: {  	_ =	shalt  }
0x7c: {  	_ =	shalt  }
0x7d: {  	_ =	shalt  }
0x7e: {  	_ =	shalt  }
0x7f: {  	_ =	shalt  }
0x80: {  	_ =	shalt  }
0x81: {  	_ =	shalt  }
0x82: {  	_ =	shalt  }
0x83: {  	_ =	shalt  }
0x84: {  	_ =	shalt  }
0x85: {  	_ =	shalt  }
0x86: {  	_ =	shalt  }
0x87: {  	_ =	shalt  }
.Lfunc_end0:
.L_simem_size_0:
called_computation.1_lowered:
.L_overlay_start_0:
0x88: {  	s2 =	sld [smem:$0x3FD9]  }
0x89: {  	s3 =	sld [smem:$0x3FFE];
	_ =	sdelay $0x1  }
0x8a: {  	s1 =	srdreg.scid  }
0x8b: {  	s0 =	sand.u32 $0x1, s1  }
0x8c: {  	s17 =	sshll.u32 s0, $0xA;
	s2 =	sadd.s32 s3, s2  }
0x8d: {  	s2 =	sadd.s32 s2, s17  }
0x8e: {  	[smem:$0x3FC5] =	sst s2  }
0x8f: {  	_ = 	snop  }
0x90: {  	s2 =	sld [smem:$0x3FD0];
	(tm) =	ssettm $0x1  }
0x91: {  	s18 =	sld [smem:$0x3FFB];
	_ =	sdelay $0x3  }
0x92: {  	_ =	strace s18  }
0x93: {  	s3 =	sld [smem:$0x3FFC];
	_ =	sdelay $0x3  }
0x94: {  	_ =	strace s3  }
0x95: {  	s3 =	sld [smem:$0x3FFD];
	_ =	sdelay $0x3  }
0x96: {  	_ =	strace s3  }
0x97: {  	_ =	strace $0x8FFFFFFF  }
0x98: {  	s19 =	sld [smem:$0x3FDB];
	_ =	sdelay $0x1  }
0x99: {  	s4 =	simm.s32 $_scs_section_size  }
0x9a: {  	s5 =	simm.s32 $_size__tile_overlayer_lowered;
	s6 =	simm.s32 $_tile_overlayer_lowered  }
0x9b: {  	s22 =	simm.s32 $0x1BFF;
	s21 =	sshll.u32 s6, $0x1;
	s3 =	sadd.s32 s4, s19  }
0x9c: {  	s7 =	simm.s32 $0x0;
	s20 =	sshll.u32 s5, $0x1;
	s5 =	sadd.s32 s21, s3  }
0x9d: {  	[timem:s7], [sflag:s22] =	dma.local [hbm:s5], s20  }
0x9e: {  	_ =	swait.ge [sflag:s22], s20  }
0x9f: {  	s4 =	ssub.s32 $0x0, s20;
	[sflag:s22] =	ssyncset.done $0x0  }
0xa0: {  	[sflag:s22] =	ssyncadd.s32 s4;
	_ =	sdelay $0x1  }
0xa1: {  	s23 =	simm.s32 $0x1B8B  }
0xa2: {  	_ =	swait.ge [sflag:s23], $0x1  }
0xa3: {  	[sflag:s23] =	ssyncset.done $0x0  }
0xa4: {  	s25 =	simm.s32 $0x1B8E;
	s24 =	sld [smem:$0x3FFE];
	[sflag:s23] =	ssyncadd.s32 $0xFFFFFFFF  }
0xa5: {  	s26 =	simm.s32 $execute0_lowered;
	[smem:$0x3FD2] =	sst s25  }
0xa6: {  	s5 =	sshll.u32 s26, $0x1;
	_ =	strace $0x80000046;
	[dreg:$0x1] =	wrdreg $0xFFFFFFFF  }
0xa7: {  	s28 =	simm.s32 $_size_execute0_lowered;
	s3 =	sadd.s32 s3, s5;
	[dreg:$0x0] =	wrdreg $0x0  }
0xa8: {  	s5 =	sshll.u32 s28, $0x1;
	[dreg:$0x2] =	wrdreg s3  }
0xa9: {  	[dreg:$0x3] =	wrdreg s5  }
0xaa: {  	[dreg:$0x4] =	wrdreg $0xC0  }
0xab: {  	_ =	task [dreg:s7], $0x5FFFF  }
0xac: {  	[dreg:$0x1] =	wrdreg $0xFFFFFFFF  }
0xad: {  	[dreg:$0x0] =	wrdreg $0x60  }
0xae: {  	[dreg:$0x2] =	wrdreg s24  }
0xaf: {  	[dreg:$0x3] =	wrdreg s2  }
0xb0: {  	[dreg:$0x4] =	wrdreg $0x81000  }
0xb1: {  	[dreg:$0x5] =	wrdreg $0xA  }
0xb2: {  	_ =	task.clear_ibuf [dreg:s7], $0x6FFFF;
	_ =	strace $0x90000046  }
0xb3: {  	s29 =	simm.s32 $0xA;
	_ =	strace $0x80000048  }
0xb4: {  	_ =	swait.ge [sflag:s29], $0x1  }
0xb5: {  	[sflag:s29] =	ssyncadd.s32 $0xFFFFFFFF  }
0xb6: {  	_ =	strace $0x90000048  }
0xb7: {  	_ =	sfence  }
0xb8: {  	s30 =	sld [smem:$0x0];
	_ =	sdelay $0x2  }
0xb9: {  	s31 =	sshll.u32 s1, $0xD;
	s1 =	sshrl.u32 s1, $0x2  }
0xba: {  	s3 =	sand.u32 $0x4000, s31;
	s1 =	sadd.s32 s1, s30  }
0xbb: {  	s0 =	sor.u32 s3, s0;
	s1 =	sshll.u32 s1, $0x11  }
0xbc: {  	s0 =	sor.u32 s1, s0  }
0xbd: {  	s0 =	sadd.s32 $0x8F2B, s0  }
0xbe: {  	[sflag:s0] =	ssyncadd.remote.s32 $0x1  }
0xbf: {  	_ =	sfence.sel $0xFFFF  }
0xc0: {  	[dreg:$0x0] =	wrdreg $0xFFFFFFFF;
	(pc) =	sbr.abs _section_cstart, $3  }
0xc1: {  	[dreg:$0x1] =	wrdreg $0xFFFFFFFF  }
0xc2: {  	_ =	task.clear_ibuf [dreg:s7], $0x2FFFF;
	_ =	strace $0x9FFFFFFF  }
0xc3: {  	(tm) =	ssettm $0x7FFFFFFF  }
tec
execute0_lowered:
.L_overlay_start_1:
0x0: {  	(tag) =	ssettag $0x1  }
0x1: {  	s4 =	rddreg [dreg:$0x0]  }
0x2: {  	s12 =	rddreg [dreg:$0x1]  }
0x3: {  	s2 =	rddreg [dreg:$0x2];
	s1 =	stileid.u32;
	s3 =	simm.s32 $0x0  }
0x4: {  	s6 =	srdreg.scid;
	s19 =	simm.s32 $0x1;
	s20 =	simm.s32 $0x100  }
0x5: {  	s21 =	simm.s32 $0x2;
	s22 =	simm.s32 $0x4100;
	s23 =	simm.s32 $0x3  }
0x6: {  	s24 =	simm.s32 $0x5;
	s25 =	simm.s32 $0x4;
	s5 =	smul.u32 $0x2800, s1  }
0x7: {  	s28 =	simm.s32 $0x0;
	[smem:$0x7FF] =	sst s3;
	s7 =	smul.u32 $0x50000, s1  }
0x8: {  	s13 =	sand.u32 $0x1, s6;
	s26 =	sshll.u32 s1, $0x1;
	s11 =	smul.u32 $0x50, s1  }
0x9: {  	s14 =	sadd.s32 $0x29800, s4;
	s30 =	sshll.u32 s1, $0x6;
	s17 =	smul.u32 $0x28000, s1  }
0xa: {  	_ =	strace $0x80000047;
	s29 =	ssub.s32 $0x2, s13;
	s15 =	smul.u32 $0x28, s13  }
0xb: {  	s6 =	sor.u32 s13, s26;
	s13 =	smul.u32 $0x14000, s13;
	s26 =	simm.s32 $0x6  }
0xc: {  	s5 =	sadd.s32 s5, s4;
	s8 =	sshrl.u32 s29, $0x1;
	s9 =	smul.u32 $0x280, s6  }
0xd: {  	s7 =	sshrl.u32 s7, $0x2;
	s6 =	smul.u32 $0x14000, s6;
	s17 =	sadd.s32 s17, s14  }
0xe: {  	s10 =	ssub.s32 s29, s8;
	s16 =	sadd.s32 s7, s2;
	s4 =	sadd.s32 $0x1800, s5  }
0xf: {  	s7 =	sor.u32 $0x1C07, s30;
	s15 =	sadd.s32 s15, s11;
	s31 =	sadd.s32 s13, s17  }
0x10: {  	s17 =	simm.s32 $0x7;
	s5 =	sadd.s32 s12, s9;
	s6 =	sadd.s32 s14, s6  }
.Ltmp0:
0x11: {  	s10 =	smax.u32 s10, $0x1;
	s18 =	sshll.u32 s15, $0x4;
	(pc) =	sbr.rel .LBB2_1-.Ltmp0, $4  }
0x12: {  	s15 =	sshll.u32 s15, $0xB;
	s16 =	sshrl.u32 s16, $0x3;
	s8 =	sadd.s32 $0x10, s5  }
0x13: {  	s9 =	sadd.s32 $0x13800, s6;
	s11 =	sadd.s32 $0x20, s5;
	s18 =	sadd.s32 s18, s12  }
0x14: {  	s14 =	sadd.s32 s15, s14;
	s15 =	sadd.s32 $0x1000, s31;
	s12 =	sadd.s32 $0x40, s18  }
0x15: {  	s13 =	sadd.s32 $0x30, s18;
	s14 =	sadd.s32 $0x800, s14;
	s18 =	simm.s32 $0x80  }
.LBB2_4:
0x16: {  	_ =	swait.ge [sflag:s25], $0x2000  }
0x17: {  	[sflag:s25] =	ssyncset.done $0x0  }
0x18: {  	s28 =	sadd.s32 $0x1, s28;
	[sflag:s25] =	ssyncadd.s32 $0xFFFFE000  }
0x19: {  	[hbm4b:s9+s3] =	stream.linear.scatter [tilespmem:s22], [sflag:$0x6], $0x4000, $0x38;
	[tilespmem:$0x12100] =	vst v63  }
0x1a: {  	p0 =	sne.s32 s28, s10;
	_ =	swait.ge [sflag:s24], $0x4000  }
.Ltmp1:
0x1b: {  	[sflag:s24] =	ssyncset.done $0x0;
	(pc) =	sbr.rel @!p0 .LBB2_5-.Ltmp1, $4  }
0x1c: {  	[sflag:s24] =	ssyncadd.s32 $0xFFFFC000  }
0x1d: {  	_ =	swait.ge [sflag:s26], $0x4000  }
0x1e: {  	[sflag:s26] =	ssyncset.done $0x0  }
0x1f: {  	[sflag:s26] =	ssyncadd.s32 $0xFFFFC000  }
.LBB2_1:
0x20: {  	[spmem:s16], [sflag:s7] =	dma.local [hbm:s4], $0x2800  }
0x21: {  	_ =	swait.ge [sflag:s17], $0x2800  }
0x22: {  	[sflag:s17] =	ssyncset.done $0x0  }
0x23: {  	[sflag:s17] =	ssyncadd.s32 $0xFFFFD800  }
0x24: {  	[bflag:$0x0] =	sbarrier.arrive $0xFFFF  }
0x25: {  	[tilespmem:s3], [sflag:$0x1] =	stream.linear.gather [hbm4b:s5+s3], $0x80, $0x38;
	[tilespmem:$0x12100] =	vst v63  }
0x26: {  	_ = 	snop  }
0x27: {  	[tilespmem:s18], [sflag:$0x2] =	stream.linear.gather [hbm4b:s8+s3], $0x80, $0x38;
	[tilespmem:$0x12100] =	vst v63  }
0x28: {  	_ =	swait.ge [sflag:s19], $0x80  }
0x29: {  	[sflag:s19] =	ssyncset.done $0x0  }
0x2a: {  	[sflag:s19] =	ssyncadd.s32 $0xFFFFFF80  }
0x2b: {  	[tilespmem:s20], [sflag:$0x3] =	stream.indirect.gather [spmem:s2], $0x40, s3, s18, $0xb8;
	[tilespmem:$0x12100] =	vst v63  }
0x2c: {  	_ =	swait.ge [sflag:s21], $0x80  }
0x2d: {  	[sflag:s21] =	ssyncset.done $0x0  }
0x2e: {  	[sflag:s21] =	ssyncadd.s32 $0xFFFFFF80  }
0x2f: {  	[tilespmem:s22], [sflag:$0x4] =	stream.indirect.gather [spmem:s2], $0x40, s18, s18, $0xb8;
	[tilespmem:$0x12100] =	vst v63  }
0x30: {  	_ =	swait.ge [sflag:s23], $0x2000  }
0x31: {  	[sflag:s23] =	ssyncset.done $0x0  }
0x32: {  	[sflag:s23] =	ssyncadd.s32 $0xFFFFE000  }
0x33: {  	[hbm4b:s6+s3] =	stream.linear.scatter [tilespmem:s20], [sflag:$0x5], $0x4000, $0x38;
	[tilespmem:$0x12100] =	vst v63  }
0x34: {  	s29 =	smov.u32 s15;
	s30 =	smov.u32 s14;
	s31 =	simm.s32 $0x0  }
0x35: {  	[tilespmem:s3], [sflag:$0x1] =	stream.linear.gather [hbm4b:s11+s3], $0x80, $0x38;
	[tilespmem:$0x12100] =	vst v63  }
.LBB2_2:
0x36: {  	_ =	swait.ge [sflag:s24], $0x4000  }
0x37: {  	[sflag:s24] =	ssyncset.done $0x0  }
0x38: {  	[sflag:s24] =	ssyncadd.s32 $0xFFFFC000  }
0x39: {  	_ =	swait.ge [sflag:s19], $0x80  }
0x3a: {  	[sflag:s19] =	ssyncset.done $0x0  }
0x3b: {  	[sflag:s19] =	ssyncadd.s32 $0xFFFFFF80  }
0x3c: {  	[tilespmem:s20], [sflag:$0x3] =	stream.indirect.gather [spmem:s2], $0x40, s3, s18, $0xb8;
	[tilespmem:$0x12100] =	vst v63  }
0x3d: {  	_ =	swait.ge [sflag:s25], $0x2000  }
0x3e: {  	[sflag:s25] =	ssyncset.done $0x0  }
0x3f: {  	[sflag:s25] =	ssyncadd.s32 $0xFFFFE000  }
0x40: {  	[hbm4b:s30+s3] =	stream.linear.scatter [tilespmem:s22], [sflag:$0x6], $0x4000, $0x38;
	[tilespmem:$0x12100] =	vst v63  }
0x41: {  	s0 =	sadd.s32 s31, s13  }
0x42: {  	[tilespmem:s18], [sflag:$0x2] =	stream.linear.gather [hbm4b:s0+s3], $0x80, $0x38;
	[tilespmem:$0x12100] =	vst v63  }
0x43: {  	_ =	swait.ge [sflag:s26], $0x4000  }
0x44: {  	[sflag:s26] =	ssyncset.done $0x0  }
0x45: {  	[sflag:s26] =	ssyncadd.s32 $0xFFFFC000  }
0x46: {  	_ =	swait.ge [sflag:s21], $0x80  }
0x47: {  	[sflag:s21] =	ssyncset.done $0x0  }
0x48: {  	p0 =	seq.s32 s31, $0x240;
	[sflag:s21] =	ssyncadd.s32 $0xFFFFFF80  }
0x49: {  	[tilespmem:s22], [sflag:$0x4] =	stream.indirect.gather [spmem:s2], $0x40, s18, s18, $0xb8;
	[tilespmem:$0x12100] =	vst v63  }
.Ltmp2:
0x4a: {  	_ = 	snop;
	(pc) =	sbr.rel @p0 .LBB2_4-.Ltmp2, $4  }
0x4b: {  	_ =	swait.ge [sflag:s23], $0x2000  }
0x4c: {  	[sflag:s23] =	ssyncset.done $0x0  }
0x4d: {  	[sflag:s23] =	ssyncadd.s32 $0xFFFFE000  }
0x4e: {  	[hbm4b:s29+s3] =	stream.linear.scatter [tilespmem:s20], [sflag:$0x5], $0x4000, $0x38;
	[tilespmem:$0x12100] =	vst v63  }
.Ltmp3:
0x4f: {  	(pc) =	sbr.rel .LBB2_2-.Ltmp3, $4  }
0x50: {  	_ = 	snop  }
0x51: {  	s0 =	sadd.s32 s31, s12  }
0x52: {  	s31 =	sadd.s32 $0x20, s31;
	s30 =	sadd.s32 $0x1000, s30;
	s29 =	sadd.s32 $0x1000, s29  }
0x53: {  	[tilespmem:s3], [sflag:$0x1] =	stream.linear.gather [hbm4b:s0+s3], $0x80, $0x38;
	[tilespmem:$0x12100] =	vst v63  }
.LBB2_5:
0x54: {  	_ =	sfence.sel $0x180000  }
0x55: {  	[bflag:$0x0] =	sbarrier.arrive $0xFFFF  }
0x56: {  	_ =	strace $0x90000047  }
0x57: {  	[bflag:$0x2] =	sbarrier.arrive $0xFFFF  }
0x58: {  	p0 =	sne.s32 s1, $0x0;
	s0 =	rddreg [dreg:$0x3]  }
0x59: {  	s0 =	sadd.s32 @!p0 $0x100000, s0  }
0x5a: {  	[sflag:s0] =	ssyncadd.tile.s32 @!p0 $0x1;
	_ =	shalt  }
.Lfunc_end2:
_tile_overlayer_lowered:
.L_overlay_start_2:
0x5b: {  	(tag) =	ssettag $0x2  }
0x5c: {  	s0 =	rddreg [dreg:$0x0];
	s2 =	stileid.u32  }
0x5d: {  	s1 =	rddreg [dreg:$0x1];
	p0 =	sne.s32 s2, $0x0  }
0x5e: {  	s3 =	rddreg [dreg:$0x2];
	[bflag:$0x3] =	sbarrier.arrive $0xFFFF;
	s2 =	simm.s32 @!p0 $0x1C07  }
0x5f: {  	[timem:s3], [sflag:s2] =	dma.local @!p0 [hbm:s0], s1  }
0x60: {  	s0 =	simm.s32 @!p0 $0x7  }
0x61: {  	_ =	swait.ge @!p0 [sflag:s0], s1  }
0x62: {  	s1 =	ssub.s32 @!p0 $0x0, s1;
	[sflag:s0] =	ssyncset.done @!p0 $0x0  }
0x63: {  	[sflag:s0] =	ssyncadd.s32 @!p0 s1  }
0x64: {  	[bflag:$0x3] =	sbarrier.arrive $0xFFFF  }
0x65: {  	_ =	shalt  }

</sc_bundles>
